<compile_context>
chip_gen: v7x
topology: tpu7x:2x2x1
jax: 0.10.2.dev20260603
libtpu: 0.0.44.dev20260713+nightly
codegen_flags: <defaults>
</compile_context>

<pallas_src>
import functools

import jax
import jax.numpy as jnp
from jax import lax
from jax.experimental import pallas as pl
from jax.experimental.pallas import tpu as pltpu
from jax.experimental.pallas import tpu_sc as plsc

_NC = 2
_NS = 16
_NW = _NC * _NS
_L = 16
_NSEM = 4


def _issue_pass(tab_hbm, idx_v, idx_base, buf_v, sems, n_rows):

    def issue(j, carry):
        chunk = idx_v[pl.ds(idx_base + j * _L, _L)]
        for l in range(_L):
            s = chunk[l]
            pltpu.async_copy(tab_hbm.at[s], buf_v.at[j * _L + l],
                             sems[l % _NSEM])
        return carry

    lax.fori_loop(0, n_rows // _L, issue, 0)


def _gather_body(uids_hbm, bids_hbm, utab_hbm, btab_hbm, ue_hbm, be_hbm,
                 uidx_v, bidx_v, buf0_v, buf1_v, sems0, sems1, *, b_per_w):
    wid = lax.axis_index("s") * _NC + lax.axis_index("c")
    base = wid * b_per_w
    half = b_per_w // 2
    pltpu.sync_copy(uids_hbm.at[pl.ds(base, b_per_w)], uidx_v)
    pltpu.sync_copy(bids_hbm.at[pl.ds(base, b_per_w)], bidx_v)
    bufs = (buf0_v, buf1_v)
    semsets = (sems0, sems1)
    passes = [(utab_hbm, uidx_v, ue_hbm, 0), (utab_hbm, uidx_v, ue_hbm, 1),
              (btab_hbm, bidx_v, be_hbm, 0), (btab_hbm, bidx_v, be_hbm, 1)]

    def drain_store(pi):
        tab, _, out_hbm, h = passes[pi]
        buf, sems = bufs[pi % 2], semsets[pi % 2]
        per_sem = half // _NSEM
        for k in range(_NSEM):
            pltpu.make_async_copy(tab.at[pl.ds(0, per_sem)],
                                  buf.at[pl.ds(0, per_sem)], sems[k]).wait()
        pltpu.sync_copy(buf, out_hbm.at[pl.ds(base + h * half, half)])

    for pi, (tab, idxv, _, h) in enumerate(passes):
        _issue_pass(tab, idxv, h * half, bufs[pi % 2], semsets[pi % 2], half)
        if pi >= 1:
            drain_store(pi - 1)
    drain_store(len(passes) - 1)


def _sc_gather(user_ids, book_ids, user_table, book_table):
    batch = user_ids.shape[0]
    embed = user_table.shape[1]
    dt = user_table.dtype
    b_per_w = batch // _NW
    mesh = plsc.VectorSubcoreMesh(core_axis_name="c", subcore_axis_name="s")
    k = pl.kernel(
        functools.partial(_gather_body, b_per_w=b_per_w),
        out_type=[
            jax.ShapeDtypeStruct((batch, embed), dt),
            jax.ShapeDtypeStruct((batch, embed), dt),
        ],
        mesh=mesh,
        scratch_types=[
            pltpu.VMEM((b_per_w,), jnp.int32),
            pltpu.VMEM((b_per_w,), jnp.int32),
            pltpu.VMEM((b_per_w // 2, embed), dt),
            pltpu.VMEM((b_per_w // 2, embed), dt),
            [pltpu.SemaphoreType.DMA] * _NSEM,
            [pltpu.SemaphoreType.DMA] * _NSEM,
        ],
        compiler_params=pltpu.CompilerParams(use_tc_tiling_on_sc=False),
    )
    return k(user_ids, book_ids, user_table, book_table)


def _silu(x):
    return x * (1.0 / (1.0 + jnp.exp(-x)))


def _mlp_body(ue_ref, be_ref, W1_ref, b1_ref, W2_ref, b2_ref, W3_ref, b3_ref,
              o_ref):
    u = ue_ref[...]
    v = be_ref[...]
    W1 = W1_ref[...]
    e = u.shape[1]
    h = jnp.dot(u, W1[:e], preferred_element_type=jnp.float32)
    h += jnp.dot(v, W1[e:], preferred_element_type=jnp.float32)
    h += b1_ref[...]
    h = _silu(h)
    h = jnp.dot(h, W2_ref[...], preferred_element_type=jnp.float32)
    h += b2_ref[...]
    h = _silu(h)
    o = jnp.dot(h, W3_ref[...], preferred_element_type=jnp.float32)
    o += b3_ref[...]
    o_ref[...] = jnp.maximum(o, 0.0)


def _tc_mlp(ue, be, W1, b1, W2, b2, W3, b3):
    batch, embed = ue.shape
    blk = 2048
    grid = (batch // blk,)
    full = lambda shape: pl.BlockSpec(shape, lambda i: (0, 0))
    return pl.pallas_call(
        _mlp_body,
        grid=grid,
        in_specs=[
            pl.BlockSpec((blk, embed), lambda i: (i, 0)),
            pl.BlockSpec((blk, embed), lambda i: (i, 0)),
            full(W1.shape),
            full((1, b1.shape[0])),
            full(W2.shape),
            full((1, b2.shape[0])),
            full(W3.shape),
            full((1, 1)),
        ],
        out_specs=pl.BlockSpec((blk, 1), lambda i: (i, 0)),
        out_shape=jax.ShapeDtypeStruct((batch, 1), jnp.float32),
    )(ue, be, W1, b1.reshape(1, -1), W2, b2.reshape(1, -1), W3,
      b3.reshape(1, 1))


def kernel(user_ids, book_ids, user_table, book_table, W1, b1, W2, b2, W3, b3):
    ue, be = _sc_gather(user_ids.astype(jnp.int32), book_ids.astype(jnp.int32),
                        user_table, book_table)
    return _tc_mlp(ue, be, W1, b1, W2, b2, W3, b3)

# --- scband reference (transcript-rebuilt; emitter-appended) ---
"""Pipeline reference for scband-ncf-15985868276458 (READ-ONLY COPY).

The authoritative reference and input builder live on the scoring server;
editing this copy changes nothing except your own understanding.
"""

import jax, jax.numpy as jnp
import numpy as np

NUM_USERS = 1000000
NUM_BOOKS = 1000000
EMBED = 64
BATCH = 16384


def setup_inputs(seed: int = 0) -> dict:
    key = jax.random.key(seed)
    ks = jax.random.split(key, 10)
    user_ids = jax.random.randint(ks[0], (BATCH,), 0, NUM_USERS)
    book_ids = jax.random.randint(ks[1], (BATCH,), 0, NUM_BOOKS)
    user_table = jax.random.normal(ks[2], (NUM_USERS, EMBED), dtype=jnp.float32)
    book_table = jax.random.normal(ks[3], (NUM_BOOKS, EMBED), dtype=jnp.float32)
    # Linear layers: W stored as (in, out) for x @ W + b
    W1 = jax.random.normal(ks[4], (EMBED * 2, 64), dtype=jnp.float32) * 0.05
    b1 = jnp.zeros((64,), dtype=jnp.float32)
    W2 = jax.random.normal(ks[5], (64, 32), dtype=jnp.float32) * 0.05
    b2 = jnp.zeros((32,), dtype=jnp.float32)
    W3 = jax.random.normal(ks[6], (32, 1), dtype=jnp.float32) * 0.05
    b3 = jnp.zeros((1,), dtype=jnp.float32)
    return {
        "user_ids": user_ids,
        "book_ids": book_ids,
        "user_table": user_table,
        "book_table": book_table,
        "W1": W1, "b1": b1,
        "W2": W2, "b2": b2,
        "W3": W3, "b3": b3,
    }


def reference(user_ids, book_ids, user_table, book_table, W1, b1, W2, b2, W3, b3):
    user_embeds = jnp.take(user_table, user_ids, axis=0)
    book_embeds = jnp.take(book_table, book_ids, axis=0)
    x = jnp.concatenate([user_embeds, book_embeds], axis=1)
    x = x @ W1 + b1
    x = jax.nn.silu(x)
    # dropout is identity in eval mode
    x = x @ W2 + b2
    x = jax.nn.silu(x)
    x = x @ W3 + b3
    x = jax.nn.relu(x)
    return x

if __name__ == "__main__":
    import jax
    _d = setup_inputs()
    print(jax.jit(kernel)(*tuple(_d.values())))

</pallas_src>

<mosaic_0001>
#map = affine_map<(d0, d1) -> (0)>
#map1 = affine_map<(d0, d1) -> (0, 0)>
module attributes {stable_mosaic.version = 14 : i64} {
  func.func @_gather_body(%arg0: i32, %arg1: i32, %arg2: memref<16384xi32, #tpu.memory_space<hbm>>, %arg3: memref<16384xi32, #tpu.memory_space<hbm>>, %arg4: memref<1000000x64xf32, #tpu.memory_space<hbm>>, %arg5: memref<1000000x64xf32, #tpu.memory_space<hbm>>, %arg6: memref<16384x64xf32, #tpu.memory_space<hbm>>, %arg7: memref<16384x64xf32, #tpu.memory_space<hbm>>, %arg8: memref<512xi32, #tpu.memory_space<vmem>>, %arg9: memref<512xi32, #tpu.memory_space<vmem>>, %arg10: memref<256x64xf32, #tpu.memory_space<vmem>>, %arg11: memref<256x64xf32, #tpu.memory_space<vmem>>, %arg12: memref<!tpu.dma_semaphore, #tpu.memory_space<semaphore_mem>>, %arg13: memref<!tpu.dma_semaphore, #tpu.memory_space<semaphore_mem>>, %arg14: memref<!tpu.dma_semaphore, #tpu.memory_space<semaphore_mem>>, %arg15: memref<!tpu.dma_semaphore, #tpu.memory_space<semaphore_mem>>, %arg16: memref<!tpu.dma_semaphore, #tpu.memory_space<semaphore_mem>>, %arg17: memref<!tpu.dma_semaphore, #tpu.memory_space<semaphore_mem>>, %arg18: memref<!tpu.dma_semaphore, #tpu.memory_space<semaphore_mem>>, %arg19: memref<!tpu.dma_semaphore, #tpu.memory_space<semaphore_mem>>) attributes {dimension_semantics = [#tpu.dimension_semantics<core_parallel>, #tpu.dimension_semantics<subcore_parallel>], iteration_bounds = array<i64: 2, 16>, scalar_prefetch = 0 : i64, scratch_operands = 12 : i64, tpu.core_type = #tpu.core_type<sc_vector_subcore>, window_params = [{transform_indices = #map}, {transform_indices = #map}, {transform_indices = #map1}, {transform_indices = #map1}, {transform_indices = #map1}, {transform_indices = #map1}]} {
    %mul3A = arith.constant 2 : i32
    %mul3A_0 = arith.muli %arg1, %mul3A : i32
    %add3A = arith.addi %mul3A_0, %arg0 : i32
    %mul3A_1 = arith.constant 512 : i32
    %mul3A_2 = arith.muli %add3A, %mul3A_1 : i32
    "tpu.region"() ({
      %run_scoped3A = tpu.sem_alloc : memref<!tpu.dma_semaphore, #tpu.memory_space<semaphore_mem>>
      %dma_start3A = tpu.memref_slice %arg2[%mul3A_2] : memref<16384xi32, #tpu.memory_space<hbm>> -> memref<512xi32, #tpu.memory_space<hbm>>
      %dma_start3A_225 = tpu.memref_slice %arg2[%mul3A_2] : memref<16384xi32, #tpu.memory_space<hbm>> -> memref<512xi32, #tpu.memory_space<hbm>>
      tpu.enqueue_dma source(%dma_start3A_225 : memref<512xi32, #tpu.memory_space<hbm>>) target(%arg8 : memref<512xi32, #tpu.memory_space<vmem>>) target_semaphore(%run_scoped3A : memref<!tpu.dma_semaphore, #tpu.memory_space<semaphore_mem>>)
      %dma_wait3A_226 = tpu.memref_slice %arg2[%mul3A_2] : memref<16384xi32, #tpu.memory_space<hbm>> -> memref<512xi32, #tpu.memory_space<hbm>>
      %dma_wait3A_227 = tpu.memref_slice %arg2[%mul3A_2] : memref<16384xi32, #tpu.memory_space<hbm>> -> memref<512xi32, #tpu.memory_space<hbm>>
      tpu.wait_dma2 semaphore(%run_scoped3A : memref<!tpu.dma_semaphore, #tpu.memory_space<semaphore_mem>>) src(%dma_wait3A_227 : memref<512xi32, #tpu.memory_space<hbm>>) dst(%arg8 : memref<512xi32, #tpu.memory_space<vmem>>)
      tpu.yield
    }) : () -> ()
    "tpu.region"() ({
      %run_scoped3A = tpu.sem_alloc : memref<!tpu.dma_semaphore, #tpu.memory_space<semaphore_mem>>
      %dma_start3A = tpu.memref_slice %arg3[%mul3A_2] : memref<16384xi32, #tpu.memory_space<hbm>> -> memref<512xi32, #tpu.memory_space<hbm>>
      %dma_start3A_225 = tpu.memref_slice %arg3[%mul3A_2] : memref<16384xi32, #tpu.memory_space<hbm>> -> memref<512xi32, #tpu.memory_space<hbm>>
      tpu.enqueue_dma source(%dma_start3A_225 : memref<512xi32, #tpu.memory_space<hbm>>) target(%arg9 : memref<512xi32, #tpu.memory_space<vmem>>) target_semaphore(%run_scoped3A : memref<!tpu.dma_semaphore, #tpu.memory_space<semaphore_mem>>)
      %dma_wait3A_226 = tpu.memref_slice %arg3[%mul3A_2] : memref<16384xi32, #tpu.memory_space<hbm>> -> memref<512xi32, #tpu.memory_space<hbm>>
      %dma_wait3A_227 = tpu.memref_slice %arg3[%mul3A_2] : memref<16384xi32, #tpu.memory_space<hbm>> -> memref<512xi32, #tpu.memory_space<hbm>>
      tpu.wait_dma2 semaphore(%run_scoped3A : memref<!tpu.dma_semaphore, #tpu.memory_space<semaphore_mem>>) src(%dma_wait3A_227 : memref<512xi32, #tpu.memory_space<hbm>>) dst(%arg9 : memref<512xi32, #tpu.memory_space<vmem>>)
      tpu.yield
    }) : () -> ()
    %scan3A = arith.constant 0 : i32
    %scan3A_3 = arith.constant 0 : i32
    %scan3A_4 = arith.constant 16 : i32
    %scan3A_5 = arith.addi %scan3A_3, %scan3A_4 : i32
    %scan3A_6 = arith.constant 1 : i32
    scf.for %scan3A_225 = %scan3A_3 to %scan3A_5 step %scan3A_6  : i32 {
      %mul3A_226 = arith.constant 16 : i32
      %mul3A_227 = arith.muli %scan3A_225, %mul3A_226 : i32
      %add3A_228 = arith.constant 0 : i32
      %add3A_229 = arith.addi %add3A_228, %mul3A_227 : i32
      %get3A = arith.index_cast %add3A_229 : i32 to index
      %get3A_230 = tpu.vector_load %arg8[%get3A] {strides = array<i32>} : memref<512xi32, #tpu.memory_space<vmem>>, vector<16xi32>,
      %get3A_231 = vector.shape_cast %get3A_230 : vector<16xi32> to vector<16xi32>
      %slice3A = vector.extract_strided_slice %get3A_231 {offsets = [0], sizes = [1], strides = [1]} : vector<16xi32> to vector<1xi32>
      %squeeze3A = vector.extract %slice3A[0] : i32 from vector<1xi32>
      %mul3A_232 = arith.constant 16 : i32
      %mul3A_233 = arith.muli %scan3A_225, %mul3A_232 : i32
      %add3A_234 = arith.constant 0 : i32
      %add3A_235 = arith.addi %mul3A_233, %add3A_234 : i32
      %dma_start3A = arith.constant 0 : i32
      %dma_start3A_236 = tpu.memref_slice %arg10[%add3A_235, %dma_start3A] : memref<256x64xf32, #tpu.memory_space<vmem>> -> memref<1x64xf32, #tpu.memory_space<vmem>>
      %dma_start3A_237 = tpu.memref_squeeze %dma_start3A_236 : memref<1x64xf32, #tpu.memory_space<vmem>> -> memref<64xf32, #tpu.memory_space<vmem>>
      %dma_start3A_238 = arith.constant 0 : i32
      %dma_start3A_239 = tpu.memref_slice %arg4[%squeeze3A, %dma_start3A_238] : memref<1000000x64xf32, #tpu.memory_space<hbm>> -> memref<1x64xf32, #tpu.memory_space<hbm>>
      %dma_start3A_240 = tpu.memref_squeeze %dma_start3A_239 : memref<1x64xf32, #tpu.memory_space<hbm>> -> memref<64xf32, #tpu.memory_space<hbm>>
      %dma_start3A_241 = arith.constant 0 : i32
      %dma_start3A_242 = tpu.memref_slice %arg10[%add3A_235, %dma_start3A_241] : memref<256x64xf32, #tpu.memory_space<vmem>> -> memref<1x64xf32, #tpu.memory_space<vmem>>
      %dma_start3A_243 = tpu.memref_squeeze %dma_start3A_242 : memref<1x64xf32, #tpu.memory_space<vmem>> -> memref<64xf32, #tpu.memory_space<vmem>>
      %dma_start3A_244 = arith.constant 0 : i32
      %dma_start3A_245 = tpu.memref_slice %arg4[%squeeze3A, %dma_start3A_244] : memref<1000000x64xf32, #tpu.memory_space<hbm>> -> memref<1x64xf32, #tpu.memory_space<hbm>>
      %dma_start3A_246 = tpu.memref_squeeze %dma_start3A_245 : memref<1x64xf32, #tpu.memory_space<hbm>> -> memref<64xf32, #tpu.memory_space<hbm>>
      tpu.enqueue_dma source(%dma_start3A_246 : memref<64xf32, #tpu.memory_space<hbm>>) target(%dma_start3A_243 : memref<64xf32, #tpu.memory_space<vmem>>) target_semaphore(%arg12 : memref<!tpu.dma_semaphore, #tpu.memory_space<semaphore_mem>>)
      %slice3A_247 = vector.extract_strided_slice %get3A_231 {offsets = [1], sizes = [1], strides = [1]} : vector<16xi32> to vector<1xi32>
      %squeeze3A_248 = vector.extract %slice3A_247[0] : i32 from vector<1xi32>
      %mul3A_249 = arith.constant 16 : i32
      %mul3A_250 = arith.muli %scan3A_225, %mul3A_249 : i32
      %add3A_251 = arith.constant 1 : i32
      %add3A_252 = arith.addi %mul3A_250, %add3A_251 : i32
      %dma_start3A_253 = arith.constant 0 : i32
      %dma_start3A_254 = tpu.memref_slice %arg10[%add3A_252, %dma_start3A_253] : memref<256x64xf32, #tpu.memory_space<vmem>> -> memref<1x64xf32, #tpu.memory_space<vmem>>
      %dma_start3A_255 = tpu.memref_squeeze %dma_start3A_254 : memref<1x64xf32, #tpu.memory_space<vmem>> -> memref<64xf32, #tpu.memory_space<vmem>>
      %dma_start3A_256 = arith.constant 0 : i32
      %dma_start3A_257 = tpu.memref_slice %arg4[%squeeze3A_248, %dma_start3A_256] : memref<1000000x64xf32, #tpu.memory_space<hbm>> -> memref<1x64xf32, #tpu.memory_space<hbm>>
      %dma_start3A_258 = tpu.memref_squeeze %dma_start3A_257 : memref<1x64xf32, #tpu.memory_space<hbm>> -> memref<64xf32, #tpu.memory_space<hbm>>
      %dma_start3A_259 = arith.constant 0 : i32
      %dma_start3A_260 = tpu.memref_slice %arg10[%add3A_252, %dma_start3A_259] : memref<256x64xf32, #tpu.memory_space<vmem>> -> memref<1x64xf32, #tpu.memory_space<vmem>>
      %dma_start3A_261 = tpu.memref_squeeze %dma_start3A_260 : memref<1x64xf32, #tpu.memory_space<vmem>> -> memref<64xf32, #tpu.memory_space<vmem>>
      %dma_start3A_262 = arith.constant 0 : i32
      %dma_start3A_263 = tpu.memref_slice %arg4[%squeeze3A_248, %dma_start3A_262] : memref<1000000x64xf32, #tpu.memory_space<hbm>> -> memref<1x64xf32, #tpu.memory_space<hbm>>
      %dma_start3A_264 = tpu.memref_squeeze %dma_start3A_263 : memref<1x64xf32, #tpu.memory_space<hbm>> -> memref<64xf32, #tpu.memory_space<hbm>>
      tpu.enqueue_dma source(%dma_start3A_264 : memref<64xf32, #tpu.memory_space<hbm>>) target(%dma_start3A_261 : memref<64xf32, #tpu.memory_space<vmem>>) target_semaphore(%arg13 : memref<!tpu.dma_semaphore, #tpu.memory_space<semaphore_mem>>)
      %slice3A_265 = vector.extract_strided_slice %get3A_231 {offsets = [2], sizes = [1], strides = [1]} : vector<16xi32> to vector<1xi32>
      %squeeze3A_266 = vector.extract %slice3A_265[0] : i32 from vector<1xi32>
      %mul3A_267 = arith.constant 16 : i32
      %mul3A_268 = arith.muli %scan3A_225, %mul3A_267 : i32
      %add3A_269 = arith.constant 2 : i32
      %add3A_270 = arith.addi %mul3A_268, %add3A_269 : i32
      %dma_start3A_271 = arith.constant 0 : i32
      %dma_start3A_272 = tpu.memref_slice %arg10[%add3A_270, %dma_start3A_271] : memref<256x64xf32, #tpu.memory_space<vmem>> -> memref<1x64xf32, #tpu.memory_space<vmem>>
      %dma_start3A_273 = tpu.memref_squeeze %dma_start3A_272 : memref<1x64xf32, #tpu.memory_space<vmem>> -> memref<64xf32, #tpu.memory_space<vmem>>
      %dma_start3A_274 = arith.constant 0 : i32
      %dma_start3A_275 = tpu.memref_slice %arg4[%squeeze3A_266, %dma_start3A_274] : memref<1000000x64xf32, #tpu.memory_space<hbm>> -> memref<1x64xf32, #tpu.memory_space<hbm>>
      %dma_start3A_276 = tpu.memref_squeeze %dma_start3A_275 : memref<1x64xf32, #tpu.memory_space<hbm>> -> memref<64xf32, #tpu.memory_space<hbm>>
      %dma_start3A_277 = arith.constant 0 : i32
      %dma_start3A_278 = tpu.memref_slice %arg10[%add3A_270, %dma_start3A_277] : memref<256x64xf32, #tpu.memory_space<vmem>> -> memref<1x64xf32, #tpu.memory_space<vmem>>
      %dma_start3A_279 = tpu.memref_squeeze %dma_start3A_278 : memref<1x64xf32, #tpu.memory_space<vmem>> -> memref<64xf32, #tpu.memory_space<vmem>>
      %dma_start3A_280 = arith.constant 0 : i32
      %dma_start3A_281 = tpu.memref_slice %arg4[%squeeze3A_266, %dma_start3A_280] : memref<1000000x64xf32, #tpu.memory_space<hbm>> -> memref<1x64xf32, #tpu.memory_space<hbm>>
      %dma_start3A_282 = tpu.memref_squeeze %dma_start3A_281 : memref<1x64xf32, #tpu.memory_space<hbm>> -> memref<64xf32, #tpu.memory_space<hbm>>
      tpu.enqueue_dma source(%dma_start3A_282 : memref<64xf32, #tpu.memory_space<hbm>>) target(%dma_start3A_279 : memref<64xf32, #tpu.memory_space<vmem>>) target_semaphore(%arg14 : memref<!tpu.dma_semaphore, #tpu.memory_space<semaphore_mem>>)
      %slice3A_283 = vector.extract_strided_slice %get3A_231 {offsets = [3], sizes = [1], strides = [1]} : vector<16xi32> to vector<1xi32>
      %squeeze3A_284 = vector.extract %slice3A_283[0] : i32 from vector<1xi32>
      %mul3A_285 = arith.constant 16 : i32
      %mul3A_286 = arith.muli %scan3A_225, %mul3A_285 : i32
      %add3A_287 = arith.constant 3 : i32
      %add3A_288 = arith.addi %mul3A_286, %add3A_287 : i32
      %dma_start3A_289 = arith.constant 0 : i32
      %dma_start3A_290 = tpu.memref_slice %arg10[%add3A_288, %dma_start3A_289] : memref<256x64xf32, #tpu.memory_space<vmem>> -> memref<1x64xf32, #tpu.memory_space<vmem>>
      %dma_start3A_291 = tpu.memref_squeeze %dma_start3A_290 : memref<1x64xf32, #tpu.memory_space<vmem>> -> memref<64xf32, #tpu.memory_space<vmem>>
      %dma_start3A_292 = arith.constant 0 : i32
      %dma_start3A_293 = tpu.memref_slice %arg4[%squeeze3A_284, %dma_start3A_292] : memref<1000000x64xf32, #tpu.memory_space<hbm>> -> memref<1x64xf32, #tpu.memory_space<hbm>>
      %dma_start3A_294 = tpu.memref_squeeze %dma_start3A_293 : memref<1x64xf32, #tpu.memory_space<hbm>> -> memref<64xf32, #tpu.memory_space<hbm>>
      %dma_start3A_295 = arith.constant 0 : i32
      %dma_start3A_296 = tpu.memref_slice %arg10[%add3A_288, %dma_start3A_295] : memref<256x64xf32, #tpu.memory_space<vmem>> -> memref<1x64xf32, #tpu.memory_space<vmem>>
      %dma_start3A_297 = tpu.memref_squeeze %dma_start3A_296 : memref<1x64xf32, #tpu.memory_space<vmem>> -> memref<64xf32, #tpu.memory_space<vmem>>
      %dma_start3A_298 = arith.constant 0 : i32
      %dma_start3A_299 = tpu.memref_slice %arg4[%squeeze3A_284, %dma_start3A_298] : memref<1000000x64xf32, #tpu.memory_space<hbm>> -> memref<1x64xf32, #tpu.memory_space<hbm>>
      %dma_start3A_300 = tpu.memref_squeeze %dma_start3A_299 : memref<1x64xf32, #tpu.memory_space<hbm>> -> memref<64xf32, #tpu.memory_space<hbm>>
      tpu.enqueue_dma source(%dma_start3A_300 : memref<64xf32, #tpu.memory_space<hbm>>) target(%dma_start3A_297 : memref<64xf32, #tpu.memory_space<vmem>>) target_semaphore(%arg15 : memref<!tpu.dma_semaphore, #tpu.memory_space<semaphore_mem>>)
      %slice3A_301 = vector.extract_strided_slice %get3A_231 {offsets = [4], sizes = [1], strides = [1]} : vector<16xi32> to vector<1xi32>
      %squeeze3A_302 = vector.extract %slice3A_301[0] : i32 from vector<1xi32>
      %mul3A_303 = arith.constant 16 : i32
      %mul3A_304 = arith.muli %scan3A_225, %mul3A_303 : i32
      %add3A_305 = arith.constant 4 : i32
      %add3A_306 = arith.addi %mul3A_304, %add3A_305 : i32
      %dma_start3A_307 = arith.constant 0 : i32
      %dma_start3A_308 = tpu.memref_slice %arg10[%add3A_306, %dma_start3A_307] : memref<256x64xf32, #tpu.memory_space<vmem>> -> memref<1x64xf32, #tpu.memory_space<vmem>>
      %dma_start3A_309 = tpu.memref_squeeze %dma_start3A_308 : memref<1x64xf32, #tpu.memory_space<vmem>> -> memref<64xf32, #tpu.memory_space<vmem>>
      %dma_start3A_310 = arith.constant 0 : i32
      %dma_start3A_311 = tpu.memref_slice %arg4[%squeeze3A_302, %dma_start3A_310] : memref<1000000x64xf32, #tpu.memory_space<hbm>> -> memref<1x64xf32, #tpu.memory_space<hbm>>
      %dma_start3A_312 = tpu.memref_squeeze %dma_start3A_311 : memref<1x64xf32, #tpu.memory_space<hbm>> -> memref<64xf32, #tpu.memory_space<hbm>>
      %dma_start3A_313 = arith.constant 0 : i32
      %dma_start3A_314 = tpu.memref_slice %arg10[%add3A_306, %dma_start3A_313] : memref<256x64xf32, #tpu.memory_space<vmem>> -> memref<1x64xf32, #tpu.memory_space<vmem>>
      %dma_start3A_315 = tpu.memref_squeeze %dma_start3A_314 : memref<1x64xf32, #tpu.memory_space<vmem>> -> memref<64xf32, #tpu.memory_space<vmem>>
      %dma_start3A_316 = arith.constant 0 : i32
      %dma_start3A_317 = tpu.memref_slice %arg4[%squeeze3A_302, %dma_start3A_316] : memref<1000000x64xf32, #tpu.memory_space<hbm>> -> memref<1x64xf32, #tpu.memory_space<hbm>>
      %dma_start3A_318 = tpu.memref_squeeze %dma_start3A_317 : memref<1x64xf32, #tpu.memory_space<hbm>> -> memref<64xf32, #tpu.memory_space<hbm>>
      tpu.enqueue_dma source(%dma_start3A_318 : memref<64xf32, #tpu.memory_space<hbm>>) target(%dma_start3A_315 : memref<64xf32, #tpu.memory_space<vmem>>) target_semaphore(%arg12 : memref<!tpu.dma_semaphore, #tpu.memory_space<semaphore_mem>>)
      %slice3A_319 = vector.extract_strided_slice %get3A_231 {offsets = [5], sizes = [1], strides = [1]} : vector<16xi32> to vector<1xi32>
      %squeeze3A_320 = vector.extract %slice3A_319[0] : i32 from vector<1xi32>
      %mul3A_321 = arith.constant 16 : i32
      %mul3A_322 = arith.muli %scan3A_225, %mul3A_321 : i32
      %add3A_323 = arith.constant 5 : i32
      %add3A_324 = arith.addi %mul3A_322, %add3A_323 : i32
      %dma_start3A_325 = arith.constant 0 : i32
      %dma_start3A_326 = tpu.memref_slice %arg10[%add3A_324, %dma_start3A_325] : memref<256x64xf32, #tpu.memory_space<vmem>> -> memref<1x64xf32, #tpu.memory_space<vmem>>
      %dma_start3A_327 = tpu.memref_squeeze %dma_start3A_326 : memref<1x64xf32, #tpu.memory_space<vmem>> -> memref<64xf32, #tpu.memory_space<vmem>>
      %dma_start3A_328 = arith.constant 0 : i32
      %dma_start3A_329 = tpu.memref_slice %arg4[%squeeze3A_320, %dma_start3A_328] : memref<1000000x64xf32, #tpu.memory_space<hbm>> -> memref<1x64xf32, #tpu.memory_space<hbm>>
      %dma_start3A_330 = tpu.memref_squeeze %dma_start3A_329 : memref<1x64xf32, #tpu.memory_space<hbm>> -> memref<64xf32, #tpu.memory_space<hbm>>
      %dma_start3A_331 = arith.constant 0 : i32
      %dma_start3A_332 = tpu.memref_slice %arg10[%add3A_324, %dma_start3A_331] : memref<256x64xf32, #tpu.memory_space<vmem>> -> memref<1x64xf32, #tpu.memory_space<vmem>>
      %dma_start3A_333 = tpu.memref_squeeze %dma_start3A_332 : memref<1x64xf32, #tpu.memory_space<vmem>> -> memref<64xf32, #tpu.memory_space<vmem>>
      %dma_start3A_334 = arith.constant 0 : i32
      %dma_start3A_335 = tpu.memref_slice %arg4[%squeeze3A_320, %dma_start3A_334] : memref<1000000x64xf32, #tpu.memory_space<hbm>> -> memref<1x64xf32, #tpu.memory_space<hbm>>
      %dma_start3A_336 = tpu.memref_squeeze %dma_start3A_335 : memref<1x64xf32, #tpu.memory_space<hbm>> -> memref<64xf32, #tpu.memory_space<hbm>>
      tpu.enqueue_dma source(%dma_start3A_336 : memref<64xf32, #tpu.memory_space<hbm>>) target(%dma_start3A_333 : memref<64xf32, #tpu.memory_space<vmem>>) target_semaphore(%arg13 : memref<!tpu.dma_semaphore, #tpu.memory_space<semaphore_mem>>)
      %slice3A_337 = vector.extract_strided_slice %get3A_231 {offsets = [6], sizes = [1], strides = [1]} : vector<16xi32> to vector<1xi32>
      %squeeze3A_338 = vector.extract %slice3A_337[0] : i32 from vector<1xi32>
      %mul3A_339 = arith.constant 16 : i32
      %mul3A_340 = arith.muli %scan3A_225, %mul3A_339 : i32
      %add3A_341 = arith.constant 6 : i32
      %add3A_342 = arith.addi %mul3A_340, %add3A_341 : i32
      %dma_start3A_343 = arith.constant 0 : i32
      %dma_start3A_344 = tpu.memref_slice %arg10[%add3A_342, %dma_start3A_343] : memref<256x64xf32, #tpu.memory_space<vmem>> -> memref<1x64xf32, #tpu.memory_space<vmem>>
      %dma_start3A_345 = tpu.memref_squeeze %dma_start3A_344 : memref<1x64xf32, #tpu.memory_space<vmem>> -> memref<64xf32, #tpu.memory_space<vmem>>
      %dma_start3A_346 = arith.constant 0 : i32
      %dma_start3A_347 = tpu.memref_slice %arg4[%squeeze3A_338, %dma_start3A_346] : memref<1000000x64xf32, #tpu.memory_space<hbm>> -> memref<1x64xf32, #tpu.memory_space<hbm>>
      %dma_start3A_348 = tpu.memref_squeeze %dma_start3A_347 : memref<1x64xf32, #tpu.memory_space<hbm>> -> memref<64xf32, #tpu.memory_space<hbm>>
      %dma_start3A_349 = arith.constant 0 : i32
      %dma_start3A_350 = tpu.memref_slice %arg10[%add3A_342, %dma_start3A_349] : memref<256x64xf32, #tpu.memory_space<vmem>> -> memref<1x64xf32, #tpu.memory_space<vmem>>
      %dma_start3A_351 = tpu.memref_squeeze %dma_start3A_350 : memref<1x64xf32, #tpu.memory_space<vmem>> -> memref<64xf32, #tpu.memory_space<vmem>>
      %dma_start3A_352 = arith.constant 0 : i32
      %dma_start3A_353 = tpu.memref_slice %arg4[%squeeze3A_338, %dma_start3A_352] : memref<1000000x64xf32, #tpu.memory_space<hbm>> -> memref<1x64xf32, #tpu.memory_space<hbm>>
      %dma_start3A_354 = tpu.memref_squeeze %dma_start3A_353 : memref<1x64xf32, #tpu.memory_space<hbm>> -> memref<64xf32, #tpu.memory_space<hbm>>
      tpu.enqueue_dma source(%dma_start3A_354 : memref<64xf32, #tpu.memory_space<hbm>>) target(%dma_start3A_351 : memref<64xf32, #tpu.memory_space<vmem>>) target_semaphore(%arg14 : memref<!tpu.dma_semaphore, #tpu.memory_space<semaphore_mem>>)
      %slice3A_355 = vector.extract_strided_slice %get3A_231 {offsets = [7], sizes = [1], strides = [1]} : vector<16xi32> to vector<1xi32>
      %squeeze3A_356 = vector.extract %slice3A_355[0] : i32 from vector<1xi32>
      %mul3A_357 = arith.constant 16 : i32
      %mul3A_358 = arith.muli %scan3A_225, %mul3A_357 : i32
      %add3A_359 = arith.constant 7 : i32
      %add3A_360 = arith.addi %mul3A_358, %add3A_359 : i32
      %dma_start3A_361 = arith.constant 0 : i32
      %dma_start3A_362 = tpu.memref_slice %arg10[%add3A_360, %dma_start3A_361] : memref<256x64xf32, #tpu.memory_space<vmem>> -> memref<1x64xf32, #tpu.memory_space<vmem>>
      %dma_start3A_363 = tpu.memref_squeeze %dma_start3A_362 : memref<1x64xf32, #tpu.memory_space<vmem>> -> memref<64xf32, #tpu.memory_space<vmem>>
      %dma_start3A_364 = arith.constant 0 : i32
      %dma_start3A_365 = tpu.memref_slice %arg4[%squeeze3A_356, %dma_start3A_364] : memref<1000000x64xf32, #tpu.memory_space<hbm>> -> memref<1x64xf32, #tpu.memory_space<hbm>>
      %dma_start3A_366 = tpu.memref_squeeze %dma_start3A_365 : memref<1x64xf32, #tpu.memory_space<hbm>> -> memref<64xf32, #tpu.memory_space<hbm>>
      %dma_start3A_367 = arith.constant 0 : i32
      %dma_start3A_368 = tpu.memref_slice %arg10[%add3A_360, %dma_start3A_367] : memref<256x64xf32, #tpu.memory_space<vmem>> -> memref<1x64xf32, #tpu.memory_space<vmem>>
      %dma_start3A_369 = tpu.memref_squeeze %dma_start3A_368 : memref<1x64xf32, #tpu.memory_space<vmem>> -> memref<64xf32, #tpu.memory_space<vmem>>
      %dma_start3A_370 = arith.constant 0 : i32
      %dma_start3A_371 = tpu.memref_slice %arg4[%squeeze3A_356, %dma_start3A_370] : memref<1000000x64xf32, #tpu.memory_space<hbm>> -> memref<1x64xf32, #tpu.memory_space<hbm>>
      %dma_start3A_372 = tpu.memref_squeeze %dma_start3A_371 : memref<1x64xf32, #tpu.memory_space<hbm>> -> memref<64xf32, #tpu.memory_space<hbm>>
      tpu.enqueue_dma source(%dma_start3A_372 : memref<64xf32, #tpu.memory_space<hbm>>) target(%dma_start3A_369 : memref<64xf32, #tpu.memory_space<vmem>>) target_semaphore(%arg15 : memref<!tpu.dma_semaphore, #tpu.memory_space<semaphore_mem>>)
      %slice3A_373 = vector.extract_strided_slice %get3A_231 {offsets = [8], sizes = [1], strides = [1]} : vector<16xi32> to vector<1xi32>
      %squeeze3A_374 = vector.extract %slice3A_373[0] : i32 from vector<1xi32>
      %mul3A_375 = arith.constant 16 : i32
      %mul3A_376 = arith.muli %scan3A_225, %mul3A_375 : i32
      %add3A_377 = arith.constant 8 : i32
      %add3A_378 = arith.addi %mul3A_376, %add3A_377 : i32
      %dma_start3A_379 = arith.constant 0 : i32
      %dma_start3A_380 = tpu.memref_slice %arg10[%add3A_378, %dma_start3A_379] : memref<256x64xf32, #tpu.memory_space<vmem>> -> memref<1x64xf32, #tpu.memory_space<vmem>>
      %dma_start3A_381 = tpu.memref_squeeze %dma_start3A_380 : memref<1x64xf32, #tpu.memory_space<vmem>> -> memref<64xf32, #tpu.memory_space<vmem>>
      %dma_start3A_382 = arith.constant 0 : i32
      %dma_start3A_383 = tpu.memref_slice %arg4[%squeeze3A_374, %dma_start3A_382] : memref<1000000x64xf32, #tpu.memory_space<hbm>> -> memref<1x64xf32, #tpu.memory_space<hbm>>
      %dma_start3A_384 = tpu.memref_squeeze %dma_start3A_383 : memref<1x64xf32, #tpu.memory_space<hbm>> -> memref<64xf32, #tpu.memory_space<hbm>>
      %dma_start3A_385 = arith.constant 0 : i32
      %dma_start3A_386 = tpu.memref_slice %arg10[%add3A_378, %dma_start3A_385] : memref<256x64xf32, #tpu.memory_space<vmem>> -> memref<1x64xf32, #tpu.memory_space<vmem>>
      %dma_start3A_387 = tpu.memref_squeeze %dma_start3A_386 : memref<1x64xf32, #tpu.memory_space<vmem>> -> memref<64xf32, #tpu.memory_space<vmem>>
      %dma_start3A_388 = arith.constant 0 : i32
      %dma_start3A_389 = tpu.memref_slice %arg4[%squeeze3A_374, %dma_start3A_388] : memref<1000000x64xf32, #tpu.memory_space<hbm>> -> memref<1x64xf32, #tpu.memory_space<hbm>>
      %dma_start3A_390 = tpu.memref_squeeze %dma_start3A_389 : memref<1x64xf32, #tpu.memory_space<hbm>> -> memref<64xf32, #tpu.memory_space<hbm>>
      tpu.enqueue_dma source(%dma_start3A_390 : memref<64xf32, #tpu.memory_space<hbm>>) target(%dma_start3A_387 : memref<64xf32, #tpu.memory_space<vmem>>) target_semaphore(%arg12 : memref<!tpu.dma_semaphore, #tpu.memory_space<semaphore_mem>>)
      %slice3A_391 = vector.extract_strided_slice %get3A_231 {offsets = [9], sizes = [1], strides = [1]} : vector<16xi32> to vector<1xi32>
      %squeeze3A_392 = vector.extract %slice3A_391[0] : i32 from vector<1xi32>
      %mul3A_393 = arith.constant 16 : i32
      %mul3A_394 = arith.muli %scan3A_225, %mul3A_393 : i32
      %add3A_395 = arith.constant 9 : i32
      %add3A_396 = arith.addi %mul3A_394, %add3A_395 : i32
      %dma_start3A_397 = arith.constant 0 : i32
      %dma_start3A_398 = tpu.memref_slice %arg10[%add3A_396, %dma_start3A_397] : memref<256x64xf32, #tpu.memory_space<vmem>> -> memref<1x64xf32, #tpu.memory_space<vmem>>
      %dma_start3A_399 = tpu.memref_squeeze %dma_start3A_398 : memref<1x64xf32, #tpu.memory_space<vmem>> -> memref<64xf32, #tpu.memory_space<vmem>>
      %dma_start3A_400 = arith.constant 0 : i32
      %dma_start3A_401 = tpu.memref_slice %arg4[%squeeze3A_392, %dma_start3A_400] : memref<1000000x64xf32, #tpu.memory_space<hbm>> -> memref<1x64xf32, #tpu.memory_space<hbm>>
      %dma_start3A_402 = tpu.memref_squeeze %dma_start3A_401 : memref<1x64xf32, #tpu.memory_space<hbm>> -> memref<64xf32, #tpu.memory_space<hbm>>
      %dma_start3A_403 = arith.constant 0 : i32
      %dma_start3A_404 = tpu.memref_slice %arg10[%add3A_396, %dma_start3A_403] : memref<256x64xf32, #tpu.memory_space<vmem>> -> memref<1x64xf32, #tpu.memory_space<vmem>>
      %dma_start3A_405 = tpu.memref_squeeze %dma_start3A_404 : memref<1x64xf32, #tpu.memory_space<vmem>> -> memref<64xf32, #tpu.memory_space<vmem>>
      %dma_start3A_406 = arith.constant 0 : i32
      %dma_start3A_407 = tpu.memref_slice %arg4[%squeeze3A_392, %dma_start3A_406] : memref<1000000x64xf32, #tpu.memory_space<hbm>> -> memref<1x64xf32, #tpu.memory_space<hbm>>
      %dma_start3A_408 = tpu.memref_squeeze %dma_start3A_407 : memref<1x64xf32, #tpu.memory_space<hbm>> -> memref<64xf32, #tpu.memory_space<hbm>>
      tpu.enqueue_dma source(%dma_start3A_408 : memref<64xf32, #tpu.memory_space<hbm>>) target(%dma_start3A_405 : memref<64xf32, #tpu.memory_space<vmem>>) target_semaphore(%arg13 : memref<!tpu.dma_semaphore, #tpu.memory_space<semaphore_mem>>)
      %slice3A_409 = vector.extract_strided_slice %get3A_231 {offsets = [10], sizes = [1], strides = [1]} : vector<16xi32> to vector<1xi32>
      %squeeze3A_410 = vector.extract %slice3A_409[0] : i32 from vector<1xi32>
      %mul3A_411 = arith.constant 16 : i32
      %mul3A_412 = arith.muli %scan3A_225, %mul3A_411 : i32
      %add3A_413 = arith.constant 10 : i32
      %add3A_414 = arith.addi %mul3A_412, %add3A_413 : i32
      %dma_start3A_415 = arith.constant 0 : i32
      %dma_start3A_416 = tpu.memref_slice %arg10[%add3A_414, %dma_start3A_415] : memref<256x64xf32, #tpu.memory_space<vmem>> -> memref<1x64xf32, #tpu.memory_space<vmem>>
      %dma_start3A_417 = tpu.memref_squeeze %dma_start3A_416 : memref<1x64xf32, #tpu.memory_space<vmem>> -> memref<64xf32, #tpu.memory_space<vmem>>
      %dma_start3A_418 = arith.constant 0 : i32
      %dma_start3A_419 = tpu.memref_slice %arg4[%squeeze3A_410, %dma_start3A_418] : memref<1000000x64xf32, #tpu.memory_space<hbm>> -> memref<1x64xf32, #tpu.memory_space<hbm>>
      %dma_start3A_420 = tpu.memref_squeeze %dma_start3A_419 : memref<1x64xf32, #tpu.memory_space<hbm>> -> memref<64xf32, #tpu.memory_space<hbm>>
      %dma_start3A_421 = arith.constant 0 : i32
      %dma_start3A_422 = tpu.memref_slice %arg10[%add3A_414, %dma_start3A_421] : memref<256x64xf32, #tpu.memory_space<vmem>> -> memref<1x64xf32, #tpu.memory_space<vmem>>
      %dma_start3A_423 = tpu.memref_squeeze %dma_start3A_422 : memref<1x64xf32, #tpu.memory_space<vmem>> -> memref<64xf32, #tpu.memory_space<vmem>>
      %dma_start3A_424 = arith.constant 0 : i32
      %dma_start3A_425 = tpu.memref_slice %arg4[%squeeze3A_410, %dma_start3A_424] : memref<1000000x64xf32, #tpu.memory_space<hbm>> -> memref<1x64xf32, #tpu.memory_space<hbm>>
      %dma_start3A_426 = tpu.memref_squeeze %dma_start3A_425 : memref<1x64xf32, #tpu.memory_space<hbm>> -> memref<64xf32, #tpu.memory_space<hbm>>
      tpu.enqueue_dma source(%dma_start3A_426 : memref<64xf32, #tpu.memory_space<hbm>>) target(%dma_start3A_423 : memref<64xf32, #tpu.memory_space<vmem>>) target_semaphore(%arg14 : memref<!tpu.dma_semaphore, #tpu.memory_space<semaphore_mem>>)
      %slice3A_427 = vector.extract_strided_slice %get3A_231 {offsets = [11], sizes = [1], strides = [1]} : vector<16xi32> to vector<1xi32>
      %squeeze3A_428 = vector.extract %slice3A_427[0] : i32 from vector<1xi32>
      %mul3A_429 = arith.constant 16 : i32
      %mul3A_430 = arith.muli %scan3A_225, %mul3A_429 : i32
      %add3A_431 = arith.constant 11 : i32
      %add3A_432 = arith.addi %mul3A_430, %add3A_431 : i32
      %dma_start3A_433 = arith.constant 0 : i32
      %dma_start3A_434 = tpu.memref_slice %arg10[%add3A_432, %dma_start3A_433] : memref<256x64xf32, #tpu.memory_space<vmem>> -> memref<1x64xf32, #tpu.memory_space<vmem>>
      %dma_start3A_435 = tpu.memref_squeeze %dma_start3A_434 : memref<1x64xf32, #tpu.memory_space<vmem>> -> memref<64xf32, #tpu.memory_space<vmem>>
      %dma_start3A_436 = arith.constant 0 : i32
      %dma_start3A_437 = tpu.memref_slice %arg4[%squeeze3A_428, %dma_start3A_436] : memref<1000000x64xf32, #tpu.memory_space<hbm>> -> memref<1x64xf32, #tpu.memory_space<hbm>>
      %dma_start3A_438 = tpu.memref_squeeze %dma_start3A_437 : memref<1x64xf32, #tpu.memory_space<hbm>> -> memref<64xf32, #tpu.memory_space<hbm>>
      %dma_start3A_439 = arith.constant 0 : i32
      %dma_start3A_440 = tpu.memref_slice %arg10[%add3A_432, %dma_start3A_439] : memref<256x64xf32, #tpu.memory_space<vmem>> -> memref<1x64xf32, #tpu.memory_space<vmem>>
      %dma_start3A_441 = tpu.memref_squeeze %dma_start3A_440 : memref<1x64xf32, #tpu.memory_space<vmem>> -> memref<64xf32, #tpu.memory_space<vmem>>
      %dma_start3A_442 = arith.constant 0 : i32
      %dma_start3A_443 = tpu.memref_slice %arg4[%squeeze3A_428, %dma_start3A_442] : memref<1000000x64xf32, #tpu.memory_space<hbm>> -> memref<1x64xf32, #tpu.memory_space<hbm>>
      %dma_start3A_444 = tpu.memref_squeeze %dma_start3A_443 : memref<1x64xf32, #tpu.memory_space<hbm>> -> memref<64xf32, #tpu.memory_space<hbm>>
      tpu.enqueue_dma source(%dma_start3A_444 : memref<64xf32, #tpu.memory_space<hbm>>) target(%dma_start3A_441 : memref<64xf32, #tpu.memory_space<vmem>>) target_semaphore(%arg15 : memref<!tpu.dma_semaphore, #tpu.memory_space<semaphore_mem>>)
      %slice3A_445 = vector.extract_strided_slice %get3A_231 {offsets = [12], sizes = [1], strides = [1]} : vector<16xi32> to vector<1xi32>
      %squeeze3A_446 = vector.extract %slice3A_445[0] : i32 from vector<1xi32>
      %mul3A_447 = arith.constant 16 : i32
      %mul3A_448 = arith.muli %scan3A_225, %mul3A_447 : i32
      %add3A_449 = arith.constant 12 : i32
      %add3A_450 = arith.addi %mul3A_448, %add3A_449 : i32
      %dma_start3A_451 = arith.constant 0 : i32
      %dma_start3A_452 = tpu.memref_slice %arg10[%add3A_450, %dma_start3A_451] : memref<256x64xf32, #tpu.memory_space<vmem>> -> memref<1x64xf32, #tpu.memory_space<vmem>>
      %dma_start3A_453 = tpu.memref_squeeze %dma_start3A_452 : memref<1x64xf32, #tpu.memory_space<vmem>> -> memref<64xf32, #tpu.memory_space<vmem>>
      %dma_start3A_454 = arith.constant 0 : i32
      %dma_start3A_455 = tpu.memref_slice %arg4[%squeeze3A_446, %dma_start3A_454] : memref<1000000x64xf32, #tpu.memory_space<hbm>> -> memref<1x64xf32, #tpu.memory_space<hbm>>
      %dma_start3A_456 = tpu.memref_squeeze %dma_start3A_455 : memref<1x64xf32, #tpu.memory_space<hbm>> -> memref<64xf32, #tpu.memory_space<hbm>>
      %dma_start3A_457 = arith.constant 0 : i32
      %dma_start3A_458 = tpu.memref_slice %arg10[%add3A_450, %dma_start3A_457] : memref<256x64xf32, #tpu.memory_space<vmem>> -> memref<1x64xf32, #tpu.memory_space<vmem>>
      %dma_start3A_459 = tpu.memref_squeeze %dma_start3A_458 : memref<1x64xf32, #tpu.memory_space<vmem>> -> memref<64xf32, #tpu.memory_space<vmem>>
      %dma_start3A_460 = arith.constant 0 : i32
      %dma_start3A_461 = tpu.memref_slice %arg4[%squeeze3A_446, %dma_start3A_460] : memref<1000000x64xf32, #tpu.memory_space<hbm>> -> memref<1x64xf32, #tpu.memory_space<hbm>>
      %dma_start3A_462 = tpu.memref_squeeze %dma_start3A_461 : memref<1x64xf32, #tpu.memory_space<hbm>> -> memref<64xf32, #tpu.memory_space<hbm>>
      tpu.enqueue_dma source(%dma_start3A_462 : memref<64xf32, #tpu.memory_space<hbm>>) target(%dma_start3A_459 : memref<64xf32, #tpu.memory_space<vmem>>) target_semaphore(%arg12 : memref<!tpu.dma_semaphore, #tpu.memory_space<semaphore_mem>>)
      %slice3A_463 = vector.extract_strided_slice %get3A_231 {offsets = [13], sizes = [1], strides = [1]} : vector<16xi32> to vector<1xi32>
      %squeeze3A_464 = vector.extract %slice3A_463[0] : i32 from vector<1xi32>
      %mul3A_465 = arith.constant 16 : i32
      %mul3A_466 = arith.muli %scan3A_225, %mul3A_465 : i32
      %add3A_467 = arith.constant 13 : i32
      %add3A_468 = arith.addi %mul3A_466, %add3A_467 : i32
      %dma_start3A_469 = arith.constant 0 : i32
      %dma_start3A_470 = tpu.memref_slice %arg10[%add3A_468, %dma_start3A_469] : memref<256x64xf32, #tpu.memory_space<vmem>> -> memref<1x64xf32, #tpu.memory_space<vmem>>
      %dma_start3A_471 = tpu.memref_squeeze %dma_start3A_470 : memref<1x64xf32, #tpu.memory_space<vmem>> -> memref<64xf32, #tpu.memory_space<vmem>>
      %dma_start3A_472 = arith.constant 0 : i32
      %dma_start3A_473 = tpu.memref_slice %arg4[%squeeze3A_464, %dma_start3A_472] : memref<1000000x64xf32, #tpu.memory_space<hbm>> -> memref<1x64xf32, #tpu.memory_space<hbm>>
      %dma_start3A_474 = tpu.memref_squeeze %dma_start3A_473 : memref<1x64xf32, #tpu.memory_space<hbm>> -> memref<64xf32, #tpu.memory_space<hbm>>
      %dma_start3A_475 = arith.constant 0 : i32
      %dma_start3A_476 = tpu.memref_slice %arg10[%add3A_468, %dma_start3A_475] : memref<256x64xf32, #tpu.memory_space<vmem>> -> memref<1x64xf32, #tpu.memory_space<vmem>>
      %dma_start3A_477 = tpu.memref_squeeze %dma_start3A_476 : memref<1x64xf32, #tpu.memory_space<vmem>> -> memref<64xf32, #tpu.memory_space<vmem>>
      %dma_start3A_478 = arith.constant 0 : i32
      %dma_start3A_479 = tpu.memref_slice %arg4[%squeeze3A_464, %dma_start3A_478] : memref<1000000x64xf32, #tpu.memory_space<hbm>> -> memref<1x64xf32, #tpu.memory_space<hbm>>
      %dma_start3A_480 = tpu.memref_squeeze %dma_start3A_479 : memref<1x64xf32, #tpu.memory_space<hbm>> -> memref<64xf32, #tpu.memory_space<hbm>>
      tpu.enqueue_dma source(%dma_start3A_480 : memref<64xf32, #tpu.memory_space<hbm>>) target(%dma_start3A_477 : memref<64xf32, #tpu.memory_space<vmem>>) target_semaphore(%arg13 : memref<!tpu.dma_semaphore, #tpu.memory_space<semaphore_mem>>)
      %slice3A_481 = vector.extract_strided_slice %get3A_231 {offsets = [14], sizes = [1], strides = [1]} : vector<16xi32> to vector<1xi32>
      %squeeze3A_482 = vector.extract %slice3A_481[0] : i32 from vector<1xi32>
      %mul3A_483 = arith.constant 16 : i32
      %mul3A_484 = arith.muli %scan3A_225, %mul3A_483 : i32
      %add3A_485 = arith.constant 14 : i32
      %add3A_486 = arith.addi %mul3A_484, %add3A_485 : i32
      %dma_start3A_487 = arith.constant 0 : i32
      %dma_start3A_488 = tpu.memref_slice %arg10[%add3A_486, %dma_start3A_487] : memref<256x64xf32, #tpu.memory_space<vmem>> -> memref<1x64xf32, #tpu.memory_space<vmem>>
      %dma_start3A_489 = tpu.memref_squeeze %dma_start3A_488 : memref<1x64xf32, #tpu.memory_space<vmem>> -> memref<64xf32, #tpu.memory_space<vmem>>
      %dma_start3A_490 = arith.constant 0 : i32
      %dma_start3A_491 = tpu.memref_slice %arg4[%squeeze3A_482, %dma_start3A_490] : memref<1000000x64xf32, #tpu.memory_space<hbm>> -> memref<1x64xf32, #tpu.memory_space<hbm>>
      %dma_start3A_492 = tpu.memref_squeeze %dma_start3A_491 : memref<1x64xf32, #tpu.memory_space<hbm>> -> memref<64xf32, #tpu.memory_space<hbm>>
      %dma_start3A_493 = arith.constant 0 : i32
      %dma_start3A_494 = tpu.memref_slice %arg10[%add3A_486, %dma_start3A_493] : memref<256x64xf32, #tpu.memory_space<vmem>> -> memref<1x64xf32, #tpu.memory_space<vmem>>
      %dma_start3A_495 = tpu.memref_squeeze %dma_start3A_494 : memref<1x64xf32, #tpu.memory_space<vmem>> -> memref<64xf32, #tpu.memory_space<vmem>>
      %dma_start3A_496 = arith.constant 0 : i32
      %dma_start3A_497 = tpu.memref_slice %arg4[%squeeze3A_482, %dma_start3A_496] : memref<1000000x64xf32, #tpu.memory_space<hbm>> -> memref<1x64xf32, #tpu.memory_space<hbm>>
      %dma_start3A_498 = tpu.memref_squeeze %dma_start3A_497 : memref<1x64xf32, #tpu.memory_space<hbm>> -> memref<64xf32, #tpu.memory_space<hbm>>
      tpu.enqueue_dma source(%dma_start3A_498 : memref<64xf32, #tpu.memory_space<hbm>>) target(%dma_start3A_495 : memref<64xf32, #tpu.memory_space<vmem>>) target_semaphore(%arg14 : memref<!tpu.dma_semaphore, #tpu.memory_space<semaphore_mem>>)
      %slice3A_499 = vector.extract_strided_slice %get3A_231 {offsets = [15], sizes = [1], strides = [1]} : vector<16xi32> to vector<1xi32>
      %squeeze3A_500 = vector.extract %slice3A_499[0] : i32 from vector<1xi32>
      %mul3A_501 = arith.constant 16 : i32
      %mul3A_502 = arith.muli %scan3A_225, %mul3A_501 : i32
      %add3A_503 = arith.constant 15 : i32
      %add3A_504 = arith.addi %mul3A_502, %add3A_503 : i32
      %dma_start3A_505 = arith.constant 0 : i32
      %dma_start3A_506 = tpu.memref_slice %arg10[%add3A_504, %dma_start3A_505] : memref<256x64xf32, #tpu.memory_space<vmem>> -> memref<1x64xf32, #tpu.memory_space<vmem>>
      %dma_start3A_507 = tpu.memref_squeeze %dma_start3A_506 : memref<1x64xf32, #tpu.memory_space<vmem>> -> memref<64xf32, #tpu.memory_space<vmem>>
      %dma_start3A_508 = arith.constant 0 : i32
      %dma_start3A_509 = tpu.memref_slice %arg4[%squeeze3A_500, %dma_start3A_508] : memref<1000000x64xf32, #tpu.memory_space<hbm>> -> memref<1x64xf32, #tpu.memory_space<hbm>>
      %dma_start3A_510 = tpu.memref_squeeze %dma_start3A_509 : memref<1x64xf32, #tpu.memory_space<hbm>> -> memref<64xf32, #tpu.memory_space<hbm>>
      %dma_start3A_511 = arith.constant 0 : i32
      %dma_start3A_512 = tpu.memref_slice %arg10[%add3A_504, %dma_start3A_511] : memref<256x64xf32, #tpu.memory_space<vmem>> -> memref<1x64xf32, #tpu.memory_space<vmem>>
      %dma_start3A_513 = tpu.memref_squeeze %dma_start3A_512 : memref<1x64xf32, #tpu.memory_space<vmem>> -> memref<64xf32, #tpu.memory_space<vmem>>
      %dma_start3A_514 = arith.constant 0 : i32
      %dma_start3A_515 = tpu.memref_slice %arg4[%squeeze3A_500, %dma_start3A_514] : memref<1000000x64xf32, #tpu.memory_space<hbm>> -> memref<1x64xf32, #tpu.memory_space<hbm>>
      %dma_start3A_516 = tpu.memref_squeeze %dma_start3A_515 : memref<1x64xf32, #tpu.memory_space<hbm>> -> memref<64xf32, #tpu.memory_space<hbm>>
      tpu.enqueue_dma source(%dma_start3A_516 : memref<64xf32, #tpu.memory_space<hbm>>) target(%dma_start3A_513 : memref<64xf32, #tpu.memory_space<vmem>>) target_semaphore(%arg15 : memref<!tpu.dma_semaphore, #tpu.memory_space<semaphore_mem>>)
    }
    %scan3A_7 = arith.constant 16 : i32
    %scan3A_8 = arith.constant 0 : i32
    %scan3A_9 = arith.constant 0 : i32
    %scan3A_10 = arith.constant 16 : i32
    %scan3A_11 = arith.addi %scan3A_9, %scan3A_10 : i32
    %scan3A_12 = arith.constant 1 : i32
    scf.for %scan3A_225 = %scan3A_9 to %scan3A_11 step %scan3A_12  : i32 {
      %mul3A_226 = arith.constant 16 : i32
      %mul3A_227 = arith.muli %scan3A_225, %mul3A_226 : i32
      %add3A_228 = arith.constant 256 : i32
      %add3A_229 = arith.addi %add3A_228, %mul3A_227 : i32
      %get3A = arith.index_cast %add3A_229 : i32 to index
      %get3A_230 = tpu.vector_load %arg8[%get3A] {strides = array<i32>} : memref<512xi32, #tpu.memory_space<vmem>>, vector<16xi32>,
      %get3A_231 = vector.shape_cast %get3A_230 : vector<16xi32> to vector<16xi32>
      %slice3A = vector.extract_strided_slice %get3A_231 {offsets = [0], sizes = [1], strides = [1]} : vector<16xi32> to vector<1xi32>
      %squeeze3A = vector.extract %slice3A[0] : i32 from vector<1xi32>
      %mul3A_232 = arith.constant 16 : i32
      %mul3A_233 = arith.muli %scan3A_225, %mul3A_232 : i32
      %add3A_234 = arith.constant 0 : i32
      %add3A_235 = arith.addi %mul3A_233, %add3A_234 : i32
      %dma_start3A = arith.constant 0 : i32
      %dma_start3A_236 = tpu.memref_slice %arg11[%add3A_235, %dma_start3A] : memref<256x64xf32, #tpu.memory_space<vmem>> -> memref<1x64xf32, #tpu.memory_space<vmem>>
      %dma_start3A_237 = tpu.memref_squeeze %dma_start3A_236 : memref<1x64xf32, #tpu.memory_space<vmem>> -> memref<64xf32, #tpu.memory_space<vmem>>
      %dma_start3A_238 = arith.constant 0 : i32
      %dma_start3A_239 = tpu.memref_slice %arg4[%squeeze3A, %dma_start3A_238] : memref<1000000x64xf32, #tpu.memory_space<hbm>> -> memref<1x64xf32, #tpu.memory_space<hbm>>
      %dma_start3A_240 = tpu.memref_squeeze %dma_start3A_239 : memref<1x64xf32, #tpu.memory_space<hbm>> -> memref<64xf32, #tpu.memory_space<hbm>>
      %dma_start3A_241 = arith.constant 0 : i32
      %dma_start3A_242 = tpu.memref_slice %arg11[%add3A_235, %dma_start3A_241] : memref<256x64xf32, #tpu.memory_space<vmem>> -> memref<1x64xf32, #tpu.memory_space<vmem>>
      %dma_start3A_243 = tpu.memref_squeeze %dma_start3A_242 : memref<1x64xf32, #tpu.memory_space<vmem>> -> memref<64xf32, #tpu.memory_space<vmem>>
      %dma_start3A_244 = arith.constant 0 : i32
      %dma_start3A_245 = tpu.memref_slice %arg4[%squeeze3A, %dma_start3A_244] : memref<1000000x64xf32, #tpu.memory_space<hbm>> -> memref<1x64xf32, #tpu.memory_space<hbm>>
      %dma_start3A_246 = tpu.memref_squeeze %dma_start3A_245 : memref<1x64xf32, #tpu.memory_space<hbm>> -> memref<64xf32, #tpu.memory_space<hbm>>
      tpu.enqueue_dma source(%dma_start3A_246 : memref<64xf32, #tpu.memory_space<hbm>>) target(%dma_start3A_243 : memref<64xf32, #tpu.memory_space<vmem>>) target_semaphore(%arg16 : memref<!tpu.dma_semaphore, #tpu.memory_space<semaphore_mem>>)
      %slice3A_247 = vector.extract_strided_slice %get3A_231 {offsets = [1], sizes = [1], strides = [1]} : vector<16xi32> to vector<1xi32>
      %squeeze3A_248 = vector.extract %slice3A_247[0] : i32 from vector<1xi32>
      %mul3A_249 = arith.constant 16 : i32
      %mul3A_250 = arith.muli %scan3A_225, %mul3A_249 : i32
      %add3A_251 = arith.constant 1 : i32
      %add3A_252 = arith.addi %mul3A_250, %add3A_251 : i32
      %dma_start3A_253 = arith.constant 0 : i32
      %dma_start3A_254 = tpu.memref_slice %arg11[%add3A_252, %dma_start3A_253] : memref<256x64xf32, #tpu.memory_space<vmem>> -> memref<1x64xf32, #tpu.memory_space<vmem>>
      %dma_start3A_255 = tpu.memref_squeeze %dma_start3A_254 : memref<1x64xf32, #tpu.memory_space<vmem>> -> memref<64xf32, #tpu.memory_space<vmem>>
      %dma_start3A_256 = arith.constant 0 : i32
      %dma_start3A_257 = tpu.memref_slice %arg4[%squeeze3A_248, %dma_start3A_256] : memref<1000000x64xf32, #tpu.memory_space<hbm>> -> memref<1x64xf32, #tpu.memory_space<hbm>>
      %dma_start3A_258 = tpu.memref_squeeze %dma_start3A_257 : memref<1x64xf32, #tpu.memory_space<hbm>> -> memref<64xf32, #tpu.memory_space<hbm>>
      %dma_start3A_259 = arith.constant 0 : i32
      %dma_start3A_260 = tpu.memref_slice %arg11[%add3A_252, %dma_start3A_259] : memref<256x64xf32, #tpu.memory_space<vmem>> -> memref<1x64xf32, #tpu.memory_space<vmem>>
      %dma_start3A_261 = tpu.memref_squeeze %dma_start3A_260 : memref<1x64xf32, #tpu.memory_space<vmem>> -> memref<64xf32, #tpu.memory_space<vmem>>
      %dma_start3A_262 = arith.constant 0 : i32
      %dma_start3A_263 = tpu.memref_slice %arg4[%squeeze3A_248, %dma_start3A_262] : memref<1000000x64xf32, #tpu.memory_space<hbm>> -> memref<1x64xf32, #tpu.memory_space<hbm>>
      %dma_start3A_264 = tpu.memref_squeeze %dma_start3A_263 : memref<1x64xf32, #tpu.memory_space<hbm>> -> memref<64xf32, #tpu.memory_space<hbm>>
      tpu.enqueue_dma source(%dma_start3A_264 : memref<64xf32, #tpu.memory_space<hbm>>) target(%dma_start3A_261 : memref<64xf32, #tpu.memory_space<vmem>>) target_semaphore(%arg17 : memref<!tpu.dma_semaphore, #tpu.memory_space<semaphore_mem>>)
      %slice3A_265 = vector.extract_strided_slice %get3A_231 {offsets = [2], sizes = [1], strides = [1]} : vector<16xi32> to vector<1xi32>
      %squeeze3A_266 = vector.extract %slice3A_265[0] : i32 from vector<1xi32>
      %mul3A_267 = arith.constant 16 : i32
      %mul3A_268 = arith.muli %scan3A_225, %mul3A_267 : i32
      %add3A_269 = arith.constant 2 : i32
      %add3A_270 = arith.addi %mul3A_268, %add3A_269 : i32
      %dma_start3A_271 = arith.constant 0 : i32
      %dma_start3A_272 = tpu.memref_slice %arg11[%add3A_270, %dma_start3A_271] : memref<256x64xf32, #tpu.memory_space<vmem>> -> memref<1x64xf32, #tpu.memory_space<vmem>>
      %dma_start3A_273 = tpu.memref_squeeze %dma_start3A_272 : memref<1x64xf32, #tpu.memory_space<vmem>> -> memref<64xf32, #tpu.memory_space<vmem>>
      %dma_start3A_274 = arith.constant 0 : i32
      %dma_start3A_275 = tpu.memref_slice %arg4[%squeeze3A_266, %dma_start3A_274] : memref<1000000x64xf32, #tpu.memory_space<hbm>> -> memref<1x64xf32, #tpu.memory_space<hbm>>
      %dma_start3A_276 = tpu.memref_squeeze %dma_start3A_275 : memref<1x64xf32, #tpu.memory_space<hbm>> -> memref<64xf32, #tpu.memory_space<hbm>>
      %dma_start3A_277 = arith.constant 0 : i32
      %dma_start3A_278 = tpu.memref_slice %arg11[%add3A_270, %dma_start3A_277] : memref<256x64xf32, #tpu.memory_space<vmem>> -> memref<1x64xf32, #tpu.memory_space<vmem>>
      %dma_start3A_279 = tpu.memref_squeeze %dma_start3A_278 : memref<1x64xf32, #tpu.memory_space<vmem>> -> memref<64xf32, #tpu.memory_space<vmem>>
      %dma_start3A_280 = arith.constant 0 : i32
      %dma_start3A_281 = tpu.memref_slice %arg4[%squeeze3A_266, %dma_start3A_280] : memref<1000000x64xf32, #tpu.memory_space<hbm>> -> memref<1x64xf32, #tpu.memory_space<hbm>>
      %dma_start3A_282 = tpu.memref_squeeze %dma_start3A_281 : memref<1x64xf32, #tpu.memory_space<hbm>> -> memref<64xf32, #tpu.memory_space<hbm>>
      tpu.enqueue_dma source(%dma_start3A_282 : memref<64xf32, #tpu.memory_space<hbm>>) target(%dma_start3A_279 : memref<64xf32, #tpu.memory_space<vmem>>) target_semaphore(%arg18 : memref<!tpu.dma_semaphore, #tpu.memory_space<semaphore_mem>>)
      %slice3A_283 = vector.extract_strided_slice %get3A_231 {offsets = [3], sizes = [1], strides = [1]} : vector<16xi32> to vector<1xi32>
      %squeeze3A_284 = vector.extract %slice3A_283[0] : i32 from vector<1xi32>
      %mul3A_285 = arith.constant 16 : i32
      %mul3A_286 = arith.muli %scan3A_225, %mul3A_285 : i32
      %add3A_287 = arith.constant 3 : i32
      %add3A_288 = arith.addi %mul3A_286, %add3A_287 : i32
      %dma_start3A_289 = arith.constant 0 : i32
      %dma_start3A_290 = tpu.memref_slice %arg11[%add3A_288, %dma_start3A_289] : memref<256x64xf32, #tpu.memory_space<vmem>> -> memref<1x64xf32, #tpu.memory_space<vmem>>
      %dma_start3A_291 = tpu.memref_squeeze %dma_start3A_290 : memref<1x64xf32, #tpu.memory_space<vmem>> -> memref<64xf32, #tpu.memory_space<vmem>>
      %dma_start3A_292 = arith.constant 0 : i32
      %dma_start3A_293 = tpu.memref_slice %arg4[%squeeze3A_284, %dma_start3A_292] : memref<1000000x64xf32, #tpu.memory_space<hbm>> -> memref<1x64xf32, #tpu.memory_space<hbm>>
      %dma_start3A_294 = tpu.memref_squeeze %dma_start3A_293 : memref<1x64xf32, #tpu.memory_space<hbm>> -> memref<64xf32, #tpu.memory_space<hbm>>
      %dma_start3A_295 = arith.constant 0 : i32
      %dma_start3A_296 = tpu.memref_slice %arg11[%add3A_288, %dma_start3A_295] : memref<256x64xf32, #tpu.memory_space<vmem>> -> memref<1x64xf32, #tpu.memory_space<vmem>>
      %dma_start3A_297 = tpu.memref_squeeze %dma_start3A_296 : memref<1x64xf32, #tpu.memory_space<vmem>> -> memref<64xf32, #tpu.memory_space<vmem>>
      %dma_start3A_298 = arith.constant 0 : i32
      %dma_start3A_299 = tpu.memref_slice %arg4[%squeeze3A_284, %dma_start3A_298] : memref<1000000x64xf32, #tpu.memory_space<hbm>> -> memref<1x64xf32, #tpu.memory_space<hbm>>
      %dma_start3A_300 = tpu.memref_squeeze %dma_start3A_299 : memref<1x64xf32, #tpu.memory_space<hbm>> -> memref<64xf32, #tpu.memory_space<hbm>>
      tpu.enqueue_dma source(%dma_start3A_300 : memref<64xf32, #tpu.memory_space<hbm>>) target(%dma_start3A_297 : memref<64xf32, #tpu.memory_space<vmem>>) target_semaphore(%arg19 : memref<!tpu.dma_semaphore, #tpu.memory_space<semaphore_mem>>)
      %slice3A_301 = vector.extract_strided_slice %get3A_231 {offsets = [4], sizes = [1], strides = [1]} : vector<16xi32> to vector<1xi32>
      %squeeze3A_302 = vector.extract %slice3A_301[0] : i32 from vector<1xi32>
      %mul3A_303 = arith.constant 16 : i32
      %mul3A_304 = arith.muli %scan3A_225, %mul3A_303 : i32
      %add3A_305 = arith.constant 4 : i32
      %add3A_306 = arith.addi %mul3A_304, %add3A_305 : i32
      %dma_start3A_307 = arith.constant 0 : i32
      %dma_start3A_308 = tpu.memref_slice %arg11[%add3A_306, %dma_start3A_307] : memref<256x64xf32, #tpu.memory_space<vmem>> -> memref<1x64xf32, #tpu.memory_space<vmem>>
      %dma_start3A_309 = tpu.memref_squeeze %dma_start3A_308 : memref<1x64xf32, #tpu.memory_space<vmem>> -> memref<64xf32, #tpu.memory_space<vmem>>
      %dma_start3A_310 = arith.constant 0 : i32
      %dma_start3A_311 = tpu.memref_slice %arg4[%squeeze3A_302, %dma_start3A_310] : memref<1000000x64xf32, #tpu.memory_space<hbm>> -> memref<1x64xf32, #tpu.memory_space<hbm>>
      %dma_start3A_312 = tpu.memref_squeeze %dma_start3A_311 : memref<1x64xf32, #tpu.memory_space<hbm>> -> memref<64xf32, #tpu.memory_space<hbm>>
      %dma_start3A_313 = arith.constant 0 : i32
      %dma_start3A_314 = tpu.memref_slice %arg11[%add3A_306, %dma_start3A_313] : memref<256x64xf32, #tpu.memory_space<vmem>> -> memref<1x64xf32, #tpu.memory_space<vmem>>
      %dma_start3A_315 = tpu.memref_squeeze %dma_start3A_314 : memref<1x64xf32, #tpu.memory_space<vmem>> -> memref<64xf32, #tpu.memory_space<vmem>>
      %dma_start3A_316 = arith.constant 0 : i32
      %dma_start3A_317 = tpu.memref_slice %arg4[%squeeze3A_302, %dma_start3A_316] : memref<1000000x64xf32, #tpu.memory_space<hbm>> -> memref<1x64xf32, #tpu.memory_space<hbm>>
      %dma_start3A_318 = tpu.memref_squeeze %dma_start3A_317 : memref<1x64xf32, #tpu.memory_space<hbm>> -> memref<64xf32, #tpu.memory_space<hbm>>
      tpu.enqueue_dma source(%dma_start3A_318 : memref<64xf32, #tpu.memory_space<hbm>>) target(%dma_start3A_315 : memref<64xf32, #tpu.memory_space<vmem>>) target_semaphore(%arg16 : memref<!tpu.dma_semaphore, #tpu.memory_space<semaphore_mem>>)
      %slice3A_319 = vector.extract_strided_slice %get3A_231 {offsets = [5], sizes = [1], strides = [1]} : vector<16xi32> to vector<1xi32>
      %squeeze3A_320 = vector.extract %slice3A_319[0] : i32 from vector<1xi32>
      %mul3A_321 = arith.constant 16 : i32
      %mul3A_322 = arith.muli %scan3A_225, %mul3A_321 : i32
      %add3A_323 = arith.constant 5 : i32
      %add3A_324 = arith.addi %mul3A_322, %add3A_323 : i32
      %dma_start3A_325 = arith.constant 0 : i32
      %dma_start3A_326 = tpu.memref_slice %arg11[%add3A_324, %dma_start3A_325] : memref<256x64xf32, #tpu.memory_space<vmem>> -> memref<1x64xf32, #tpu.memory_space<vmem>>
      %dma_start3A_327 = tpu.memref_squeeze %dma_start3A_326 : memref<1x64xf32, #tpu.memory_space<vmem>> -> memref<64xf32, #tpu.memory_space<vmem>>
      %dma_start3A_328 = arith.constant 0 : i32
      %dma_start3A_329 = tpu.memref_slice %arg4[%squeeze3A_320, %dma_start3A_328] : memref<1000000x64xf32, #tpu.memory_space<hbm>> -> memref<1x64xf32, #tpu.memory_space<hbm>>
      %dma_start3A_330 = tpu.memref_squeeze %dma_start3A_329 : memref<1x64xf32, #tpu.memory_space<hbm>> -> memref<64xf32, #tpu.memory_space<hbm>>
      %dma_start3A_331 = arith.constant 0 : i32
      %dma_start3A_332 = tpu.memref_slice %arg11[%add3A_324, %dma_start3A_331] : memref<256x64xf32, #tpu.memory_space<vmem>> -> memref<1x64xf32, #tpu.memory_space<vmem>>
      %dma_start3A_333 = tpu.memref_squeeze %dma_start3A_332 : memref<1x64xf32, #tpu.memory_space<vmem>> -> memref<64xf32, #tpu.memory_space<vmem>>
      %dma_start3A_334 = arith.constant 0 : i32
      %dma_start3A_335 = tpu.memref_slice %arg4[%squeeze3A_320, %dma_start3A_334] : memref<1000000x64xf32, #tpu.memory_space<hbm>> -> memref<1x64xf32, #tpu.memory_space<hbm>>
      %dma_start3A_336 = tpu.memref_squeeze %dma_start3A_335 : memref<1x64xf32, #tpu.memory_space<hbm>> -> memref<64xf32, #tpu.memory_space<hbm>>
      tpu.enqueue_dma source(%dma_start3A_336 : memref<64xf32, #tpu.memory_space<hbm>>) target(%dma_start3A_333 : memref<64xf32, #tpu.memory_space<vmem>>) target_semaphore(%arg17 : memref<!tpu.dma_semaphore, #tpu.memory_space<semaphore_mem>>)
      %slice3A_337 = vector.extract_strided_slice %get3A_231 {offsets = [6], sizes = [1], strides = [1]} : vector<16xi32> to vector<1xi32>
      %squeeze3A_338 = vector.extract %slice3A_337[0] : i32 from vector<1xi32>
      %mul3A_339 = arith.constant 16 : i32
      %mul3A_340 = arith.muli %scan3A_225, %mul3A_339 : i32
      %add3A_341 = arith.constant 6 : i32
      %add3A_342 = arith.addi %mul3A_340, %add3A_341 : i32
      %dma_start3A_343 = arith.constant 0 : i32
      %dma_start3A_344 = tpu.memref_slice %arg11[%add3A_342, %dma_start3A_343] : memref<256x64xf32, #tpu.memory_space<vmem>> -> memref<1x64xf32, #tpu.memory_space<vmem>>
      %dma_start3A_345 = tpu.memref_squeeze %dma_start3A_344 : memref<1x64xf32, #tpu.memory_space<vmem>> -> memref<64xf32, #tpu.memory_space<vmem>>
      %dma_start3A_346 = arith.constant 0 : i32
      %dma_start3A_347 = tpu.memref_slice %arg4[%squeeze3A_338, %dma_start3A_346] : memref<1000000x64xf32, #tpu.memory_space<hbm>> -> memref<1x64xf32, #tpu.memory_space<hbm>>
      %dma_start3A_348 = tpu.memref_squeeze %dma_start3A_347 : memref<1x64xf32, #tpu.memory_space<hbm>> -> memref<64xf32, #tpu.memory_space<hbm>>
      %dma_start3A_349 = arith.constant 0 : i32
      %dma_start3A_350 = tpu.memref_slice %arg11[%add3A_342, %dma_start3A_349] : memref<256x64xf32, #tpu.memory_space<vmem>> -> memref<1x64xf32, #tpu.memory_space<vmem>>
      %dma_start3A_351 = tpu.memref_squeeze %dma_start3A_350 : memref<1x64xf32, #tpu.memory_space<vmem>> -> memref<64xf32, #tpu.memory_space<vmem>>
      %dma_start3A_352 = arith.constant 0 : i32
      %dma_start3A_353 = tpu.memref_slice %arg4[%squeeze3A_338, %dma_start3A_352] : memref<1000000x64xf32, #tpu.memory_space<hbm>> -> memref<1x64xf32, #tpu.memory_space<hbm>>
      %dma_start3A_354 = tpu.memref_squeeze %dma_start3A_353 : memref<1x64xf32, #tpu.memory_space<hbm>> -> memref<64xf32, #tpu.memory_space<hbm>>
      tpu.enqueue_dma source(%dma_start3A_354 : memref<64xf32, #tpu.memory_space<hbm>>) target(%dma_start3A_351 : memref<64xf32, #tpu.memory_space<vmem>>) target_semaphore(%arg18 : memref<!tpu.dma_semaphore, #tpu.memory_space<semaphore_mem>>)
      %slice3A_355 = vector.extract_strided_slice %get3A_231 {offsets = [7], sizes = [1], strides = [1]} : vector<16xi32> to vector<1xi32>
      %squeeze3A_356 = vector.extract %slice3A_355[0] : i32 from vector<1xi32>
      %mul3A_357 = arith.constant 16 : i32
      %mul3A_358 = arith.muli %scan3A_225, %mul3A_357 : i32
      %add3A_359 = arith.constant 7 : i32
      %add3A_360 = arith.addi %mul3A_358, %add3A_359 : i32
      %dma_start3A_361 = arith.constant 0 : i32
      %dma_start3A_362 = tpu.memref_slice %arg11[%add3A_360, %dma_start3A_361] : memref<256x64xf32, #tpu.memory_space<vmem>> -> memref<1x64xf32, #tpu.memory_space<vmem>>
      %dma_start3A_363 = tpu.memref_squeeze %dma_start3A_362 : memref<1x64xf32, #tpu.memory_space<vmem>> -> memref<64xf32, #tpu.memory_space<vmem>>
      %dma_start3A_364 = arith.constant 0 : i32
      %dma_start3A_365 = tpu.memref_slice %arg4[%squeeze3A_356, %dma_start3A_364] : memref<1000000x64xf32, #tpu.memory_space<hbm>> -> memref<1x64xf32, #tpu.memory_space<hbm>>
      %dma_start3A_366 = tpu.memref_squeeze %dma_start3A_365 : memref<1x64xf32, #tpu.memory_space<hbm>> -> memref<64xf32, #tpu.memory_space<hbm>>
      %dma_start3A_367 = arith.constant 0 : i32
      %dma_start3A_368 = tpu.memref_slice %arg11[%add3A_360, %dma_start3A_367] : memref<256x64xf32, #tpu.memory_space<vmem>> -> memref<1x64xf32, #tpu.memory_space<vmem>>
      %dma_start3A_369 = tpu.memref_squeeze %dma_start3A_368 : memref<1x64xf32, #tpu.memory_space<vmem>> -> memref<64xf32, #tpu.memory_space<vmem>>
      %dma_start3A_370 = arith.constant 0 : i32
      %dma_start3A_371 = tpu.memref_slice %arg4[%squeeze3A_356, %dma_start3A_370] : memref<1000000x64xf32, #tpu.memory_space<hbm>> -> memref<1x64xf32, #tpu.memory_space<hbm>>
      %dma_start3A_372 = tpu.memref_squeeze %dma_start3A_371 : memref<1x64xf32, #tpu.memory_space<hbm>> -> memref<64xf32, #tpu.memory_space<hbm>>
      tpu.enqueue_dma source(%dma_start3A_372 : memref<64xf32, #tpu.memory_space<hbm>>) target(%dma_start3A_369 : memref<64xf32, #tpu.memory_space<vmem>>) target_semaphore(%arg19 : memref<!tpu.dma_semaphore, #tpu.memory_space<semaphore_mem>>)
      %slice3A_373 = vector.extract_strided_slice %get3A_231 {offsets = [8], sizes = [1], strides = [1]} : vector<16xi32> to vector<1xi32>
      %squeeze3A_374 = vector.extract %slice3A_373[0] : i32 from vector<1xi32>
      %mul3A_375 = arith.constant 16 : i32
      %mul3A_376 = arith.muli %scan3A_225, %mul3A_375 : i32
      %add3A_377 = arith.constant 8 : i32
      %add3A_378 = arith.addi %mul3A_376, %add3A_377 : i32
      %dma_start3A_379 = arith.constant 0 : i32
      %dma_start3A_380 = tpu.memref_slice %arg11[%add3A_378, %dma_start3A_379] : memref<256x64xf32, #tpu.memory_space<vmem>> -> memref<1x64xf32, #tpu.memory_space<vmem>>
      %dma_start3A_381 = tpu.memref_squeeze %dma_start3A_380 : memref<1x64xf32, #tpu.memory_space<vmem>> -> memref<64xf32, #tpu.memory_space<vmem>>
      %dma_start3A_382 = arith.constant 0 : i32
      %dma_start3A_383 = tpu.memref_slice %arg4[%squeeze3A_374, %dma_start3A_382] : memref<1000000x64xf32, #tpu.memory_space<hbm>> -> memref<1x64xf32, #tpu.memory_space<hbm>>
      %dma_start3A_384 = tpu.memref_squeeze %dma_start3A_383 : memref<1x64xf32, #tpu.memory_space<hbm>> -> memref<64xf32, #tpu.memory_space<hbm>>
      %dma_start3A_385 = arith.constant 0 : i32
      %dma_start3A_386 = tpu.memref_slice %arg11[%add3A_378, %dma_start3A_385] : memref<256x64xf32, #tpu.memory_space<vmem>> -> memref<1x64xf32, #tpu.memory_space<vmem>>
      %dma_start3A_387 = tpu.memref_squeeze %dma_start3A_386 : memref<1x64xf32, #tpu.memory_space<vmem>> -> memref<64xf32, #tpu.memory_space<vmem>>
      %dma_start3A_388 = arith.constant 0 : i32
      %dma_start3A_389 = tpu.memref_slice %arg4[%squeeze3A_374, %dma_start3A_388] : memref<1000000x64xf32, #tpu.memory_space<hbm>> -> memref<1x64xf32, #tpu.memory_space<hbm>>
      %dma_start3A_390 = tpu.memref_squeeze %dma_start3A_389 : memref<1x64xf32, #tpu.memory_space<hbm>> -> memref<64xf32, #tpu.memory_space<hbm>>
      tpu.enqueue_dma source(%dma_start3A_390 : memref<64xf32, #tpu.memory_space<hbm>>) target(%dma_start3A_387 : memref<64xf32, #tpu.memory_space<vmem>>) target_semaphore(%arg16 : memref<!tpu.dma_semaphore, #tpu.memory_space<semaphore_mem>>)
      %slice3A_391 = vector.extract_strided_slice %get3A_231 {offsets = [9], sizes = [1], strides = [1]} : vector<16xi32> to vector<1xi32>
      %squeeze3A_392 = vector.extract %slice3A_391[0] : i32 from vector<1xi32>
      %mul3A_393 = arith.constant 16 : i32
      %mul3A_394 = arith.muli %scan3A_225, %mul3A_393 : i32
      %add3A_395 = arith.constant 9 : i32
      %add3A_396 = arith.addi %mul3A_394, %add3A_395 : i32
      %dma_start3A_397 = arith.constant 0 : i32
      %dma_start3A_398 = tpu.memref_slice %arg11[%add3A_396, %dma_start3A_397] : memref<256x64xf32, #tpu.memory_space<vmem>> -> memref<1x64xf32, #tpu.memory_space<vmem>>
      %dma_start3A_399 = tpu.memref_squeeze %dma_start3A_398 : memref<1x64xf32, #tpu.memory_space<vmem>> -> memref<64xf32, #tpu.memory_space<vmem>>
      %dma_start3A_400 = arith.constant 0 : i32
      %dma_start3A_401 = tpu.memref_slice %arg4[%squeeze3A_392, %dma_start3A_400] : memref<1000000x64xf32, #tpu.memory_space<hbm>> -> memref<1x64xf32, #tpu.memory_space<hbm>>
      %dma_start3A_402 = tpu.memref_squeeze %dma_start3A_401 : memref<1x64xf32, #tpu.memory_space<hbm>> -> memref<64xf32, #tpu.memory_space<hbm>>
      %dma_start3A_403 = arith.constant 0 : i32
      %dma_start3A_404 = tpu.memref_slice %arg11[%add3A_396, %dma_start3A_403] : memref<256x64xf32, #tpu.memory_space<vmem>> -> memref<1x64xf32, #tpu.memory_space<vmem>>
      %dma_start3A_405 = tpu.memref_squeeze %dma_start3A_404 : memref<1x64xf32, #tpu.memory_space<vmem>> -> memref<64xf32, #tpu.memory_space<vmem>>
      %dma_start3A_406 = arith.constant 0 : i32
      %dma_start3A_407 = tpu.memref_slice %arg4[%squeeze3A_392, %dma_start3A_406] : memref<1000000x64xf32, #tpu.memory_space<hbm>> -> memref<1x64xf32, #tpu.memory_space<hbm>>
      %dma_start3A_408 = tpu.memref_squeeze %dma_start3A_407 : memref<1x64xf32, #tpu.memory_space<hbm>> -> memref<64xf32, #tpu.memory_space<hbm>>
      tpu.enqueue_dma source(%dma_start3A_408 : memref<64xf32, #tpu.memory_space<hbm>>) target(%dma_start3A_405 : memref<64xf32, #tpu.memory_space<vmem>>) target_semaphore(%arg17 : memref<!tpu.dma_semaphore, #tpu.memory_space<semaphore_mem>>)
      %slice3A_409 = vector.extract_strided_slice %get3A_231 {offsets = [10], sizes = [1], strides = [1]} : vector<16xi32> to vector<1xi32>
      %squeeze3A_410 = vector.extract %slice3A_409[0] : i32 from vector<1xi32>
      %mul3A_411 = arith.constant 16 : i32
      %mul3A_412 = arith.muli %scan3A_225, %mul3A_411 : i32
      %add3A_413 = arith.constant 10 : i32
      %add3A_414 = arith.addi %mul3A_412, %add3A_413 : i32
      %dma_start3A_415 = arith.constant 0 : i32
      %dma_start3A_416 = tpu.memref_slice %arg11[%add3A_414, %dma_start3A_415] : memref<256x64xf32, #tpu.memory_space<vmem>> -> memref<1x64xf32, #tpu.memory_space<vmem>>
      %dma_start3A_417 = tpu.memref_squeeze %dma_start3A_416 : memref<1x64xf32, #tpu.memory_space<vmem>> -> memref<64xf32, #tpu.memory_space<vmem>>
      %dma_start3A_418 = arith.constant 0 : i32
      %dma_start3A_419 = tpu.memref_slice %arg4[%squeeze3A_410, %dma_start3A_418] : memref<1000000x64xf32, #tpu.memory_space<hbm>> -> memref<1x64xf32, #tpu.memory_space<hbm>>
      %dma_start3A_420 = tpu.memref_squeeze %dma_start3A_419 : memref<1x64xf32, #tpu.memory_space<hbm>> -> memref<64xf32, #tpu.memory_space<hbm>>
      %dma_start3A_421 = arith.constant 0 : i32
      %dma_start3A_422 = tpu.memref_slice %arg11[%add3A_414, %dma_start3A_421] : memref<256x64xf32, #tpu.memory_space<vmem>> -> memref<1x64xf32, #tpu.memory_space<vmem>>
      %dma_start3A_423 = tpu.memref_squeeze %dma_start3A_422 : memref<1x64xf32, #tpu.memory_space<vmem>> -> memref<64xf32, #tpu.memory_space<vmem>>
      %dma_start3A_424 = arith.constant 0 : i32
      %dma_start3A_425 = tpu.memref_slice %arg4[%squeeze3A_410, %dma_start3A_424] : memref<1000000x64xf32, #tpu.memory_space<hbm>> -> memref<1x64xf32, #tpu.memory_space<hbm>>
      %dma_start3A_426 = tpu.memref_squeeze %dma_start3A_425 : memref<1x64xf32, #tpu.memory_space<hbm>> -> memref<64xf32, #tpu.memory_space<hbm>>
      tpu.enqueue_dma source(%dma_start3A_426 : memref<64xf32, #tpu.memory_space<hbm>>) target(%dma_start3A_423 : memref<64xf32, #tpu.memory_space<vmem>>) target_semaphore(%arg18 : memref<!tpu.dma_semaphore, #tpu.memory_space<semaphore_mem>>)
      %slice3A_427 = vector.extract_strided_slice %get3A_231 {offsets = [11], sizes = [1], strides = [1]} : vector<16xi32> to vector<1xi32>
      %squeeze3A_428 = vector.extract %slice3A_427[0] : i32 from vector<1xi32>
      %mul3A_429 = arith.constant 16 : i32
      %mul3A_430 = arith.muli %scan3A_225, %mul3A_429 : i32
      %add3A_431 = arith.constant 11 : i32
      %add3A_432 = arith.addi %mul3A_430, %add3A_431 : i32
      %dma_start3A_433 = arith.constant 0 : i32
      %dma_start3A_434 = tpu.memref_slice %arg11[%add3A_432, %dma_start3A_433] : memref<256x64xf32, #tpu.memory_space<vmem>> -> memref<1x64xf32, #tpu.memory_space<vmem>>
      %dma_start3A_435 = tpu.memref_squeeze %dma_start3A_434 : memref<1x64xf32, #tpu.memory_space<vmem>> -> memref<64xf32, #tpu.memory_space<vmem>>
      %dma_start3A_436 = arith.constant 0 : i32
      %dma_start3A_437 = tpu.memref_slice %arg4[%squeeze3A_428, %dma_start3A_436] : memref<1000000x64xf32, #tpu.memory_space<hbm>> -> memref<1x64xf32, #tpu.memory_space<hbm>>
      %dma_start3A_438 = tpu.memref_squeeze %dma_start3A_437 : memref<1x64xf32, #tpu.memory_space<hbm>> -> memref<64xf32, #tpu.memory_space<hbm>>
      %dma_start3A_439 = arith.constant 0 : i32
      %dma_start3A_440 = tpu.memref_slice %arg11[%add3A_432, %dma_start3A_439] : memref<256x64xf32, #tpu.memory_space<vmem>> -> memref<1x64xf32, #tpu.memory_space<vmem>>
      %dma_start3A_441 = tpu.memref_squeeze %dma_start3A_440 : memref<1x64xf32, #tpu.memory_space<vmem>> -> memref<64xf32, #tpu.memory_space<vmem>>
      %dma_start3A_442 = arith.constant 0 : i32
      %dma_start3A_443 = tpu.memref_slice %arg4[%squeeze3A_428, %dma_start3A_442] : memref<1000000x64xf32, #tpu.memory_space<hbm>> -> memref<1x64xf32, #tpu.memory_space<hbm>>
      %dma_start3A_444 = tpu.memref_squeeze %dma_start3A_443 : memref<1x64xf32, #tpu.memory_space<hbm>> -> memref<64xf32, #tpu.memory_space<hbm>>
      tpu.enqueue_dma source(%dma_start3A_444 : memref<64xf32, #tpu.memory_space<hbm>>) target(%dma_start3A_441 : memref<64xf32, #tpu.memory_space<vmem>>) target_semaphore(%arg19 : memref<!tpu.dma_semaphore, #tpu.memory_space<semaphore_mem>>)
      %slice3A_445 = vector.extract_strided_slice %get3A_231 {offsets = [12], sizes = [1], strides = [1]} : vector<16xi32> to vector<1xi32>
      %squeeze3A_446 = vector.extract %slice3A_445[0] : i32 from vector<1xi32>
      %mul3A_447 = arith.constant 16 : i32
      %mul3A_448 = arith.muli %scan3A_225, %mul3A_447 : i32
      %add3A_449 = arith.constant 12 : i32
      %add3A_450 = arith.addi %mul3A_448, %add3A_449 : i32
      %dma_start3A_451 = arith.constant 0 : i32
      %dma_start3A_452 = tpu.memref_slice %arg11[%add3A_450, %dma_start3A_451] : memref<256x64xf32, #tpu.memory_space<vmem>> -> memref<1x64xf32, #tpu.memory_space<vmem>>
      %dma_start3A_453 = tpu.memref_squeeze %dma_start3A_452 : memref<1x64xf32, #tpu.memory_space<vmem>> -> memref<64xf32, #tpu.memory_space<vmem>>
      %dma_start3A_454 = arith.constant 0 : i32
      %dma_start3A_455 = tpu.memref_slice %arg4[%squeeze3A_446, %dma_start3A_454] : memref<1000000x64xf32, #tpu.memory_space<hbm>> -> memref<1x64xf32, #tpu.memory_space<hbm>>
      %dma_start3A_456 = tpu.memref_squeeze %dma_start3A_455 : memref<1x64xf32, #tpu.memory_space<hbm>> -> memref<64xf32, #tpu.memory_space<hbm>>
      %dma_start3A_457 = arith.constant 0 : i32
      %dma_start3A_458 = tpu.memref_slice %arg11[%add3A_450, %dma_start3A_457] : memref<256x64xf32, #tpu.memory_space<vmem>> -> memref<1x64xf32, #tpu.memory_space<vmem>>
      %dma_start3A_459 = tpu.memref_squeeze %dma_start3A_458 : memref<1x64xf32, #tpu.memory_space<vmem>> -> memref<64xf32, #tpu.memory_space<vmem>>
      %dma_start3A_460 = arith.constant 0 : i32
      %dma_start3A_461 = tpu.memref_slice %arg4[%squeeze3A_446, %dma_start3A_460] : memref<1000000x64xf32, #tpu.memory_space<hbm>> -> memref<1x64xf32, #tpu.memory_space<hbm>>
      %dma_start3A_462 = tpu.memref_squeeze %dma_start3A_461 : memref<1x64xf32, #tpu.memory_space<hbm>> -> memref<64xf32, #tpu.memory_space<hbm>>
      tpu.enqueue_dma source(%dma_start3A_462 : memref<64xf32, #tpu.memory_space<hbm>>) target(%dma_start3A_459 : memref<64xf32, #tpu.memory_space<vmem>>) target_semaphore(%arg16 : memref<!tpu.dma_semaphore, #tpu.memory_space<semaphore_mem>>)
      %slice3A_463 = vector.extract_strided_slice %get3A_231 {offsets = [13], sizes = [1], strides = [1]} : vector<16xi32> to vector<1xi32>
      %squeeze3A_464 = vector.extract %slice3A_463[0] : i32 from vector<1xi32>
      %mul3A_465 = arith.constant 16 : i32
      %mul3A_466 = arith.muli %scan3A_225, %mul3A_465 : i32
      %add3A_467 = arith.constant 13 : i32
      %add3A_468 = arith.addi %mul3A_466, %add3A_467 : i32
      %dma_start3A_469 = arith.constant 0 : i32
      %dma_start3A_470 = tpu.memref_slice %arg11[%add3A_468, %dma_start3A_469] : memref<256x64xf32, #tpu.memory_space<vmem>> -> memref<1x64xf32, #tpu.memory_space<vmem>>
      %dma_start3A_471 = tpu.memref_squeeze %dma_start3A_470 : memref<1x64xf32, #tpu.memory_space<vmem>> -> memref<64xf32, #tpu.memory_space<vmem>>
      %dma_start3A_472 = arith.constant 0 : i32
      %dma_start3A_473 = tpu.memref_slice %arg4[%squeeze3A_464, %dma_start3A_472] : memref<1000000x64xf32, #tpu.memory_space<hbm>> -> memref<1x64xf32, #tpu.memory_space<hbm>>
      %dma_start3A_474 = tpu.memref_squeeze %dma_start3A_473 : memref<1x64xf32, #tpu.memory_space<hbm>> -> memref<64xf32, #tpu.memory_space<hbm>>
      %dma_start3A_475 = arith.constant 0 : i32
      %dma_start3A_476 = tpu.memref_slice %arg11[%add3A_468, %dma_start3A_475] : memref<256x64xf32, #tpu.memory_space<vmem>> -> memref<1x64xf32, #tpu.memory_space<vmem>>
      %dma_start3A_477 = tpu.memref_squeeze %dma_start3A_476 : memref<1x64xf32, #tpu.memory_space<vmem>> -> memref<64xf32, #tpu.memory_space<vmem>>
      %dma_start3A_478 = arith.constant 0 : i32
      %dma_start3A_479 = tpu.memref_slice %arg4[%squeeze3A_464, %dma_start3A_478] : memref<1000000x64xf32, #tpu.memory_space<hbm>> -> memref<1x64xf32, #tpu.memory_space<hbm>>
      %dma_start3A_480 = tpu.memref_squeeze %dma_start3A_479 : memref<1x64xf32, #tpu.memory_space<hbm>> -> memref<64xf32, #tpu.memory_space<hbm>>
      tpu.enqueue_dma source(%dma_start3A_480 : memref<64xf32, #tpu.memory_space<hbm>>) target(%dma_start3A_477 : memref<64xf32, #tpu.memory_space<vmem>>) target_semaphore(%arg17 : memref<!tpu.dma_semaphore, #tpu.memory_space<semaphore_mem>>)
      %slice3A_481 = vector.extract_strided_slice %get3A_231 {offsets = [14], sizes = [1], strides = [1]} : vector<16xi32> to vector<1xi32>
      %squeeze3A_482 = vector.extract %slice3A_481[0] : i32 from vector<1xi32>
      %mul3A_483 = arith.constant 16 : i32
      %mul3A_484 = arith.muli %scan3A_225, %mul3A_483 : i32
      %add3A_485 = arith.constant 14 : i32
      %add3A_486 = arith.addi %mul3A_484, %add3A_485 : i32
      %dma_start3A_487 = arith.constant 0 : i32
      %dma_start3A_488 = tpu.memref_slice %arg11[%add3A_486, %dma_start3A_487] : memref<256x64xf32, #tpu.memory_space<vmem>> -> memref<1x64xf32, #tpu.memory_space<vmem>>
      %dma_start3A_489 = tpu.memref_squeeze %dma_start3A_488 : memref<1x64xf32, #tpu.memory_space<vmem>> -> memref<64xf32, #tpu.memory_space<vmem>>
      %dma_start3A_490 = arith.constant 0 : i32
      %dma_start3A_491 = tpu.memref_slice %arg4[%squeeze3A_482, %dma_start3A_490] : memref<1000000x64xf32, #tpu.memory_space<hbm>> -> memref<1x64xf32, #tpu.memory_space<hbm>>
      %dma_start3A_492 = tpu.memref_squeeze %dma_start3A_491 : memref<1x64xf32, #tpu.memory_space<hbm>> -> memref<64xf32, #tpu.memory_space<hbm>>
      %dma_start3A_493 = arith.constant 0 : i32
      %dma_start3A_494 = tpu.memref_slice %arg11[%add3A_486, %dma_start3A_493] : memref<256x64xf32, #tpu.memory_space<vmem>> -> memref<1x64xf32, #tpu.memory_space<vmem>>
      %dma_start3A_495 = tpu.memref_squeeze %dma_start3A_494 : memref<1x64xf32, #tpu.memory_space<vmem>> -> memref<64xf32, #tpu.memory_space<vmem>>
      %dma_start3A_496 = arith.constant 0 : i32
      %dma_start3A_497 = tpu.memref_slice %arg4[%squeeze3A_482, %dma_start3A_496] : memref<1000000x64xf32, #tpu.memory_space<hbm>> -> memref<1x64xf32, #tpu.memory_space<hbm>>
      %dma_start3A_498 = tpu.memref_squeeze %dma_start3A_497 : memref<1x64xf32, #tpu.memory_space<hbm>> -> memref<64xf32, #tpu.memory_space<hbm>>
      tpu.enqueue_dma source(%dma_start3A_498 : memref<64xf32, #tpu.memory_space<hbm>>) target(%dma_start3A_495 : memref<64xf32, #tpu.memory_space<vmem>>) target_semaphore(%arg18 : memref<!tpu.dma_semaphore, #tpu.memory_space<semaphore_mem>>)
      %slice3A_499 = vector.extract_strided_slice %get3A_231 {offsets = [15], sizes = [1], strides = [1]} : vector<16xi32> to vector<1xi32>
      %squeeze3A_500 = vector.extract %slice3A_499[0] : i32 from vector<1xi32>
      %mul3A_501 = arith.constant 16 : i32
      %mul3A_502 = arith.muli %scan3A_225, %mul3A_501 : i32
      %add3A_503 = arith.constant 15 : i32
      %add3A_504 = arith.addi %mul3A_502, %add3A_503 : i32
      %dma_start3A_505 = arith.constant 0 : i32
      %dma_start3A_506 = tpu.memref_slice %arg11[%add3A_504, %dma_start3A_505] : memref<256x64xf32, #tpu.memory_space<vmem>> -> memref<1x64xf32, #tpu.memory_space<vmem>>
      %dma_start3A_507 = tpu.memref_squeeze %dma_start3A_506 : memref<1x64xf32, #tpu.memory_space<vmem>> -> memref<64xf32, #tpu.memory_space<vmem>>
      %dma_start3A_508 = arith.constant 0 : i32
      %dma_start3A_509 = tpu.memref_slice %arg4[%squeeze3A_500, %dma_start3A_508] : memref<1000000x64xf32, #tpu.memory_space<hbm>> -> memref<1x64xf32, #tpu.memory_space<hbm>>
      %dma_start3A_510 = tpu.memref_squeeze %dma_start3A_509 : memref<1x64xf32, #tpu.memory_space<hbm>> -> memref<64xf32, #tpu.memory_space<hbm>>
      %dma_start3A_511 = arith.constant 0 : i32
      %dma_start3A_512 = tpu.memref_slice %arg11[%add3A_504, %dma_start3A_511] : memref<256x64xf32, #tpu.memory_space<vmem>> -> memref<1x64xf32, #tpu.memory_space<vmem>>
      %dma_start3A_513 = tpu.memref_squeeze %dma_start3A_512 : memref<1x64xf32, #tpu.memory_space<vmem>> -> memref<64xf32, #tpu.memory_space<vmem>>
      %dma_start3A_514 = arith.constant 0 : i32
      %dma_start3A_515 = tpu.memref_slice %arg4[%squeeze3A_500, %dma_start3A_514] : memref<1000000x64xf32, #tpu.memory_space<hbm>> -> memref<1x64xf32, #tpu.memory_space<hbm>>
      %dma_start3A_516 = tpu.memref_squeeze %dma_start3A_515 : memref<1x64xf32, #tpu.memory_space<hbm>> -> memref<64xf32, #tpu.memory_space<hbm>>
      tpu.enqueue_dma source(%dma_start3A_516 : memref<64xf32, #tpu.memory_space<hbm>>) target(%dma_start3A_513 : memref<64xf32, #tpu.memory_space<vmem>>) target_semaphore(%arg19 : memref<!tpu.dma_semaphore, #tpu.memory_space<semaphore_mem>>)
    }
    %scan3A_13 = arith.constant 16 : i32
    %dma_wait3A = arith.constant 0 : i32
    %dma_wait3A_14 = arith.constant 0 : i32
    %dma_wait3A_15 = tpu.memref_slice %arg10[%dma_wait3A, %dma_wait3A_14] : memref<256x64xf32, #tpu.memory_space<vmem>> -> memref<64x64xf32, #tpu.memory_space<vmem>>
    %dma_wait3A_16 = arith.constant 0 : i32
    %dma_wait3A_17 = arith.constant 0 : i32
    %dma_wait3A_18 = tpu.memref_slice %arg4[%dma_wait3A_16, %dma_wait3A_17] : memref<1000000x64xf32, #tpu.memory_space<hbm>> -> memref<64x64xf32, #tpu.memory_space<hbm>>
    %dma_wait3A_19 = arith.constant 0 : i32
    %dma_wait3A_20 = arith.constant 0 : i32
    %dma_wait3A_21 = tpu.memref_slice %arg10[%dma_wait3A_19, %dma_wait3A_20] : memref<256x64xf32, #tpu.memory_space<vmem>> -> memref<64x64xf32, #tpu.memory_space<vmem>>
    %dma_wait3A_22 = arith.constant 0 : i32
    %dma_wait3A_23 = arith.constant 0 : i32
    %dma_wait3A_24 = tpu.memref_slice %arg4[%dma_wait3A_22, %dma_wait3A_23] : memref<1000000x64xf32, #tpu.memory_space<hbm>> -> memref<64x64xf32, #tpu.memory_space<hbm>>
    tpu.wait_dma2 semaphore(%arg12 : memref<!tpu.dma_semaphore, #tpu.memory_space<semaphore_mem>>) src(%dma_wait3A_24 : memref<64x64xf32, #tpu.memory_space<hbm>>) dst(%dma_wait3A_21 : memref<64x64xf32, #tpu.memory_space<vmem>>)
    %dma_wait3A_25 = arith.constant 0 : i32
    %dma_wait3A_26 = arith.constant 0 : i32
    %dma_wait3A_27 = tpu.memref_slice %arg10[%dma_wait3A_25, %dma_wait3A_26] : memref<256x64xf32, #tpu.memory_space<vmem>> -> memref<64x64xf32, #tpu.memory_space<vmem>>
    %dma_wait3A_28 = arith.constant 0 : i32
    %dma_wait3A_29 = arith.constant 0 : i32
    %dma_wait3A_30 = tpu.memref_slice %arg4[%dma_wait3A_28, %dma_wait3A_29] : memref<1000000x64xf32, #tpu.memory_space<hbm>> -> memref<64x64xf32, #tpu.memory_space<hbm>>
    %dma_wait3A_31 = arith.constant 0 : i32
    %dma_wait3A_32 = arith.constant 0 : i32
    %dma_wait3A_33 = tpu.memref_slice %arg10[%dma_wait3A_31, %dma_wait3A_32] : memref<256x64xf32, #tpu.memory_space<vmem>> -> memref<64x64xf32, #tpu.memory_space<vmem>>
    %dma_wait3A_34 = arith.constant 0 : i32
    %dma_wait3A_35 = arith.constant 0 : i32
    %dma_wait3A_36 = tpu.memref_slice %arg4[%dma_wait3A_34, %dma_wait3A_35] : memref<1000000x64xf32, #tpu.memory_space<hbm>> -> memref<64x64xf32, #tpu.memory_space<hbm>>
    tpu.wait_dma2 semaphore(%arg13 : memref<!tpu.dma_semaphore, #tpu.memory_space<semaphore_mem>>) src(%dma_wait3A_36 : memref<64x64xf32, #tpu.memory_space<hbm>>) dst(%dma_wait3A_33 : memref<64x64xf32, #tpu.memory_space<vmem>>)
    %dma_wait3A_37 = arith.constant 0 : i32
    %dma_wait3A_38 = arith.constant 0 : i32
    %dma_wait3A_39 = tpu.memref_slice %arg10[%dma_wait3A_37, %dma_wait3A_38] : memref<256x64xf32, #tpu.memory_space<vmem>> -> memref<64x64xf32, #tpu.memory_space<vmem>>
    %dma_wait3A_40 = arith.constant 0 : i32
    %dma_wait3A_41 = arith.constant 0 : i32
    %dma_wait3A_42 = tpu.memref_slice %arg4[%dma_wait3A_40, %dma_wait3A_41] : memref<1000000x64xf32, #tpu.memory_space<hbm>> -> memref<64x64xf32, #tpu.memory_space<hbm>>
    %dma_wait3A_43 = arith.constant 0 : i32
    %dma_wait3A_44 = arith.constant 0 : i32
    %dma_wait3A_45 = tpu.memref_slice %arg10[%dma_wait3A_43, %dma_wait3A_44] : memref<256x64xf32, #tpu.memory_space<vmem>> -> memref<64x64xf32, #tpu.memory_space<vmem>>
    %dma_wait3A_46 = arith.constant 0 : i32
    %dma_wait3A_47 = arith.constant 0 : i32
    %dma_wait3A_48 = tpu.memref_slice %arg4[%dma_wait3A_46, %dma_wait3A_47] : memref<1000000x64xf32, #tpu.memory_space<hbm>> -> memref<64x64xf32, #tpu.memory_space<hbm>>
    tpu.wait_dma2 semaphore(%arg14 : memref<!tpu.dma_semaphore, #tpu.memory_space<semaphore_mem>>) src(%dma_wait3A_48 : memref<64x64xf32, #tpu.memory_space<hbm>>) dst(%dma_wait3A_45 : memref<64x64xf32, #tpu.memory_space<vmem>>)
    %dma_wait3A_49 = arith.constant 0 : i32
    %dma_wait3A_50 = arith.constant 0 : i32
    %dma_wait3A_51 = tpu.memref_slice %arg10[%dma_wait3A_49, %dma_wait3A_50] : memref<256x64xf32, #tpu.memory_space<vmem>> -> memref<64x64xf32, #tpu.memory_space<vmem>>
    %dma_wait3A_52 = arith.constant 0 : i32
    %dma_wait3A_53 = arith.constant 0 : i32
    %dma_wait3A_54 = tpu.memref_slice %arg4[%dma_wait3A_52, %dma_wait3A_53] : memref<1000000x64xf32, #tpu.memory_space<hbm>> -> memref<64x64xf32, #tpu.memory_space<hbm>>
    %dma_wait3A_55 = arith.constant 0 : i32
    %dma_wait3A_56 = arith.constant 0 : i32
    %dma_wait3A_57 = tpu.memref_slice %arg10[%dma_wait3A_55, %dma_wait3A_56] : memref<256x64xf32, #tpu.memory_space<vmem>> -> memref<64x64xf32, #tpu.memory_space<vmem>>
    %dma_wait3A_58 = arith.constant 0 : i32
    %dma_wait3A_59 = arith.constant 0 : i32
    %dma_wait3A_60 = tpu.memref_slice %arg4[%dma_wait3A_58, %dma_wait3A_59] : memref<1000000x64xf32, #tpu.memory_space<hbm>> -> memref<64x64xf32, #tpu.memory_space<hbm>>
    tpu.wait_dma2 semaphore(%arg15 : memref<!tpu.dma_semaphore, #tpu.memory_space<semaphore_mem>>) src(%dma_wait3A_60 : memref<64x64xf32, #tpu.memory_space<hbm>>) dst(%dma_wait3A_57 : memref<64x64xf32, #tpu.memory_space<vmem>>)
    %add3A_61 = arith.constant 0 : i32
    %add3A_62 = arith.addi %mul3A_2, %add3A_61 : i32
    "tpu.region"() ({
      %run_scoped3A = tpu.sem_alloc : memref<!tpu.dma_semaphore, #tpu.memory_space<semaphore_mem>>
      %dma_start3A = arith.constant 0 : i32
      %dma_start3A_225 = tpu.memref_slice %arg6[%add3A_62, %dma_start3A] : memref<16384x64xf32, #tpu.memory_space<hbm>> -> memref<256x64xf32, #tpu.memory_space<hbm>>
      %dma_start3A_226 = arith.constant 0 : i32
      %dma_start3A_227 = tpu.memref_slice %arg6[%add3A_62, %dma_start3A_226] : memref<16384x64xf32, #tpu.memory_space<hbm>> -> memref<256x64xf32, #tpu.memory_space<hbm>>
      tpu.enqueue_dma source(%arg10 : memref<256x64xf32, #tpu.memory_space<vmem>>) target(%dma_start3A_227 : memref<256x64xf32, #tpu.memory_space<hbm>>) target_semaphore(%run_scoped3A : memref<!tpu.dma_semaphore, #tpu.memory_space<semaphore_mem>>)
      %dma_wait3A_228 = arith.constant 0 : i32
      %dma_wait3A_229 = tpu.memref_slice %arg6[%add3A_62, %dma_wait3A_228] : memref<16384x64xf32, #tpu.memory_space<hbm>> -> memref<256x64xf32, #tpu.memory_space<hbm>>
      %dma_wait3A_230 = arith.constant 0 : i32
      %dma_wait3A_231 = tpu.memref_slice %arg6[%add3A_62, %dma_wait3A_230] : memref<16384x64xf32, #tpu.memory_space<hbm>> -> memref<256x64xf32, #tpu.memory_space<hbm>>
      tpu.wait_dma2 semaphore(%run_scoped3A : memref<!tpu.dma_semaphore, #tpu.memory_space<semaphore_mem>>) src(%arg10 : memref<256x64xf32, #tpu.memory_space<vmem>>) dst(%dma_wait3A_231 : memref<256x64xf32, #tpu.memory_space<hbm>>)
      tpu.yield
    }) : () -> ()
    %scan3A_63 = arith.constant 0 : i32
    %scan3A_64 = arith.constant 0 : i32
    %scan3A_65 = arith.constant 16 : i32
    %scan3A_66 = arith.addi %scan3A_64, %scan3A_65 : i32
    %scan3A_67 = arith.constant 1 : i32
    scf.for %scan3A_225 = %scan3A_64 to %scan3A_66 step %scan3A_67  : i32 {
      %mul3A_226 = arith.constant 16 : i32
      %mul3A_227 = arith.muli %scan3A_225, %mul3A_226 : i32
      %add3A_228 = arith.constant 0 : i32
      %add3A_229 = arith.addi %add3A_228, %mul3A_227 : i32
      %get3A = arith.index_cast %add3A_229 : i32 to index
      %get3A_230 = tpu.vector_load %arg9[%get3A] {strides = array<i32>} : memref<512xi32, #tpu.memory_space<vmem>>, vector<16xi32>,
      %get3A_231 = vector.shape_cast %get3A_230 : vector<16xi32> to vector<16xi32>
      %slice3A = vector.extract_strided_slice %get3A_231 {offsets = [0], sizes = [1], strides = [1]} : vector<16xi32> to vector<1xi32>
      %squeeze3A = vector.extract %slice3A[0] : i32 from vector<1xi32>
      %mul3A_232 = arith.constant 16 : i32
      %mul3A_233 = arith.muli %scan3A_225, %mul3A_232 : i32
      %add3A_234 = arith.constant 0 : i32
      %add3A_235 = arith.addi %mul3A_233, %add3A_234 : i32
      %dma_start3A = arith.constant 0 : i32
      %dma_start3A_236 = tpu.memref_slice %arg10[%add3A_235, %dma_start3A] : memref<256x64xf32, #tpu.memory_space<vmem>> -> memref<1x64xf32, #tpu.memory_space<vmem>>
      %dma_start3A_237 = tpu.memref_squeeze %dma_start3A_236 : memref<1x64xf32, #tpu.memory_space<vmem>> -> memref<64xf32, #tpu.memory_space<vmem>>
      %dma_start3A_238 = arith.constant 0 : i32
      %dma_start3A_239 = tpu.memref_slice %arg5[%squeeze3A, %dma_start3A_238] : memref<1000000x64xf32, #tpu.memory_space<hbm>> -> memref<1x64xf32, #tpu.memory_space<hbm>>
      %dma_start3A_240 = tpu.memref_squeeze %dma_start3A_239 : memref<1x64xf32, #tpu.memory_space<hbm>> -> memref<64xf32, #tpu.memory_space<hbm>>
      %dma_start3A_241 = arith.constant 0 : i32
      %dma_start3A_242 = tpu.memref_slice %arg10[%add3A_235, %dma_start3A_241] : memref<256x64xf32, #tpu.memory_space<vmem>> -> memref<1x64xf32, #tpu.memory_space<vmem>>
      %dma_start3A_243 = tpu.memref_squeeze %dma_start3A_242 : memref<1x64xf32, #tpu.memory_space<vmem>> -> memref<64xf32, #tpu.memory_space<vmem>>
      %dma_start3A_244 = arith.constant 0 : i32
      %dma_start3A_245 = tpu.memref_slice %arg5[%squeeze3A, %dma_start3A_244] : memref<1000000x64xf32, #tpu.memory_space<hbm>> -> memref<1x64xf32, #tpu.memory_space<hbm>>
      %dma_start3A_246 = tpu.memref_squeeze %dma_start3A_245 : memref<1x64xf32, #tpu.memory_space<hbm>> -> memref<64xf32, #tpu.memory_space<hbm>>
      tpu.enqueue_dma source(%dma_start3A_246 : memref<64xf32, #tpu.memory_space<hbm>>) target(%dma_start3A_243 : memref<64xf32, #tpu.memory_space<vmem>>) target_semaphore(%arg12 : memref<!tpu.dma_semaphore, #tpu.memory_space<semaphore_mem>>)
      %slice3A_247 = vector.extract_strided_slice %get3A_231 {offsets = [1], sizes = [1], strides = [1]} : vector<16xi32> to vector<1xi32>
      %squeeze3A_248 = vector.extract %slice3A_247[0] : i32 from vector<1xi32>
      %mul3A_249 = arith.constant 16 : i32
      %mul3A_250 = arith.muli %scan3A_225, %mul3A_249 : i32
      %add3A_251 = arith.constant 1 : i32
      %add3A_252 = arith.addi %mul3A_250, %add3A_251 : i32
      %dma_start3A_253 = arith.constant 0 : i32
      %dma_start3A_254 = tpu.memref_slice %arg10[%add3A_252, %dma_start3A_253] : memref<256x64xf32, #tpu.memory_space<vmem>> -> memref<1x64xf32, #tpu.memory_space<vmem>>
      %dma_start3A_255 = tpu.memref_squeeze %dma_start3A_254 : memref<1x64xf32, #tpu.memory_space<vmem>> -> memref<64xf32, #tpu.memory_space<vmem>>
      %dma_start3A_256 = arith.constant 0 : i32
      %dma_start3A_257 = tpu.memref_slice %arg5[%squeeze3A_248, %dma_start3A_256] : memref<1000000x64xf32, #tpu.memory_space<hbm>> -> memref<1x64xf32, #tpu.memory_space<hbm>>
      %dma_start3A_258 = tpu.memref_squeeze %dma_start3A_257 : memref<1x64xf32, #tpu.memory_space<hbm>> -> memref<64xf32, #tpu.memory_space<hbm>>
      %dma_start3A_259 = arith.constant 0 : i32
      %dma_start3A_260 = tpu.memref_slice %arg10[%add3A_252, %dma_start3A_259] : memref<256x64xf32, #tpu.memory_space<vmem>> -> memref<1x64xf32, #tpu.memory_space<vmem>>
      %dma_start3A_261 = tpu.memref_squeeze %dma_start3A_260 : memref<1x64xf32, #tpu.memory_space<vmem>> -> memref<64xf32, #tpu.memory_space<vmem>>
      %dma_start3A_262 = arith.constant 0 : i32
      %dma_start3A_263 = tpu.memref_slice %arg5[%squeeze3A_248, %dma_start3A_262] : memref<1000000x64xf32, #tpu.memory_space<hbm>> -> memref<1x64xf32, #tpu.memory_space<hbm>>
      %dma_start3A_264 = tpu.memref_squeeze %dma_start3A_263 : memref<1x64xf32, #tpu.memory_space<hbm>> -> memref<64xf32, #tpu.memory_space<hbm>>
      tpu.enqueue_dma source(%dma_start3A_264 : memref<64xf32, #tpu.memory_space<hbm>>) target(%dma_start3A_261 : memref<64xf32, #tpu.memory_space<vmem>>) target_semaphore(%arg13 : memref<!tpu.dma_semaphore, #tpu.memory_space<semaphore_mem>>)
      %slice3A_265 = vector.extract_strided_slice %get3A_231 {offsets = [2], sizes = [1], strides = [1]} : vector<16xi32> to vector<1xi32>
      %squeeze3A_266 = vector.extract %slice3A_265[0] : i32 from vector<1xi32>
      %mul3A_267 = arith.constant 16 : i32
      %mul3A_268 = arith.muli %scan3A_225, %mul3A_267 : i32
      %add3A_269 = arith.constant 2 : i32
      %add3A_270 = arith.addi %mul3A_268, %add3A_269 : i32
      %dma_start3A_271 = arith.constant 0 : i32
      %dma_start3A_272 = tpu.memref_slice %arg10[%add3A_270, %dma_start3A_271] : memref<256x64xf32, #tpu.memory_space<vmem>> -> memref<1x64xf32, #tpu.memory_space<vmem>>
      %dma_start3A_273 = tpu.memref_squeeze %dma_start3A_272 : memref<1x64xf32, #tpu.memory_space<vmem>> -> memref<64xf32, #tpu.memory_space<vmem>>
      %dma_start3A_274 = arith.constant 0 : i32
      %dma_start3A_275 = tpu.memref_slice %arg5[%squeeze3A_266, %dma_start3A_274] : memref<1000000x64xf32, #tpu.memory_space<hbm>> -> memref<1x64xf32, #tpu.memory_space<hbm>>
      %dma_start3A_276 = tpu.memref_squeeze %dma_start3A_275 : memref<1x64xf32, #tpu.memory_space<hbm>> -> memref<64xf32, #tpu.memory_space<hbm>>
      %dma_start3A_277 = arith.constant 0 : i32
      %dma_start3A_278 = tpu.memref_slice %arg10[%add3A_270, %dma_start3A_277] : memref<256x64xf32, #tpu.memory_space<vmem>> -> memref<1x64xf32, #tpu.memory_space<vmem>>
      %dma_start3A_279 = tpu.memref_squeeze %dma_start3A_278 : memref<1x64xf32, #tpu.memory_space<vmem>> -> memref<64xf32, #tpu.memory_space<vmem>>
      %dma_start3A_280 = arith.constant 0 : i32
      %dma_start3A_281 = tpu.memref_slice %arg5[%squeeze3A_266, %dma_start3A_280] : memref<1000000x64xf32, #tpu.memory_space<hbm>> -> memref<1x64xf32, #tpu.memory_space<hbm>>
      %dma_start3A_282 = tpu.memref_squeeze %dma_start3A_281 : memref<1x64xf32, #tpu.memory_space<hbm>> -> memref<64xf32, #tpu.memory_space<hbm>>
      tpu.enqueue_dma source(%dma_start3A_282 : memref<64xf32, #tpu.memory_space<hbm>>) target(%dma_start3A_279 : memref<64xf32, #tpu.memory_space<vmem>>) target_semaphore(%arg14 : memref<!tpu.dma_semaphore, #tpu.memory_space<semaphore_mem>>)
      %slice3A_283 = vector.extract_strided_slice %get3A_231 {offsets = [3], sizes = [1], strides = [1]} : vector<16xi32> to vector<1xi32>
      %squeeze3A_284 = vector.extract %slice3A_283[0] : i32 from vector<1xi32>
      %mul3A_285 = arith.constant 16 : i32
      %mul3A_286 = arith.muli %scan3A_225, %mul3A_285 : i32
      %add3A_287 = arith.constant 3 : i32
      %add3A_288 = arith.addi %mul3A_286, %add3A_287 : i32
      %dma_start3A_289 = arith.constant 0 : i32
      %dma_start3A_290 = tpu.memref_slice %arg10[%add3A_288, %dma_start3A_289] : memref<256x64xf32, #tpu.memory_space<vmem>> -> memref<1x64xf32, #tpu.memory_space<vmem>>
      %dma_start3A_291 = tpu.memref_squeeze %dma_start3A_290 : memref<1x64xf32, #tpu.memory_space<vmem>> -> memref<64xf32, #tpu.memory_space<vmem>>
      %dma_start3A_292 = arith.constant 0 : i32
      %dma_start3A_293 = tpu.memref_slice %arg5[%squeeze3A_284, %dma_start3A_292] : memref<1000000x64xf32, #tpu.memory_space<hbm>> -> memref<1x64xf32, #tpu.memory_space<hbm>>
      %dma_start3A_294 = tpu.memref_squeeze %dma_start3A_293 : memref<1x64xf32, #tpu.memory_space<hbm>> -> memref<64xf32, #tpu.memory_space<hbm>>
      %dma_start3A_295 = arith.constant 0 : i32
      %dma_start3A_296 = tpu.memref_slice %arg10[%add3A_288, %dma_start3A_295] : memref<256x64xf32, #tpu.memory_space<vmem>> -> memref<1x64xf32, #tpu.memory_space<vmem>>
      %dma_start3A_297 = tpu.memref_squeeze %dma_start3A_296 : memref<1x64xf32, #tpu.memory_space<vmem>> -> memref<64xf32, #tpu.memory_space<vmem>>
      %dma_start3A_298 = arith.constant 0 : i32
      %dma_start3A_299 = tpu.memref_slice %arg5[%squeeze3A_284, %dma_start3A_298] : memref<1000000x64xf32, #tpu.memory_space<hbm>> -> memref<1x64xf32, #tpu.memory_space<hbm>>
      %dma_start3A_300 = tpu.memref_squeeze %dma_start3A_299 : memref<1x64xf32, #tpu.memory_space<hbm>> -> memref<64xf32, #tpu.memory_space<hbm>>
      tpu.enqueue_dma source(%dma_start3A_300 : memref<64xf32, #tpu.memory_space<hbm>>) target(%dma_start3A_297 : memref<64xf32, #tpu.memory_space<vmem>>) target_semaphore(%arg15 : memref<!tpu.dma_semaphore, #tpu.memory_space<semaphore_mem>>)
      %slice3A_301 = vector.extract_strided_slice %get3A_231 {offsets = [4], sizes = [1], strides = [1]} : vector<16xi32> to vector<1xi32>
      %squeeze3A_302 = vector.extract %slice3A_301[0] : i32 from vector<1xi32>
      %mul3A_303 = arith.constant 16 : i32
      %mul3A_304 = arith.muli %scan3A_225, %mul3A_303 : i32
      %add3A_305 = arith.constant 4 : i32
      %add3A_306 = arith.addi %mul3A_304, %add3A_305 : i32
      %dma_start3A_307 = arith.constant 0 : i32
      %dma_start3A_308 = tpu.memref_slice %arg10[%add3A_306, %dma_start3A_307] : memref<256x64xf32, #tpu.memory_space<vmem>> -> memref<1x64xf32, #tpu.memory_space<vmem>>
      %dma_start3A_309 = tpu.memref_squeeze %dma_start3A_308 : memref<1x64xf32, #tpu.memory_space<vmem>> -> memref<64xf32, #tpu.memory_space<vmem>>
      %dma_start3A_310 = arith.constant 0 : i32
      %dma_start3A_311 = tpu.memref_slice %arg5[%squeeze3A_302, %dma_start3A_310] : memref<1000000x64xf32, #tpu.memory_space<hbm>> -> memref<1x64xf32, #tpu.memory_space<hbm>>
      %dma_start3A_312 = tpu.memref_squeeze %dma_start3A_311 : memref<1x64xf32, #tpu.memory_space<hbm>> -> memref<64xf32, #tpu.memory_space<hbm>>
      %dma_start3A_313 = arith.constant 0 : i32
      %dma_start3A_314 = tpu.memref_slice %arg10[%add3A_306, %dma_start3A_313] : memref<256x64xf32, #tpu.memory_space<vmem>> -> memref<1x64xf32, #tpu.memory_space<vmem>>
      %dma_start3A_315 = tpu.memref_squeeze %dma_start3A_314 : memref<1x64xf32, #tpu.memory_space<vmem>> -> memref<64xf32, #tpu.memory_space<vmem>>
      %dma_start3A_316 = arith.constant 0 : i32
      %dma_start3A_317 = tpu.memref_slice %arg5[%squeeze3A_302, %dma_start3A_316] : memref<1000000x64xf32, #tpu.memory_space<hbm>> -> memref<1x64xf32, #tpu.memory_space<hbm>>
      %dma_start3A_318 = tpu.memref_squeeze %dma_start3A_317 : memref<1x64xf32, #tpu.memory_space<hbm>> -> memref<64xf32, #tpu.memory_space<hbm>>
      tpu.enqueue_dma source(%dma_start3A_318 : memref<64xf32, #tpu.memory_space<hbm>>) target(%dma_start3A_315 : memref<64xf32, #tpu.memory_space<vmem>>) target_semaphore(%arg12 : memref<!tpu.dma_semaphore, #tpu.memory_space<semaphore_mem>>)
      %slice3A_319 = vector.extract_strided_slice %get3A_231 {offsets = [5], sizes = [1], strides = [1]} : vector<16xi32> to vector<1xi32>
      %squeeze3A_320 = vector.extract %slice3A_319[0] : i32 from vector<1xi32>
      %mul3A_321 = arith.constant 16 : i32
      %mul3A_322 = arith.muli %scan3A_225, %mul3A_321 : i32
      %add3A_323 = arith.constant 5 : i32
      %add3A_324 = arith.addi %mul3A_322, %add3A_323 : i32
      %dma_start3A_325 = arith.constant 0 : i32
      %dma_start3A_326 = tpu.memref_slice %arg10[%add3A_324, %dma_start3A_325] : memref<256x64xf32, #tpu.memory_space<vmem>> -> memref<1x64xf32, #tpu.memory_space<vmem>>
      %dma_start3A_327 = tpu.memref_squeeze %dma_start3A_326 : memref<1x64xf32, #tpu.memory_space<vmem>> -> memref<64xf32, #tpu.memory_space<vmem>>
      %dma_start3A_328 = arith.constant 0 : i32
      %dma_start3A_329 = tpu.memref_slice %arg5[%squeeze3A_320, %dma_start3A_328] : memref<1000000x64xf32, #tpu.memory_space<hbm>> -> memref<1x64xf32, #tpu.memory_space<hbm>>
      %dma_start3A_330 = tpu.memref_squeeze %dma_start3A_329 : memref<1x64xf32, #tpu.memory_space<hbm>> -> memref<64xf32, #tpu.memory_space<hbm>>
      %dma_start3A_331 = arith.constant 0 : i32
      %dma_start3A_332 = tpu.memref_slice %arg10[%add3A_324, %dma_start3A_331] : memref<256x64xf32, #tpu.memory_space<vmem>> -> memref<1x64xf32, #tpu.memory_space<vmem>>
      %dma_start3A_333 = tpu.memref_squeeze %dma_start3A_332 : memref<1x64xf32, #tpu.memory_space<vmem>> -> memref<64xf32, #tpu.memory_space<vmem>>
      %dma_start3A_334 = arith.constant 0 : i32
      %dma_start3A_335 = tpu.memref_slice %arg5[%squeeze3A_320, %dma_start3A_334] : memref<1000000x64xf32, #tpu.memory_space<hbm>> -> memref<1x64xf32, #tpu.memory_space<hbm>>
      %dma_start3A_336 = tpu.memref_squeeze %dma_start3A_335 : memref<1x64xf32, #tpu.memory_space<hbm>> -> memref<64xf32, #tpu.memory_space<hbm>>
      tpu.enqueue_dma source(%dma_start3A_336 : memref<64xf32, #tpu.memory_space<hbm>>) target(%dma_start3A_333 : memref<64xf32, #tpu.memory_space<vmem>>) target_semaphore(%arg13 : memref<!tpu.dma_semaphore, #tpu.memory_space<semaphore_mem>>)
      %slice3A_337 = vector.extract_strided_slice %get3A_231 {offsets = [6], sizes = [1], strides = [1]} : vector<16xi32> to vector<1xi32>
      %squeeze3A_338 = vector.extract %slice3A_337[0] : i32 from vector<1xi32>
      %mul3A_339 = arith.constant 16 : i32
      %mul3A_340 = arith.muli %scan3A_225, %mul3A_339 : i32
      %add3A_341 = arith.constant 6 : i32
      %add3A_342 = arith.addi %mul3A_340, %add3A_341 : i32
      %dma_start3A_343 = arith.constant 0 : i32
      %dma_start3A_344 = tpu.memref_slice %arg10[%add3A_342, %dma_start3A_343] : memref<256x64xf32, #tpu.memory_space<vmem>> -> memref<1x64xf32, #tpu.memory_space<vmem>>
      %dma_start3A_345 = tpu.memref_squeeze %dma_start3A_344 : memref<1x64xf32, #tpu.memory_space<vmem>> -> memref<64xf32, #tpu.memory_space<vmem>>
      %dma_start3A_346 = arith.constant 0 : i32
      %dma_start3A_347 = tpu.memref_slice %arg5[%squeeze3A_338, %dma_start3A_346] : memref<1000000x64xf32, #tpu.memory_space<hbm>> -> memref<1x64xf32, #tpu.memory_space<hbm>>
      %dma_start3A_348 = tpu.memref_squeeze %dma_start3A_347 : memref<1x64xf32, #tpu.memory_space<hbm>> -> memref<64xf32, #tpu.memory_space<hbm>>
      %dma_start3A_349 = arith.constant 0 : i32
      %dma_start3A_350 = tpu.memref_slice %arg10[%add3A_342, %dma_start3A_349] : memref<256x64xf32, #tpu.memory_space<vmem>> -> memref<1x64xf32, #tpu.memory_space<vmem>>
      %dma_start3A_351 = tpu.memref_squeeze %dma_start3A_350 : memref<1x64xf32, #tpu.memory_space<vmem>> -> memref<64xf32, #tpu.memory_space<vmem>>
      %dma_start3A_352 = arith.constant 0 : i32
      %dma_start3A_353 = tpu.memref_slice %arg5[%squeeze3A_338, %dma_start3A_352] : memref<1000000x64xf32, #tpu.memory_space<hbm>> -> memref<1x64xf32, #tpu.memory_space<hbm>>
      %dma_start3A_354 = tpu.memref_squeeze %dma_start3A_353 : memref<1x64xf32, #tpu.memory_space<hbm>> -> memref<64xf32, #tpu.memory_space<hbm>>
      tpu.enqueue_dma source(%dma_start3A_354 : memref<64xf32, #tpu.memory_space<hbm>>) target(%dma_start3A_351 : memref<64xf32, #tpu.memory_space<vmem>>) target_semaphore(%arg14 : memref<!tpu.dma_semaphore, #tpu.memory_space<semaphore_mem>>)
      %slice3A_355 = vector.extract_strided_slice %get3A_231 {offsets = [7], sizes = [1], strides = [1]} : vector<16xi32> to vector<1xi32>
      %squeeze3A_356 = vector.extract %slice3A_355[0] : i32 from vector<1xi32>
      %mul3A_357 = arith.constant 16 : i32
      %mul3A_358 = arith.muli %scan3A_225, %mul3A_357 : i32
      %add3A_359 = arith.constant 7 : i32
      %add3A_360 = arith.addi %mul3A_358, %add3A_359 : i32
      %dma_start3A_361 = arith.constant 0 : i32
      %dma_start3A_362 = tpu.memref_slice %arg10[%add3A_360, %dma_start3A_361] : memref<256x64xf32, #tpu.memory_space<vmem>> -> memref<1x64xf32, #tpu.memory_space<vmem>>
      %dma_start3A_363 = tpu.memref_squeeze %dma_start3A_362 : memref<1x64xf32, #tpu.memory_space<vmem>> -> memref<64xf32, #tpu.memory_space<vmem>>
      %dma_start3A_364 = arith.constant 0 : i32
      %dma_start3A_365 = tpu.memref_slice %arg5[%squeeze3A_356, %dma_start3A_364] : memref<1000000x64xf32, #tpu.memory_space<hbm>> -> memref<1x64xf32, #tpu.memory_space<hbm>>
      %dma_start3A_366 = tpu.memref_squeeze %dma_start3A_365 : memref<1x64xf32, #tpu.memory_space<hbm>> -> memref<64xf32, #tpu.memory_space<hbm>>
      %dma_start3A_367 = arith.constant 0 : i32
      %dma_start3A_368 = tpu.memref_slice %arg10[%add3A_360, %dma_start3A_367] : memref<256x64xf32, #tpu.memory_space<vmem>> -> memref<1x64xf32, #tpu.memory_space<vmem>>
      %dma_start3A_369 = tpu.memref_squeeze %dma_start3A_368 : memref<1x64xf32, #tpu.memory_space<vmem>> -> memref<64xf32, #tpu.memory_space<vmem>>
      %dma_start3A_370 = arith.constant 0 : i32
      %dma_start3A_371 = tpu.memref_slice %arg5[%squeeze3A_356, %dma_start3A_370] : memref<1000000x64xf32, #tpu.memory_space<hbm>> -> memref<1x64xf32, #tpu.memory_space<hbm>>
      %dma_start3A_372 = tpu.memref_squeeze %dma_start3A_371 : memref<1x64xf32, #tpu.memory_space<hbm>> -> memref<64xf32, #tpu.memory_space<hbm>>
      tpu.enqueue_dma source(%dma_start3A_372 : memref<64xf32, #tpu.memory_space<hbm>>) target(%dma_start3A_369 : memref<64xf32, #tpu.memory_space<vmem>>) target_semaphore(%arg15 : memref<!tpu.dma_semaphore, #tpu.memory_space<semaphore_mem>>)
      %slice3A_373 = vector.extract_strided_slice %get3A_231 {offsets = [8], sizes = [1], strides = [1]} : vector<16xi32> to vector<1xi32>
      %squeeze3A_374 = vector.extract %slice3A_373[0] : i32 from vector<1xi32>
      %mul3A_375 = arith.constant 16 : i32
      %mul3A_376 = arith.muli %scan3A_225, %mul3A_375 : i32
      %add3A_377 = arith.constant 8 : i32
      %add3A_378 = arith.addi %mul3A_376, %add3A_377 : i32
      %dma_start3A_379 = arith.constant 0 : i32
      %dma_start3A_380 = tpu.memref_slice %arg10[%add3A_378, %dma_start3A_379] : memref<256x64xf32, #tpu.memory_space<vmem>> -> memref<1x64xf32, #tpu.memory_space<vmem>>
      %dma_start3A_381 = tpu.memref_squeeze %dma_start3A_380 : memref<1x64xf32, #tpu.memory_space<vmem>> -> memref<64xf32, #tpu.memory_space<vmem>>
      %dma_start3A_382 = arith.constant 0 : i32
      %dma_start3A_383 = tpu.memref_slice %arg5[%squeeze3A_374, %dma_start3A_382] : memref<1000000x64xf32, #tpu.memory_space<hbm>> -> memref<1x64xf32, #tpu.memory_space<hbm>>
      %dma_start3A_384 = tpu.memref_squeeze %dma_start3A_383 : memref<1x64xf32, #tpu.memory_space<hbm>> -> memref<64xf32, #tpu.memory_space<hbm>>
      %dma_start3A_385 = arith.constant 0 : i32
      %dma_start3A_386 = tpu.memref_slice %arg10[%add3A_378, %dma_start3A_385] : memref<256x64xf32, #tpu.memory_space<vmem>> -> memref<1x64xf32, #tpu.memory_space<vmem>>
      %dma_start3A_387 = tpu.memref_squeeze %dma_start3A_386 : memref<1x64xf32, #tpu.memory_space<vmem>> -> memref<64xf32, #tpu.memory_space<vmem>>
      %dma_start3A_388 = arith.constant 0 : i32
      %dma_start3A_389 = tpu.memref_slice %arg5[%squeeze3A_374, %dma_start3A_388] : memref<1000000x64xf32, #tpu.memory_space<hbm>> -> memref<1x64xf32, #tpu.memory_space<hbm>>
      %dma_start3A_390 = tpu.memref_squeeze %dma_start3A_389 : memref<1x64xf32, #tpu.memory_space<hbm>> -> memref<64xf32, #tpu.memory_space<hbm>>
      tpu.enqueue_dma source(%dma_start3A_390 : memref<64xf32, #tpu.memory_space<hbm>>) target(%dma_start3A_387 : memref<64xf32, #tpu.memory_space<vmem>>) target_semaphore(%arg12 : memref<!tpu.dma_semaphore, #tpu.memory_space<semaphore_mem>>)
      %slice3A_391 = vector.extract_strided_slice %get3A_231 {offsets = [9], sizes = [1], strides = [1]} : vector<16xi32> to vector<1xi32>
      %squeeze3A_392 = vector.extract %slice3A_391[0] : i32 from vector<1xi32>
      %mul3A_393 = arith.constant 16 : i32
      %mul3A_394 = arith.muli %scan3A_225, %mul3A_393 : i32
      %add3A_395 = arith.constant 9 : i32
      %add3A_396 = arith.addi %mul3A_394, %add3A_395 : i32
      %dma_start3A_397 = arith.constant 0 : i32
      %dma_start3A_398 = tpu.memref_slice %arg10[%add3A_396, %dma_start3A_397] : memref<256x64xf32, #tpu.memory_space<vmem>> -> memref<1x64xf32, #tpu.memory_space<vmem>>
      %dma_start3A_399 = tpu.memref_squeeze %dma_start3A_398 : memref<1x64xf32, #tpu.memory_space<vmem>> -> memref<64xf32, #tpu.memory_space<vmem>>
      %dma_start3A_400 = arith.constant 0 : i32
      %dma_start3A_401 = tpu.memref_slice %arg5[%squeeze3A_392, %dma_start3A_400] : memref<1000000x64xf32, #tpu.memory_space<hbm>> -> memref<1x64xf32, #tpu.memory_space<hbm>>
      %dma_start3A_402 = tpu.memref_squeeze %dma_start3A_401 : memref<1x64xf32, #tpu.memory_space<hbm>> -> memref<64xf32, #tpu.memory_space<hbm>>
      %dma_start3A_403 = arith.constant 0 : i32
      %dma_start3A_404 = tpu.memref_slice %arg10[%add3A_396, %dma_start3A_403] : memref<256x64xf32, #tpu.memory_space<vmem>> -> memref<1x64xf32, #tpu.memory_space<vmem>>
      %dma_start3A_405 = tpu.memref_squeeze %dma_start3A_404 : memref<1x64xf32, #tpu.memory_space<vmem>> -> memref<64xf32, #tpu.memory_space<vmem>>
      %dma_start3A_406 = arith.constant 0 : i32
      %dma_start3A_407 = tpu.memref_slice %arg5[%squeeze3A_392, %dma_start3A_406] : memref<1000000x64xf32, #tpu.memory_space<hbm>> -> memref<1x64xf32, #tpu.memory_space<hbm>>
      %dma_start3A_408 = tpu.memref_squeeze %dma_start3A_407 : memref<1x64xf32, #tpu.memory_space<hbm>> -> memref<64xf32, #tpu.memory_space<hbm>>
      tpu.enqueue_dma source(%dma_start3A_408 : memref<64xf32, #tpu.memory_space<hbm>>) target(%dma_start3A_405 : memref<64xf32, #tpu.memory_space<vmem>>) target_semaphore(%arg13 : memref<!tpu.dma_semaphore, #tpu.memory_space<semaphore_mem>>)
      %slice3A_409 = vector.extract_strided_slice %get3A_231 {offsets = [10], sizes = [1], strides = [1]} : vector<16xi32> to vector<1xi32>
      %squeeze3A_410 = vector.extract %slice3A_409[0] : i32 from vector<1xi32>
      %mul3A_411 = arith.constant 16 : i32
      %mul3A_412 = arith.muli %scan3A_225, %mul3A_411 : i32
      %add3A_413 = arith.constant 10 : i32
      %add3A_414 = arith.addi %mul3A_412, %add3A_413 : i32
      %dma_start3A_415 = arith.constant 0 : i32
      %dma_start3A_416 = tpu.memref_slice %arg10[%add3A_414, %dma_start3A_415] : memref<256x64xf32, #tpu.memory_space<vmem>> -> memref<1x64xf32, #tpu.memory_space<vmem>>
      %dma_start3A_417 = tpu.memref_squeeze %dma_start3A_416 : memref<1x64xf32, #tpu.memory_space<vmem>> -> memref<64xf32, #tpu.memory_space<vmem>>
      %dma_start3A_418 = arith.constant 0 : i32
      %dma_start3A_419 = tpu.memref_slice %arg5[%squeeze3A_410, %dma_start3A_418] : memref<1000000x64xf32, #tpu.memory_space<hbm>> -> memref<1x64xf32, #tpu.memory_space<hbm>>
      %dma_start3A_420 = tpu.memref_squeeze %dma_start3A_419 : memref<1x64xf32, #tpu.memory_space<hbm>> -> memref<64xf32, #tpu.memory_space<hbm>>
      %dma_start3A_421 = arith.constant 0 : i32
      %dma_start3A_422 = tpu.memref_slice %arg10[%add3A_414, %dma_start3A_421] : memref<256x64xf32, #tpu.memory_space<vmem>> -> memref<1x64xf32, #tpu.memory_space<vmem>>
      %dma_start3A_423 = tpu.memref_squeeze %dma_start3A_422 : memref<1x64xf32, #tpu.memory_space<vmem>> -> memref<64xf32, #tpu.memory_space<vmem>>
      %dma_start3A_424 = arith.constant 0 : i32
      %dma_start3A_425 = tpu.memref_slice %arg5[%squeeze3A_410, %dma_start3A_424] : memref<1000000x64xf32, #tpu.memory_space<hbm>> -> memref<1x64xf32, #tpu.memory_space<hbm>>
      %dma_start3A_426 = tpu.memref_squeeze %dma_start3A_425 : memref<1x64xf32, #tpu.memory_space<hbm>> -> memref<64xf32, #tpu.memory_space<hbm>>
      tpu.enqueue_dma source(%dma_start3A_426 : memref<64xf32, #tpu.memory_space<hbm>>) target(%dma_start3A_423 : memref<64xf32, #tpu.memory_space<vmem>>) target_semaphore(%arg14 : memref<!tpu.dma_semaphore, #tpu.memory_space<semaphore_mem>>)
      %slice3A_427 = vector.extract_strided_slice %get3A_231 {offsets = [11], sizes = [1], strides = [1]} : vector<16xi32> to vector<1xi32>
      %squeeze3A_428 = vector.extract %slice3A_427[0] : i32 from vector<1xi32>
      %mul3A_429 = arith.constant 16 : i32
      %mul3A_430 = arith.muli %scan3A_225, %mul3A_429 : i32
      %add3A_431 = arith.constant 11 : i32
      %add3A_432 = arith.addi %mul3A_430, %add3A_431 : i32
      %dma_start3A_433 = arith.constant 0 : i32
      %dma_start3A_434 = tpu.memref_slice %arg10[%add3A_432, %dma_start3A_433] : memref<256x64xf32, #tpu.memory_space<vmem>> -> memref<1x64xf32, #tpu.memory_space<vmem>>
      %dma_start3A_435 = tpu.memref_squeeze %dma_start3A_434 : memref<1x64xf32, #tpu.memory_space<vmem>> -> memref<64xf32, #tpu.memory_space<vmem>>
      %dma_start3A_436 = arith.constant 0 : i32
      %dma_start3A_437 = tpu.memref_slice %arg5[%squeeze3A_428, %dma_start3A_436] : memref<1000000x64xf32, #tpu.memory_space<hbm>> -> memref<1x64xf32, #tpu.memory_space<hbm>>
      %dma_start3A_438 = tpu.memref_squeeze %dma_start3A_437 : memref<1x64xf32, #tpu.memory_space<hbm>> -> memref<64xf32, #tpu.memory_space<hbm>>
      %dma_start3A_439 = arith.constant 0 : i32
      %dma_start3A_440 = tpu.memref_slice %arg10[%add3A_432, %dma_start3A_439] : memref<256x64xf32, #tpu.memory_space<vmem>> -> memref<1x64xf32, #tpu.memory_space<vmem>>
      %dma_start3A_441 = tpu.memref_squeeze %dma_start3A_440 : memref<1x64xf32, #tpu.memory_space<vmem>> -> memref<64xf32, #tpu.memory_space<vmem>>
      %dma_start3A_442 = arith.constant 0 : i32
      %dma_start3A_443 = tpu.memref_slice %arg5[%squeeze3A_428, %dma_start3A_442] : memref<1000000x64xf32, #tpu.memory_space<hbm>> -> memref<1x64xf32, #tpu.memory_space<hbm>>
      %dma_start3A_444 = tpu.memref_squeeze %dma_start3A_443 : memref<1x64xf32, #tpu.memory_space<hbm>> -> memref<64xf32, #tpu.memory_space<hbm>>
      tpu.enqueue_dma source(%dma_start3A_444 : memref<64xf32, #tpu.memory_space<hbm>>) target(%dma_start3A_441 : memref<64xf32, #tpu.memory_space<vmem>>) target_semaphore(%arg15 : memref<!tpu.dma_semaphore, #tpu.memory_space<semaphore_mem>>)
      %slice3A_445 = vector.extract_strided_slice %get3A_231 {offsets = [12], sizes = [1], strides = [1]} : vector<16xi32> to vector<1xi32>
      %squeeze3A_446 = vector.extract %slice3A_445[0] : i32 from vector<1xi32>
      %mul3A_447 = arith.constant 16 : i32
      %mul3A_448 = arith.muli %scan3A_225, %mul3A_447 : i32
      %add3A_449 = arith.constant 12 : i32
      %add3A_450 = arith.addi %mul3A_448, %add3A_449 : i32
      %dma_start3A_451 = arith.constant 0 : i32
      %dma_start3A_452 = tpu.memref_slice %arg10[%add3A_450, %dma_start3A_451] : memref<256x64xf32, #tpu.memory_space<vmem>> -> memref<1x64xf32, #tpu.memory_space<vmem>>
      %dma_start3A_453 = tpu.memref_squeeze %dma_start3A_452 : memref<1x64xf32, #tpu.memory_space<vmem>> -> memref<64xf32, #tpu.memory_space<vmem>>
      %dma_start3A_454 = arith.constant 0 : i32
      %dma_start3A_455 = tpu.memref_slice %arg5[%squeeze3A_446, %dma_start3A_454] : memref<1000000x64xf32, #tpu.memory_space<hbm>> -> memref<1x64xf32, #tpu.memory_space<hbm>>
      %dma_start3A_456 = tpu.memref_squeeze %dma_start3A_455 : memref<1x64xf32, #tpu.memory_space<hbm>> -> memref<64xf32, #tpu.memory_space<hbm>>
      %dma_start3A_457 = arith.constant 0 : i32
      %dma_start3A_458 = tpu.memref_slice %arg10[%add3A_450, %dma_start3A_457] : memref<256x64xf32, #tpu.memory_space<vmem>> -> memref<1x64xf32, #tpu.memory_space<vmem>>
      %dma_start3A_459 = tpu.memref_squeeze %dma_start3A_458 : memref<1x64xf32, #tpu.memory_space<vmem>> -> memref<64xf32, #tpu.memory_space<vmem>>
      %dma_start3A_460 = arith.constant 0 : i32
      %dma_start3A_461 = tpu.memref_slice %arg5[%squeeze3A_446, %dma_start3A_460] : memref<1000000x64xf32, #tpu.memory_space<hbm>> -> memref<1x64xf32, #tpu.memory_space<hbm>>
      %dma_start3A_462 = tpu.memref_squeeze %dma_start3A_461 : memref<1x64xf32, #tpu.memory_space<hbm>> -> memref<64xf32, #tpu.memory_space<hbm>>
      tpu.enqueue_dma source(%dma_start3A_462 : memref<64xf32, #tpu.memory_space<hbm>>) target(%dma_start3A_459 : memref<64xf32, #tpu.memory_space<vmem>>) target_semaphore(%arg12 : memref<!tpu.dma_semaphore, #tpu.memory_space<semaphore_mem>>)
      %slice3A_463 = vector.extract_strided_slice %get3A_231 {offsets = [13], sizes = [1], strides = [1]} : vector<16xi32> to vector<1xi32>
      %squeeze3A_464 = vector.extract %slice3A_463[0] : i32 from vector<1xi32>
      %mul3A_465 = arith.constant 16 : i32
      %mul3A_466 = arith.muli %scan3A_225, %mul3A_465 : i32
      %add3A_467 = arith.constant 13 : i32
      %add3A_468 = arith.addi %mul3A_466, %add3A_467 : i32
      %dma_start3A_469 = arith.constant 0 : i32
      %dma_start3A_470 = tpu.memref_slice %arg10[%add3A_468, %dma_start3A_469] : memref<256x64xf32, #tpu.memory_space<vmem>> -> memref<1x64xf32, #tpu.memory_space<vmem>>
      %dma_start3A_471 = tpu.memref_squeeze %dma_start3A_470 : memref<1x64xf32, #tpu.memory_space<vmem>> -> memref<64xf32, #tpu.memory_space<vmem>>
      %dma_start3A_472 = arith.constant 0 : i32
      %dma_start3A_473 = tpu.memref_slice %arg5[%squeeze3A_464, %dma_start3A_472] : memref<1000000x64xf32, #tpu.memory_space<hbm>> -> memref<1x64xf32, #tpu.memory_space<hbm>>
      %dma_start3A_474 = tpu.memref_squeeze %dma_start3A_473 : memref<1x64xf32, #tpu.memory_space<hbm>> -> memref<64xf32, #tpu.memory_space<hbm>>
      %dma_start3A_475 = arith.constant 0 : i32
      %dma_start3A_476 = tpu.memref_slice %arg10[%add3A_468, %dma_start3A_475] : memref<256x64xf32, #tpu.memory_space<vmem>> -> memref<1x64xf32, #tpu.memory_space<vmem>>
      %dma_start3A_477 = tpu.memref_squeeze %dma_start3A_476 : memref<1x64xf32, #tpu.memory_space<vmem>> -> memref<64xf32, #tpu.memory_space<vmem>>
      %dma_start3A_478 = arith.constant 0 : i32
      %dma_start3A_479 = tpu.memref_slice %arg5[%squeeze3A_464, %dma_start3A_478] : memref<1000000x64xf32, #tpu.memory_space<hbm>> -> memref<1x64xf32, #tpu.memory_space<hbm>>
      %dma_start3A_480 = tpu.memref_squeeze %dma_start3A_479 : memref<1x64xf32, #tpu.memory_space<hbm>> -> memref<64xf32, #tpu.memory_space<hbm>>
      tpu.enqueue_dma source(%dma_start3A_480 : memref<64xf32, #tpu.memory_space<hbm>>) target(%dma_start3A_477 : memref<64xf32, #tpu.memory_space<vmem>>) target_semaphore(%arg13 : memref<!tpu.dma_semaphore, #tpu.memory_space<semaphore_mem>>)
      %slice3A_481 = vector.extract_strided_slice %get3A_231 {offsets = [14], sizes = [1], strides = [1]} : vector<16xi32> to vector<1xi32>
      %squeeze3A_482 = vector.extract %slice3A_481[0] : i32 from vector<1xi32>
      %mul3A_483 = arith.constant 16 : i32
      %mul3A_484 = arith.muli %scan3A_225, %mul3A_483 : i32
      %add3A_485 = arith.constant 14 : i32
      %add3A_486 = arith.addi %mul3A_484, %add3A_485 : i32
      %dma_start3A_487 = arith.constant 0 : i32
      %dma_start3A_488 = tpu.memref_slice %arg10[%add3A_486, %dma_start3A_487] : memref<256x64xf32, #tpu.memory_space<vmem>> -> memref<1x64xf32, #tpu.memory_space<vmem>>
      %dma_start3A_489 = tpu.memref_squeeze %dma_start3A_488 : memref<1x64xf32, #tpu.memory_space<vmem>> -> memref<64xf32, #tpu.memory_space<vmem>>
      %dma_start3A_490 = arith.constant 0 : i32
      %dma_start3A_491 = tpu.memref_slice %arg5[%squeeze3A_482, %dma_start3A_490] : memref<1000000x64xf32, #tpu.memory_space<hbm>> -> memref<1x64xf32, #tpu.memory_space<hbm>>
      %dma_start3A_492 = tpu.memref_squeeze %dma_start3A_491 : memref<1x64xf32, #tpu.memory_space<hbm>> -> memref<64xf32, #tpu.memory_space<hbm>>
      %dma_start3A_493 = arith.constant 0 : i32
      %dma_start3A_494 = tpu.memref_slice %arg10[%add3A_486, %dma_start3A_493] : memref<256x64xf32, #tpu.memory_space<vmem>> -> memref<1x64xf32, #tpu.memory_space<vmem>>
      %dma_start3A_495 = tpu.memref_squeeze %dma_start3A_494 : memref<1x64xf32, #tpu.memory_space<vmem>> -> memref<64xf32, #tpu.memory_space<vmem>>
      %dma_start3A_496 = arith.constant 0 : i32
      %dma_start3A_497 = tpu.memref_slice %arg5[%squeeze3A_482, %dma_start3A_496] : memref<1000000x64xf32, #tpu.memory_space<hbm>> -> memref<1x64xf32, #tpu.memory_space<hbm>>
      %dma_start3A_498 = tpu.memref_squeeze %dma_start3A_497 : memref<1x64xf32, #tpu.memory_space<hbm>> -> memref<64xf32, #tpu.memory_space<hbm>>
      tpu.enqueue_dma source(%dma_start3A_498 : memref<64xf32, #tpu.memory_space<hbm>>) target(%dma_start3A_495 : memref<64xf32, #tpu.memory_space<vmem>>) target_semaphore(%arg14 : memref<!tpu.dma_semaphore, #tpu.memory_space<semaphore_mem>>)
      %slice3A_499 = vector.extract_strided_slice %get3A_231 {offsets = [15], sizes = [1], strides = [1]} : vector<16xi32> to vector<1xi32>
      %squeeze3A_500 = vector.extract %slice3A_499[0] : i32 from vector<1xi32>
      %mul3A_501 = arith.constant 16 : i32
      %mul3A_502 = arith.muli %scan3A_225, %mul3A_501 : i32
      %add3A_503 = arith.constant 15 : i32
      %add3A_504 = arith.addi %mul3A_502, %add3A_503 : i32
      %dma_start3A_505 = arith.constant 0 : i32
      %dma_start3A_506 = tpu.memref_slice %arg10[%add3A_504, %dma_start3A_505] : memref<256x64xf32, #tpu.memory_space<vmem>> -> memref<1x64xf32, #tpu.memory_space<vmem>>
      %dma_start3A_507 = tpu.memref_squeeze %dma_start3A_506 : memref<1x64xf32, #tpu.memory_space<vmem>> -> memref<64xf32, #tpu.memory_space<vmem>>
      %dma_start3A_508 = arith.constant 0 : i32
      %dma_start3A_509 = tpu.memref_slice %arg5[%squeeze3A_500, %dma_start3A_508] : memref<1000000x64xf32, #tpu.memory_space<hbm>> -> memref<1x64xf32, #tpu.memory_space<hbm>>
      %dma_start3A_510 = tpu.memref_squeeze %dma_start3A_509 : memref<1x64xf32, #tpu.memory_space<hbm>> -> memref<64xf32, #tpu.memory_space<hbm>>
      %dma_start3A_511 = arith.constant 0 : i32
      %dma_start3A_512 = tpu.memref_slice %arg10[%add3A_504, %dma_start3A_511] : memref<256x64xf32, #tpu.memory_space<vmem>> -> memref<1x64xf32, #tpu.memory_space<vmem>>
      %dma_start3A_513 = tpu.memref_squeeze %dma_start3A_512 : memref<1x64xf32, #tpu.memory_space<vmem>> -> memref<64xf32, #tpu.memory_space<vmem>>
      %dma_start3A_514 = arith.constant 0 : i32
      %dma_start3A_515 = tpu.memref_slice %arg5[%squeeze3A_500, %dma_start3A_514] : memref<1000000x64xf32, #tpu.memory_space<hbm>> -> memref<1x64xf32, #tpu.memory_space<hbm>>
      %dma_start3A_516 = tpu.memref_squeeze %dma_start3A_515 : memref<1x64xf32, #tpu.memory_space<hbm>> -> memref<64xf32, #tpu.memory_space<hbm>>
      tpu.enqueue_dma source(%dma_start3A_516 : memref<64xf32, #tpu.memory_space<hbm>>) target(%dma_start3A_513 : memref<64xf32, #tpu.memory_space<vmem>>) target_semaphore(%arg15 : memref<!tpu.dma_semaphore, #tpu.memory_space<semaphore_mem>>)
    }
    %scan3A_68 = arith.constant 16 : i32
    %dma_wait3A_69 = arith.constant 0 : i32
    %dma_wait3A_70 = arith.constant 0 : i32
    %dma_wait3A_71 = tpu.memref_slice %arg11[%dma_wait3A_69, %dma_wait3A_70] : memref<256x64xf32, #tpu.memory_space<vmem>> -> memref<64x64xf32, #tpu.memory_space<vmem>>
    %dma_wait3A_72 = arith.constant 0 : i32
    %dma_wait3A_73 = arith.constant 0 : i32
    %dma_wait3A_74 = tpu.memref_slice %arg4[%dma_wait3A_72, %dma_wait3A_73] : memref<1000000x64xf32, #tpu.memory_space<hbm>> -> memref<64x64xf32, #tpu.memory_space<hbm>>
    %dma_wait3A_75 = arith.constant 0 : i32
    %dma_wait3A_76 = arith.constant 0 : i32
    %dma_wait3A_77 = tpu.memref_slice %arg11[%dma_wait3A_75, %dma_wait3A_76] : memref<256x64xf32, #tpu.memory_space<vmem>> -> memref<64x64xf32, #tpu.memory_space<vmem>>
    %dma_wait3A_78 = arith.constant 0 : i32
    %dma_wait3A_79 = arith.constant 0 : i32
    %dma_wait3A_80 = tpu.memref_slice %arg4[%dma_wait3A_78, %dma_wait3A_79] : memref<1000000x64xf32, #tpu.memory_space<hbm>> -> memref<64x64xf32, #tpu.memory_space<hbm>>
    tpu.wait_dma2 semaphore(%arg16 : memref<!tpu.dma_semaphore, #tpu.memory_space<semaphore_mem>>) src(%dma_wait3A_80 : memref<64x64xf32, #tpu.memory_space<hbm>>) dst(%dma_wait3A_77 : memref<64x64xf32, #tpu.memory_space<vmem>>)
    %dma_wait3A_81 = arith.constant 0 : i32
    %dma_wait3A_82 = arith.constant 0 : i32
    %dma_wait3A_83 = tpu.memref_slice %arg11[%dma_wait3A_81, %dma_wait3A_82] : memref<256x64xf32, #tpu.memory_space<vmem>> -> memref<64x64xf32, #tpu.memory_space<vmem>>
    %dma_wait3A_84 = arith.constant 0 : i32
    %dma_wait3A_85 = arith.constant 0 : i32
    %dma_wait3A_86 = tpu.memref_slice %arg4[%dma_wait3A_84, %dma_wait3A_85] : memref<1000000x64xf32, #tpu.memory_space<hbm>> -> memref<64x64xf32, #tpu.memory_space<hbm>>
    %dma_wait3A_87 = arith.constant 0 : i32
    %dma_wait3A_88 = arith.constant 0 : i32
    %dma_wait3A_89 = tpu.memref_slice %arg11[%dma_wait3A_87, %dma_wait3A_88] : memref<256x64xf32, #tpu.memory_space<vmem>> -> memref<64x64xf32, #tpu.memory_space<vmem>>
    %dma_wait3A_90 = arith.constant 0 : i32
    %dma_wait3A_91 = arith.constant 0 : i32
    %dma_wait3A_92 = tpu.memref_slice %arg4[%dma_wait3A_90, %dma_wait3A_91] : memref<1000000x64xf32, #tpu.memory_space<hbm>> -> memref<64x64xf32, #tpu.memory_space<hbm>>
    tpu.wait_dma2 semaphore(%arg17 : memref<!tpu.dma_semaphore, #tpu.memory_space<semaphore_mem>>) src(%dma_wait3A_92 : memref<64x64xf32, #tpu.memory_space<hbm>>) dst(%dma_wait3A_89 : memref<64x64xf32, #tpu.memory_space<vmem>>)
    %dma_wait3A_93 = arith.constant 0 : i32
    %dma_wait3A_94 = arith.constant 0 : i32
    %dma_wait3A_95 = tpu.memref_slice %arg11[%dma_wait3A_93, %dma_wait3A_94] : memref<256x64xf32, #tpu.memory_space<vmem>> -> memref<64x64xf32, #tpu.memory_space<vmem>>
    %dma_wait3A_96 = arith.constant 0 : i32
    %dma_wait3A_97 = arith.constant 0 : i32
    %dma_wait3A_98 = tpu.memref_slice %arg4[%dma_wait3A_96, %dma_wait3A_97] : memref<1000000x64xf32, #tpu.memory_space<hbm>> -> memref<64x64xf32, #tpu.memory_space<hbm>>
    %dma_wait3A_99 = arith.constant 0 : i32
    %dma_wait3A_100 = arith.constant 0 : i32
    %dma_wait3A_101 = tpu.memref_slice %arg11[%dma_wait3A_99, %dma_wait3A_100] : memref<256x64xf32, #tpu.memory_space<vmem>> -> memref<64x64xf32, #tpu.memory_space<vmem>>
    %dma_wait3A_102 = arith.constant 0 : i32
    %dma_wait3A_103 = arith.constant 0 : i32
    %dma_wait3A_104 = tpu.memref_slice %arg4[%dma_wait3A_102, %dma_wait3A_103] : memref<1000000x64xf32, #tpu.memory_space<hbm>> -> memref<64x64xf32, #tpu.memory_space<hbm>>
    tpu.wait_dma2 semaphore(%arg18 : memref<!tpu.dma_semaphore, #tpu.memory_space<semaphore_mem>>) src(%dma_wait3A_104 : memref<64x64xf32, #tpu.memory_space<hbm>>) dst(%dma_wait3A_101 : memref<64x64xf32, #tpu.memory_space<vmem>>)
    %dma_wait3A_105 = arith.constant 0 : i32
    %dma_wait3A_106 = arith.constant 0 : i32
    %dma_wait3A_107 = tpu.memref_slice %arg11[%dma_wait3A_105, %dma_wait3A_106] : memref<256x64xf32, #tpu.memory_space<vmem>> -> memref<64x64xf32, #tpu.memory_space<vmem>>
    %dma_wait3A_108 = arith.constant 0 : i32
    %dma_wait3A_109 = arith.constant 0 : i32
    %dma_wait3A_110 = tpu.memref_slice %arg4[%dma_wait3A_108, %dma_wait3A_109] : memref<1000000x64xf32, #tpu.memory_space<hbm>> -> memref<64x64xf32, #tpu.memory_space<hbm>>
    %dma_wait3A_111 = arith.constant 0 : i32
    %dma_wait3A_112 = arith.constant 0 : i32
    %dma_wait3A_113 = tpu.memref_slice %arg11[%dma_wait3A_111, %dma_wait3A_112] : memref<256x64xf32, #tpu.memory_space<vmem>> -> memref<64x64xf32, #tpu.memory_space<vmem>>
    %dma_wait3A_114 = arith.constant 0 : i32
    %dma_wait3A_115 = arith.constant 0 : i32
    %dma_wait3A_116 = tpu.memref_slice %arg4[%dma_wait3A_114, %dma_wait3A_115] : memref<1000000x64xf32, #tpu.memory_space<hbm>> -> memref<64x64xf32, #tpu.memory_space<hbm>>
    tpu.wait_dma2 semaphore(%arg19 : memref<!tpu.dma_semaphore, #tpu.memory_space<semaphore_mem>>) src(%dma_wait3A_116 : memref<64x64xf32, #tpu.memory_space<hbm>>) dst(%dma_wait3A_113 : memref<64x64xf32, #tpu.memory_space<vmem>>)
    %add3A_117 = arith.constant 256 : i32
    %add3A_118 = arith.addi %mul3A_2, %add3A_117 : i32
    "tpu.region"() ({
      %run_scoped3A = tpu.sem_alloc : memref<!tpu.dma_semaphore, #tpu.memory_space<semaphore_mem>>
      %dma_start3A = arith.constant 0 : i32
      %dma_start3A_225 = tpu.memref_slice %arg6[%add3A_118, %dma_start3A] : memref<16384x64xf32, #tpu.memory_space<hbm>> -> memref<256x64xf32, #tpu.memory_space<hbm>>
      %dma_start3A_226 = arith.constant 0 : i32
      %dma_start3A_227 = tpu.memref_slice %arg6[%add3A_118, %dma_start3A_226] : memref<16384x64xf32, #tpu.memory_space<hbm>> -> memref<256x64xf32, #tpu.memory_space<hbm>>
      tpu.enqueue_dma source(%arg11 : memref<256x64xf32, #tpu.memory_space<vmem>>) target(%dma_start3A_227 : memref<256x64xf32, #tpu.memory_space<hbm>>) target_semaphore(%run_scoped3A : memref<!tpu.dma_semaphore, #tpu.memory_space<semaphore_mem>>)
      %dma_wait3A_228 = arith.constant 0 : i32
      %dma_wait3A_229 = tpu.memref_slice %arg6[%add3A_118, %dma_wait3A_228] : memref<16384x64xf32, #tpu.memory_space<hbm>> -> memref<256x64xf32, #tpu.memory_space<hbm>>
      %dma_wait3A_230 = arith.constant 0 : i32
      %dma_wait3A_231 = tpu.memref_slice %arg6[%add3A_118, %dma_wait3A_230] : memref<16384x64xf32, #tpu.memory_space<hbm>> -> memref<256x64xf32, #tpu.memory_space<hbm>>
      tpu.wait_dma2 semaphore(%run_scoped3A : memref<!tpu.dma_semaphore, #tpu.memory_space<semaphore_mem>>) src(%arg11 : memref<256x64xf32, #tpu.memory_space<vmem>>) dst(%dma_wait3A_231 : memref<256x64xf32, #tpu.memory_space<hbm>>)
      tpu.yield
    }) : () -> ()
    %scan3A_119 = arith.constant 0 : i32
    %scan3A_120 = arith.constant 0 : i32
    %scan3A_121 = arith.constant 16 : i32
    %scan3A_122 = arith.addi %scan3A_120, %scan3A_121 : i32
    %scan3A_123 = arith.constant 1 : i32
    scf.for %scan3A_225 = %scan3A_120 to %scan3A_122 step %scan3A_123  : i32 {
      %mul3A_226 = arith.constant 16 : i32
      %mul3A_227 = arith.muli %scan3A_225, %mul3A_226 : i32
      %add3A_228 = arith.constant 256 : i32
      %add3A_229 = arith.addi %add3A_228, %mul3A_227 : i32
      %get3A = arith.index_cast %add3A_229 : i32 to index
      %get3A_230 = tpu.vector_load %arg9[%get3A] {strides = array<i32>} : memref<512xi32, #tpu.memory_space<vmem>>, vector<16xi32>,
      %get3A_231 = vector.shape_cast %get3A_230 : vector<16xi32> to vector<16xi32>
      %slice3A = vector.extract_strided_slice %get3A_231 {offsets = [0], sizes = [1], strides = [1]} : vector<16xi32> to vector<1xi32>
      %squeeze3A = vector.extract %slice3A[0] : i32 from vector<1xi32>
      %mul3A_232 = arith.constant 16 : i32
      %mul3A_233 = arith.muli %scan3A_225, %mul3A_232 : i32
      %add3A_234 = arith.constant 0 : i32
      %add3A_235 = arith.addi %mul3A_233, %add3A_234 : i32
      %dma_start3A = arith.constant 0 : i32
      %dma_start3A_236 = tpu.memref_slice %arg11[%add3A_235, %dma_start3A] : memref<256x64xf32, #tpu.memory_space<vmem>> -> memref<1x64xf32, #tpu.memory_space<vmem>>
      %dma_start3A_237 = tpu.memref_squeeze %dma_start3A_236 : memref<1x64xf32, #tpu.memory_space<vmem>> -> memref<64xf32, #tpu.memory_space<vmem>>
      %dma_start3A_238 = arith.constant 0 : i32
      %dma_start3A_239 = tpu.memref_slice %arg5[%squeeze3A, %dma_start3A_238] : memref<1000000x64xf32, #tpu.memory_space<hbm>> -> memref<1x64xf32, #tpu.memory_space<hbm>>
      %dma_start3A_240 = tpu.memref_squeeze %dma_start3A_239 : memref<1x64xf32, #tpu.memory_space<hbm>> -> memref<64xf32, #tpu.memory_space<hbm>>
      %dma_start3A_241 = arith.constant 0 : i32
      %dma_start3A_242 = tpu.memref_slice %arg11[%add3A_235, %dma_start3A_241] : memref<256x64xf32, #tpu.memory_space<vmem>> -> memref<1x64xf32, #tpu.memory_space<vmem>>
      %dma_start3A_243 = tpu.memref_squeeze %dma_start3A_242 : memref<1x64xf32, #tpu.memory_space<vmem>> -> memref<64xf32, #tpu.memory_space<vmem>>
      %dma_start3A_244 = arith.constant 0 : i32
      %dma_start3A_245 = tpu.memref_slice %arg5[%squeeze3A, %dma_start3A_244] : memref<1000000x64xf32, #tpu.memory_space<hbm>> -> memref<1x64xf32, #tpu.memory_space<hbm>>
      %dma_start3A_246 = tpu.memref_squeeze %dma_start3A_245 : memref<1x64xf32, #tpu.memory_space<hbm>> -> memref<64xf32, #tpu.memory_space<hbm>>
      tpu.enqueue_dma source(%dma_start3A_246 : memref<64xf32, #tpu.memory_space<hbm>>) target(%dma_start3A_243 : memref<64xf32, #tpu.memory_space<vmem>>) target_semaphore(%arg16 : memref<!tpu.dma_semaphore, #tpu.memory_space<semaphore_mem>>)
      %slice3A_247 = vector.extract_strided_slice %get3A_231 {offsets = [1], sizes = [1], strides = [1]} : vector<16xi32> to vector<1xi32>
      %squeeze3A_248 = vector.extract %slice3A_247[0] : i32 from vector<1xi32>
      %mul3A_249 = arith.constant 16 : i32
      %mul3A_250 = arith.muli %scan3A_225, %mul3A_249 : i32
      %add3A_251 = arith.constant 1 : i32
      %add3A_252 = arith.addi %mul3A_250, %add3A_251 : i32
      %dma_start3A_253 = arith.constant 0 : i32
      %dma_start3A_254 = tpu.memref_slice %arg11[%add3A_252, %dma_start3A_253] : memref<256x64xf32, #tpu.memory_space<vmem>> -> memref<1x64xf32, #tpu.memory_space<vmem>>
      %dma_start3A_255 = tpu.memref_squeeze %dma_start3A_254 : memref<1x64xf32, #tpu.memory_space<vmem>> -> memref<64xf32, #tpu.memory_space<vmem>>
      %dma_start3A_256 = arith.constant 0 : i32
      %dma_start3A_257 = tpu.memref_slice %arg5[%squeeze3A_248, %dma_start3A_256] : memref<1000000x64xf32, #tpu.memory_space<hbm>> -> memref<1x64xf32, #tpu.memory_space<hbm>>
      %dma_start3A_258 = tpu.memref_squeeze %dma_start3A_257 : memref<1x64xf32, #tpu.memory_space<hbm>> -> memref<64xf32, #tpu.memory_space<hbm>>
      %dma_start3A_259 = arith.constant 0 : i32
      %dma_start3A_260 = tpu.memref_slice %arg11[%add3A_252, %dma_start3A_259] : memref<256x64xf32, #tpu.memory_space<vmem>> -> memref<1x64xf32, #tpu.memory_space<vmem>>
      %dma_start3A_261 = tpu.memref_squeeze %dma_start3A_260 : memref<1x64xf32, #tpu.memory_space<vmem>> -> memref<64xf32, #tpu.memory_space<vmem>>
      %dma_start3A_262 = arith.constant 0 : i32
      %dma_start3A_263 = tpu.memref_slice %arg5[%squeeze3A_248, %dma_start3A_262] : memref<1000000x64xf32, #tpu.memory_space<hbm>> -> memref<1x64xf32, #tpu.memory_space<hbm>>
      %dma_start3A_264 = tpu.memref_squeeze %dma_start3A_263 : memref<1x64xf32, #tpu.memory_space<hbm>> -> memref<64xf32, #tpu.memory_space<hbm>>
      tpu.enqueue_dma source(%dma_start3A_264 : memref<64xf32, #tpu.memory_space<hbm>>) target(%dma_start3A_261 : memref<64xf32, #tpu.memory_space<vmem>>) target_semaphore(%arg17 : memref<!tpu.dma_semaphore, #tpu.memory_space<semaphore_mem>>)
      %slice3A_265 = vector.extract_strided_slice %get3A_231 {offsets = [2], sizes = [1], strides = [1]} : vector<16xi32> to vector<1xi32>
      %squeeze3A_266 = vector.extract %slice3A_265[0] : i32 from vector<1xi32>
      %mul3A_267 = arith.constant 16 : i32
      %mul3A_268 = arith.muli %scan3A_225, %mul3A_267 : i32
      %add3A_269 = arith.constant 2 : i32
      %add3A_270 = arith.addi %mul3A_268, %add3A_269 : i32
      %dma_start3A_271 = arith.constant 0 : i32
      %dma_start3A_272 = tpu.memref_slice %arg11[%add3A_270, %dma_start3A_271] : memref<256x64xf32, #tpu.memory_space<vmem>> -> memref<1x64xf32, #tpu.memory_space<vmem>>
      %dma_start3A_273 = tpu.memref_squeeze %dma_start3A_272 : memref<1x64xf32, #tpu.memory_space<vmem>> -> memref<64xf32, #tpu.memory_space<vmem>>
      %dma_start3A_274 = arith.constant 0 : i32
      %dma_start3A_275 = tpu.memref_slice %arg5[%squeeze3A_266, %dma_start3A_274] : memref<1000000x64xf32, #tpu.memory_space<hbm>> -> memref<1x64xf32, #tpu.memory_space<hbm>>
      %dma_start3A_276 = tpu.memref_squeeze %dma_start3A_275 : memref<1x64xf32, #tpu.memory_space<hbm>> -> memref<64xf32, #tpu.memory_space<hbm>>
      %dma_start3A_277 = arith.constant 0 : i32
      %dma_start3A_278 = tpu.memref_slice %arg11[%add3A_270, %dma_start3A_277] : memref<256x64xf32, #tpu.memory_space<vmem>> -> memref<1x64xf32, #tpu.memory_space<vmem>>
      %dma_start3A_279 = tpu.memref_squeeze %dma_start3A_278 : memref<1x64xf32, #tpu.memory_space<vmem>> -> memref<64xf32, #tpu.memory_space<vmem>>
      %dma_start3A_280 = arith.constant 0 : i32
      %dma_start3A_281 = tpu.memref_slice %arg5[%squeeze3A_266, %dma_start3A_280] : memref<1000000x64xf32, #tpu.memory_space<hbm>> -> memref<1x64xf32, #tpu.memory_space<hbm>>
      %dma_start3A_282 = tpu.memref_squeeze %dma_start3A_281 : memref<1x64xf32, #tpu.memory_space<hbm>> -> memref<64xf32, #tpu.memory_space<hbm>>
      tpu.enqueue_dma source(%dma_start3A_282 : memref<64xf32, #tpu.memory_space<hbm>>) target(%dma_start3A_279 : memref<64xf32, #tpu.memory_space<vmem>>) target_semaphore(%arg18 : memref<!tpu.dma_semaphore, #tpu.memory_space<semaphore_mem>>)
      %slice3A_283 = vector.extract_strided_slice %get3A_231 {offsets = [3], sizes = [1], strides = [1]} : vector<16xi32> to vector<1xi32>
      %squeeze3A_284 = vector.extract %slice3A_283[0] : i32 from vector<1xi32>
      %mul3A_285 = arith.constant 16 : i32
      %mul3A_286 = arith.muli %scan3A_225, %mul3A_285 : i32
      %add3A_287 = arith.constant 3 : i32
      %add3A_288 = arith.addi %mul3A_286, %add3A_287 : i32
      %dma_start3A_289 = arith.constant 0 : i32
      %dma_start3A_290 = tpu.memref_slice %arg11[%add3A_288, %dma_start3A_289] : memref<256x64xf32, #tpu.memory_space<vmem>> -> memref<1x64xf32, #tpu.memory_space<vmem>>
      %dma_start3A_291 = tpu.memref_squeeze %dma_start3A_290 : memref<1x64xf32, #tpu.memory_space<vmem>> -> memref<64xf32, #tpu.memory_space<vmem>>
      %dma_start3A_292 = arith.constant 0 : i32
      %dma_start3A_293 = tpu.memref_slice %arg5[%squeeze3A_284, %dma_start3A_292] : memref<1000000x64xf32, #tpu.memory_space<hbm>> -> memref<1x64xf32, #tpu.memory_space<hbm>>
      %dma_start3A_294 = tpu.memref_squeeze %dma_start3A_293 : memref<1x64xf32, #tpu.memory_space<hbm>> -> memref<64xf32, #tpu.memory_space<hbm>>
      %dma_start3A_295 = arith.constant 0 : i32
      %dma_start3A_296 = tpu.memref_slice %arg11[%add3A_288, %dma_start3A_295] : memref<256x64xf32, #tpu.memory_space<vmem>> -> memref<1x64xf32, #tpu.memory_space<vmem>>
      %dma_start3A_297 = tpu.memref_squeeze %dma_start3A_296 : memref<1x64xf32, #tpu.memory_space<vmem>> -> memref<64xf32, #tpu.memory_space<vmem>>
      %dma_start3A_298 = arith.constant 0 : i32
      %dma_start3A_299 = tpu.memref_slice %arg5[%squeeze3A_284, %dma_start3A_298] : memref<1000000x64xf32, #tpu.memory_space<hbm>> -> memref<1x64xf32, #tpu.memory_space<hbm>>
      %dma_start3A_300 = tpu.memref_squeeze %dma_start3A_299 : memref<1x64xf32, #tpu.memory_space<hbm>> -> memref<64xf32, #tpu.memory_space<hbm>>
      tpu.enqueue_dma source(%dma_start3A_300 : memref<64xf32, #tpu.memory_space<hbm>>) target(%dma_start3A_297 : memref<64xf32, #tpu.memory_space<vmem>>) target_semaphore(%arg19 : memref<!tpu.dma_semaphore, #tpu.memory_space<semaphore_mem>>)
      %slice3A_301 = vector.extract_strided_slice %get3A_231 {offsets = [4], sizes = [1], strides = [1]} : vector<16xi32> to vector<1xi32>
      %squeeze3A_302 = vector.extract %slice3A_301[0] : i32 from vector<1xi32>
      %mul3A_303 = arith.constant 16 : i32
      %mul3A_304 = arith.muli %scan3A_225, %mul3A_303 : i32
      %add3A_305 = arith.constant 4 : i32
      %add3A_306 = arith.addi %mul3A_304, %add3A_305 : i32
      %dma_start3A_307 = arith.constant 0 : i32
      %dma_start3A_308 = tpu.memref_slice %arg11[%add3A_306, %dma_start3A_307] : memref<256x64xf32, #tpu.memory_space<vmem>> -> memref<1x64xf32, #tpu.memory_space<vmem>>
      %dma_start3A_309 = tpu.memref_squeeze %dma_start3A_308 : memref<1x64xf32, #tpu.memory_space<vmem>> -> memref<64xf32, #tpu.memory_space<vmem>>
      %dma_start3A_310 = arith.constant 0 : i32
      %dma_start3A_311 = tpu.memref_slice %arg5[%squeeze3A_302, %dma_start3A_310] : memref<1000000x64xf32, #tpu.memory_space<hbm>> -> memref<1x64xf32, #tpu.memory_space<hbm>>
      %dma_start3A_312 = tpu.memref_squeeze %dma_start3A_311 : memref<1x64xf32, #tpu.memory_space<hbm>> -> memref<64xf32, #tpu.memory_space<hbm>>
      %dma_start3A_313 = arith.constant 0 : i32
      %dma_start3A_314 = tpu.memref_slice %arg11[%add3A_306, %dma_start3A_313] : memref<256x64xf32, #tpu.memory_space<vmem>> -> memref<1x64xf32, #tpu.memory_space<vmem>>
      %dma_start3A_315 = tpu.memref_squeeze %dma_start3A_314 : memref<1x64xf32, #tpu.memory_space<vmem>> -> memref<64xf32, #tpu.memory_space<vmem>>
      %dma_start3A_316 = arith.constant 0 : i32
      %dma_start3A_317 = tpu.memref_slice %arg5[%squeeze3A_302, %dma_start3A_316] : memref<1000000x64xf32, #tpu.memory_space<hbm>> -> memref<1x64xf32, #tpu.memory_space<hbm>>
      %dma_start3A_318 = tpu.memref_squeeze %dma_start3A_317 : memref<1x64xf32, #tpu.memory_space<hbm>> -> memref<64xf32, #tpu.memory_space<hbm>>
      tpu.enqueue_dma source(%dma_start3A_318 : memref<64xf32, #tpu.memory_space<hbm>>) target(%dma_start3A_315 : memref<64xf32, #tpu.memory_space<vmem>>) target_semaphore(%arg16 : memref<!tpu.dma_semaphore, #tpu.memory_space<semaphore_mem>>)
      %slice3A_319 = vector.extract_strided_slice %get3A_231 {offsets = [5], sizes = [1], strides = [1]} : vector<16xi32> to vector<1xi32>
      %squeeze3A_320 = vector.extract %slice3A_319[0] : i32 from vector<1xi32>
      %mul3A_321 = arith.constant 16 : i32
      %mul3A_322 = arith.muli %scan3A_225, %mul3A_321 : i32
      %add3A_323 = arith.constant 5 : i32
      %add3A_324 = arith.addi %mul3A_322, %add3A_323 : i32
      %dma_start3A_325 = arith.constant 0 : i32
      %dma_start3A_326 = tpu.memref_slice %arg11[%add3A_324, %dma_start3A_325] : memref<256x64xf32, #tpu.memory_space<vmem>> -> memref<1x64xf32, #tpu.memory_space<vmem>>
      %dma_start3A_327 = tpu.memref_squeeze %dma_start3A_326 : memref<1x64xf32, #tpu.memory_space<vmem>> -> memref<64xf32, #tpu.memory_space<vmem>>
      %dma_start3A_328 = arith.constant 0 : i32
      %dma_start3A_329 = tpu.memref_slice %arg5[%squeeze3A_320, %dma_start3A_328] : memref<1000000x64xf32, #tpu.memory_space<hbm>> -> memref<1x64xf32, #tpu.memory_space<hbm>>
      %dma_start3A_330 = tpu.memref_squeeze %dma_start3A_329 : memref<1x64xf32, #tpu.memory_space<hbm>> -> memref<64xf32, #tpu.memory_space<hbm>>
      %dma_start3A_331 = arith.constant 0 : i32
      %dma_start3A_332 = tpu.memref_slice %arg11[%add3A_324, %dma_start3A_331] : memref<256x64xf32, #tpu.memory_space<vmem>> -> memref<1x64xf32, #tpu.memory_space<vmem>>
      %dma_start3A_333 = tpu.memref_squeeze %dma_start3A_332 : memref<1x64xf32, #tpu.memory_space<vmem>> -> memref<64xf32, #tpu.memory_space<vmem>>
      %dma_start3A_334 = arith.constant 0 : i32
      %dma_start3A_335 = tpu.memref_slice %arg5[%squeeze3A_320, %dma_start3A_334] : memref<1000000x64xf32, #tpu.memory_space<hbm>> -> memref<1x64xf32, #tpu.memory_space<hbm>>
      %dma_start3A_336 = tpu.memref_squeeze %dma_start3A_335 : memref<1x64xf32, #tpu.memory_space<hbm>> -> memref<64xf32, #tpu.memory_space<hbm>>
      tpu.enqueue_dma source(%dma_start3A_336 : memref<64xf32, #tpu.memory_space<hbm>>) target(%dma_start3A_333 : memref<64xf32, #tpu.memory_space<vmem>>) target_semaphore(%arg17 : memref<!tpu.dma_semaphore, #tpu.memory_space<semaphore_mem>>)
      %slice3A_337 = vector.extract_strided_slice %get3A_231 {offsets = [6], sizes = [1], strides = [1]} : vector<16xi32> to vector<1xi32>
      %squeeze3A_338 = vector.extract %slice3A_337[0] : i32 from vector<1xi32>
      %mul3A_339 = arith.constant 16 : i32
      %mul3A_340 = arith.muli %scan3A_225, %mul3A_339 : i32
      %add3A_341 = arith.constant 6 : i32
      %add3A_342 = arith.addi %mul3A_340, %add3A_341 : i32
      %dma_start3A_343 = arith.constant 0 : i32
      %dma_start3A_344 = tpu.memref_slice %arg11[%add3A_342, %dma_start3A_343] : memref<256x64xf32, #tpu.memory_space<vmem>> -> memref<1x64xf32, #tpu.memory_space<vmem>>
      %dma_start3A_345 = tpu.memref_squeeze %dma_start3A_344 : memref<1x64xf32, #tpu.memory_space<vmem>> -> memref<64xf32, #tpu.memory_space<vmem>>
      %dma_start3A_346 = arith.constant 0 : i32
      %dma_start3A_347 = tpu.memref_slice %arg5[%squeeze3A_338, %dma_start3A_346] : memref<1000000x64xf32, #tpu.memory_space<hbm>> -> memref<1x64xf32, #tpu.memory_space<hbm>>
      %dma_start3A_348 = tpu.memref_squeeze %dma_start3A_347 : memref<1x64xf32, #tpu.memory_space<hbm>> -> memref<64xf32, #tpu.memory_space<hbm>>
      %dma_start3A_349 = arith.constant 0 : i32
      %dma_start3A_350 = tpu.memref_slice %arg11[%add3A_342, %dma_start3A_349] : memref<256x64xf32, #tpu.memory_space<vmem>> -> memref<1x64xf32, #tpu.memory_space<vmem>>
      %dma_start3A_351 = tpu.memref_squeeze %dma_start3A_350 : memref<1x64xf32, #tpu.memory_space<vmem>> -> memref<64xf32, #tpu.memory_space<vmem>>
      %dma_start3A_352 = arith.constant 0 : i32
      %dma_start3A_353 = tpu.memref_slice %arg5[%squeeze3A_338, %dma_start3A_352] : memref<1000000x64xf32, #tpu.memory_space<hbm>> -> memref<1x64xf32, #tpu.memory_space<hbm>>
      %dma_start3A_354 = tpu.memref_squeeze %dma_start3A_353 : memref<1x64xf32, #tpu.memory_space<hbm>> -> memref<64xf32, #tpu.memory_space<hbm>>
      tpu.enqueue_dma source(%dma_start3A_354 : memref<64xf32, #tpu.memory_space<hbm>>) target(%dma_start3A_351 : memref<64xf32, #tpu.memory_space<vmem>>) target_semaphore(%arg18 : memref<!tpu.dma_semaphore, #tpu.memory_space<semaphore_mem>>)
      %slice3A_355 = vector.extract_strided_slice %get3A_231 {offsets = [7], sizes = [1], strides = [1]} : vector<16xi32> to vector<1xi32>
      %squeeze3A_356 = vector.extract %slice3A_355[0] : i32 from vector<1xi32>
      %mul3A_357 = arith.constant 16 : i32
      %mul3A_358 = arith.muli %scan3A_225, %mul3A_357 : i32
      %add3A_359 = arith.constant 7 : i32
      %add3A_360 = arith.addi %mul3A_358, %add3A_359 : i32
      %dma_start3A_361 = arith.constant 0 : i32
      %dma_start3A_362 = tpu.memref_slice %arg11[%add3A_360, %dma_start3A_361] : memref<256x64xf32, #tpu.memory_space<vmem>> -> memref<1x64xf32, #tpu.memory_space<vmem>>
      %dma_start3A_363 = tpu.memref_squeeze %dma_start3A_362 : memref<1x64xf32, #tpu.memory_space<vmem>> -> memref<64xf32, #tpu.memory_space<vmem>>
      %dma_start3A_364 = arith.constant 0 : i32
      %dma_start3A_365 = tpu.memref_slice %arg5[%squeeze3A_356, %dma_start3A_364] : memref<1000000x64xf32, #tpu.memory_space<hbm>> -> memref<1x64xf32, #tpu.memory_space<hbm>>
      %dma_start3A_366 = tpu.memref_squeeze %dma_start3A_365 : memref<1x64xf32, #tpu.memory_space<hbm>> -> memref<64xf32, #tpu.memory_space<hbm>>
      %dma_start3A_367 = arith.constant 0 : i32
      %dma_start3A_368 = tpu.memref_slice %arg11[%add3A_360, %dma_start3A_367] : memref<256x64xf32, #tpu.memory_space<vmem>> -> memref<1x64xf32, #tpu.memory_space<vmem>>
      %dma_start3A_369 = tpu.memref_squeeze %dma_start3A_368 : memref<1x64xf32, #tpu.memory_space<vmem>> -> memref<64xf32, #tpu.memory_space<vmem>>
      %dma_start3A_370 = arith.constant 0 : i32
      %dma_start3A_371 = tpu.memref_slice %arg5[%squeeze3A_356, %dma_start3A_370] : memref<1000000x64xf32, #tpu.memory_space<hbm>> -> memref<1x64xf32, #tpu.memory_space<hbm>>
      %dma_start3A_372 = tpu.memref_squeeze %dma_start3A_371 : memref<1x64xf32, #tpu.memory_space<hbm>> -> memref<64xf32, #tpu.memory_space<hbm>>
      tpu.enqueue_dma source(%dma_start3A_372 : memref<64xf32, #tpu.memory_space<hbm>>) target(%dma_start3A_369 : memref<64xf32, #tpu.memory_space<vmem>>) target_semaphore(%arg19 : memref<!tpu.dma_semaphore, #tpu.memory_space<semaphore_mem>>)
      %slice3A_373 = vector.extract_strided_slice %get3A_231 {offsets = [8], sizes = [1], strides = [1]} : vector<16xi32> to vector<1xi32>
      %squeeze3A_374 = vector.extract %slice3A_373[0] : i32 from vector<1xi32>
      %mul3A_375 = arith.constant 16 : i32
      %mul3A_376 = arith.muli %scan3A_225, %mul3A_375 : i32
      %add3A_377 = arith.constant 8 : i32
      %add3A_378 = arith.addi %mul3A_376, %add3A_377 : i32
      %dma_start3A_379 = arith.constant 0 : i32
      %dma_start3A_380 = tpu.memref_slice %arg11[%add3A_378, %dma_start3A_379] : memref<256x64xf32, #tpu.memory_space<vmem>> -> memref<1x64xf32, #tpu.memory_space<vmem>>
      %dma_start3A_381 = tpu.memref_squeeze %dma_start3A_380 : memref<1x64xf32, #tpu.memory_space<vmem>> -> memref<64xf32, #tpu.memory_space<vmem>>
      %dma_start3A_382 = arith.constant 0 : i32
      %dma_start3A_383 = tpu.memref_slice %arg5[%squeeze3A_374, %dma_start3A_382] : memref<1000000x64xf32, #tpu.memory_space<hbm>> -> memref<1x64xf32, #tpu.memory_space<hbm>>
      %dma_start3A_384 = tpu.memref_squeeze %dma_start3A_383 : memref<1x64xf32, #tpu.memory_space<hbm>> -> memref<64xf32, #tpu.memory_space<hbm>>
      %dma_start3A_385 = arith.constant 0 : i32
      %dma_start3A_386 = tpu.memref_slice %arg11[%add3A_378, %dma_start3A_385] : memref<256x64xf32, #tpu.memory_space<vmem>> -> memref<1x64xf32, #tpu.memory_space<vmem>>
      %dma_start3A_387 = tpu.memref_squeeze %dma_start3A_386 : memref<1x64xf32, #tpu.memory_space<vmem>> -> memref<64xf32, #tpu.memory_space<vmem>>
      %dma_start3A_388 = arith.constant 0 : i32
      %dma_start3A_389 = tpu.memref_slice %arg5[%squeeze3A_374, %dma_start3A_388] : memref<1000000x64xf32, #tpu.memory_space<hbm>> -> memref<1x64xf32, #tpu.memory_space<hbm>>
      %dma_start3A_390 = tpu.memref_squeeze %dma_start3A_389 : memref<1x64xf32, #tpu.memory_space<hbm>> -> memref<64xf32, #tpu.memory_space<hbm>>
      tpu.enqueue_dma source(%dma_start3A_390 : memref<64xf32, #tpu.memory_space<hbm>>) target(%dma_start3A_387 : memref<64xf32, #tpu.memory_space<vmem>>) target_semaphore(%arg16 : memref<!tpu.dma_semaphore, #tpu.memory_space<semaphore_mem>>)
      %slice3A_391 = vector.extract_strided_slice %get3A_231 {offsets = [9], sizes = [1], strides = [1]} : vector<16xi32> to vector<1xi32>
      %squeeze3A_392 = vector.extract %slice3A_391[0] : i32 from vector<1xi32>
      %mul3A_393 = arith.constant 16 : i32
      %mul3A_394 = arith.muli %scan3A_225, %mul3A_393 : i32
      %add3A_395 = arith.constant 9 : i32
      %add3A_396 = arith.addi %mul3A_394, %add3A_395 : i32
      %dma_start3A_397 = arith.constant 0 : i32
      %dma_start3A_398 = tpu.memref_slice %arg11[%add3A_396, %dma_start3A_397] : memref<256x64xf32, #tpu.memory_space<vmem>> -> memref<1x64xf32, #tpu.memory_space<vmem>>
      %dma_start3A_399 = tpu.memref_squeeze %dma_start3A_398 : memref<1x64xf32, #tpu.memory_space<vmem>> -> memref<64xf32, #tpu.memory_space<vmem>>
      %dma_start3A_400 = arith.constant 0 : i32
      %dma_start3A_401 = tpu.memref_slice %arg5[%squeeze3A_392, %dma_start3A_400] : memref<1000000x64xf32, #tpu.memory_space<hbm>> -> memref<1x64xf32, #tpu.memory_space<hbm>>
      %dma_start3A_402 = tpu.memref_squeeze %dma_start3A_401 : memref<1x64xf32, #tpu.memory_space<hbm>> -> memref<64xf32, #tpu.memory_space<hbm>>
      %dma_start3A_403 = arith.constant 0 : i32
      %dma_start3A_404 = tpu.memref_slice %arg11[%add3A_396, %dma_start3A_403] : memref<256x64xf32, #tpu.memory_space<vmem>> -> memref<1x64xf32, #tpu.memory_space<vmem>>
      %dma_start3A_405 = tpu.memref_squeeze %dma_start3A_404 : memref<1x64xf32, #tpu.memory_space<vmem>> -> memref<64xf32, #tpu.memory_space<vmem>>
      %dma_start3A_406 = arith.constant 0 : i32
      %dma_start3A_407 = tpu.memref_slice %arg5[%squeeze3A_392, %dma_start3A_406] : memref<1000000x64xf32, #tpu.memory_space<hbm>> -> memref<1x64xf32, #tpu.memory_space<hbm>>
      %dma_start3A_408 = tpu.memref_squeeze %dma_start3A_407 : memref<1x64xf32, #tpu.memory_space<hbm>> -> memref<64xf32, #tpu.memory_space<hbm>>
      tpu.enqueue_dma source(%dma_start3A_408 : memref<64xf32, #tpu.memory_space<hbm>>) target(%dma_start3A_405 : memref<64xf32, #tpu.memory_space<vmem>>) target_semaphore(%arg17 : memref<!tpu.dma_semaphore, #tpu.memory_space<semaphore_mem>>)
      %slice3A_409 = vector.extract_strided_slice %get3A_231 {offsets = [10], sizes = [1], strides = [1]} : vector<16xi32> to vector<1xi32>
      %squeeze3A_410 = vector.extract %slice3A_409[0] : i32 from vector<1xi32>
      %mul3A_411 = arith.constant 16 : i32
      %mul3A_412 = arith.muli %scan3A_225, %mul3A_411 : i32
      %add3A_413 = arith.constant 10 : i32
      %add3A_414 = arith.addi %mul3A_412, %add3A_413 : i32
      %dma_start3A_415 = arith.constant 0 : i32
      %dma_start3A_416 = tpu.memref_slice %arg11[%add3A_414, %dma_start3A_415] : memref<256x64xf32, #tpu.memory_space<vmem>> -> memref<1x64xf32, #tpu.memory_space<vmem>>
      %dma_start3A_417 = tpu.memref_squeeze %dma_start3A_416 : memref<1x64xf32, #tpu.memory_space<vmem>> -> memref<64xf32, #tpu.memory_space<vmem>>
      %dma_start3A_418 = arith.constant 0 : i32
      %dma_start3A_419 = tpu.memref_slice %arg5[%squeeze3A_410, %dma_start3A_418] : memref<1000000x64xf32, #tpu.memory_space<hbm>> -> memref<1x64xf32, #tpu.memory_space<hbm>>
      %dma_start3A_420 = tpu.memref_squeeze %dma_start3A_419 : memref<1x64xf32, #tpu.memory_space<hbm>> -> memref<64xf32, #tpu.memory_space<hbm>>
      %dma_start3A_421 = arith.constant 0 : i32
      %dma_start3A_422 = tpu.memref_slice %arg11[%add3A_414, %dma_start3A_421] : memref<256x64xf32, #tpu.memory_space<vmem>> -> memref<1x64xf32, #tpu.memory_space<vmem>>
      %dma_start3A_423 = tpu.memref_squeeze %dma_start3A_422 : memref<1x64xf32, #tpu.memory_space<vmem>> -> memref<64xf32, #tpu.memory_space<vmem>>
      %dma_start3A_424 = arith.constant 0 : i32
      %dma_start3A_425 = tpu.memref_slice %arg5[%squeeze3A_410, %dma_start3A_424] : memref<1000000x64xf32, #tpu.memory_space<hbm>> -> memref<1x64xf32, #tpu.memory_space<hbm>>
      %dma_start3A_426 = tpu.memref_squeeze %dma_start3A_425 : memref<1x64xf32, #tpu.memory_space<hbm>> -> memref<64xf32, #tpu.memory_space<hbm>>
      tpu.enqueue_dma source(%dma_start3A_426 : memref<64xf32, #tpu.memory_space<hbm>>) target(%dma_start3A_423 : memref<64xf32, #tpu.memory_space<vmem>>) target_semaphore(%arg18 : memref<!tpu.dma_semaphore, #tpu.memory_space<semaphore_mem>>)
      %slice3A_427 = vector.extract_strided_slice %get3A_231 {offsets = [11], sizes = [1], strides = [1]} : vector<16xi32> to vector<1xi32>
      %squeeze3A_428 = vector.extract %slice3A_427[0] : i32 from vector<1xi32>
      %mul3A_429 = arith.constant 16 : i32
      %mul3A_430 = arith.muli %scan3A_225, %mul3A_429 : i32
      %add3A_431 = arith.constant 11 : i32
      %add3A_432 = arith.addi %mul3A_430, %add3A_431 : i32
      %dma_start3A_433 = arith.constant 0 : i32
      %dma_start3A_434 = tpu.memref_slice %arg11[%add3A_432, %dma_start3A_433] : memref<256x64xf32, #tpu.memory_space<vmem>> -> memref<1x64xf32, #tpu.memory_space<vmem>>
      %dma_start3A_435 = tpu.memref_squeeze %dma_start3A_434 : memref<1x64xf32, #tpu.memory_space<vmem>> -> memref<64xf32, #tpu.memory_space<vmem>>
      %dma_start3A_436 = arith.constant 0 : i32
      %dma_start3A_437 = tpu.memref_slice %arg5[%squeeze3A_428, %dma_start3A_436] : memref<1000000x64xf32, #tpu.memory_space<hbm>> -> memref<1x64xf32, #tpu.memory_space<hbm>>
      %dma_start3A_438 = tpu.memref_squeeze %dma_start3A_437 : memref<1x64xf32, #tpu.memory_space<hbm>> -> memref<64xf32, #tpu.memory_space<hbm>>
      %dma_start3A_439 = arith.constant 0 : i32
      %dma_start3A_440 = tpu.memref_slice %arg11[%add3A_432, %dma_start3A_439] : memref<256x64xf32, #tpu.memory_space<vmem>> -> memref<1x64xf32, #tpu.memory_space<vmem>>
      %dma_start3A_441 = tpu.memref_squeeze %dma_start3A_440 : memref<1x64xf32, #tpu.memory_space<vmem>> -> memref<64xf32, #tpu.memory_space<vmem>>
      %dma_start3A_442 = arith.constant 0 : i32
      %dma_start3A_443 = tpu.memref_slice %arg5[%squeeze3A_428, %dma_start3A_442] : memref<1000000x64xf32, #tpu.memory_space<hbm>> -> memref<1x64xf32, #tpu.memory_space<hbm>>
      %dma_start3A_444 = tpu.memref_squeeze %dma_start3A_443 : memref<1x64xf32, #tpu.memory_space<hbm>> -> memref<64xf32, #tpu.memory_space<hbm>>
      tpu.enqueue_dma source(%dma_start3A_444 : memref<64xf32, #tpu.memory_space<hbm>>) target(%dma_start3A_441 : memref<64xf32, #tpu.memory_space<vmem>>) target_semaphore(%arg19 : memref<!tpu.dma_semaphore, #tpu.memory_space<semaphore_mem>>)
      %slice3A_445 = vector.extract_strided_slice %get3A_231 {offsets = [12], sizes = [1], strides = [1]} : vector<16xi32> to vector<1xi32>
      %squeeze3A_446 = vector.extract %slice3A_445[0] : i32 from vector<1xi32>
      %mul3A_447 = arith.constant 16 : i32
      %mul3A_448 = arith.muli %scan3A_225, %mul3A_447 : i32
      %add3A_449 = arith.constant 12 : i32
      %add3A_450 = arith.addi %mul3A_448, %add3A_449 : i32
      %dma_start3A_451 = arith.constant 0 : i32
      %dma_start3A_452 = tpu.memref_slice %arg11[%add3A_450, %dma_start3A_451] : memref<256x64xf32, #tpu.memory_space<vmem>> -> memref<1x64xf32, #tpu.memory_space<vmem>>
      %dma_start3A_453 = tpu.memref_squeeze %dma_start3A_452 : memref<1x64xf32, #tpu.memory_space<vmem>> -> memref<64xf32, #tpu.memory_space<vmem>>
      %dma_start3A_454 = arith.constant 0 : i32
      %dma_start3A_455 = tpu.memref_slice %arg5[%squeeze3A_446, %dma_start3A_454] : memref<1000000x64xf32, #tpu.memory_space<hbm>> -> memref<1x64xf32, #tpu.memory_space<hbm>>
      %dma_start3A_456 = tpu.memref_squeeze %dma_start3A_455 : memref<1x64xf32, #tpu.memory_space<hbm>> -> memref<64xf32, #tpu.memory_space<hbm>>
      %dma_start3A_457 = arith.constant 0 : i32
      %dma_start3A_458 = tpu.memref_slice %arg11[%add3A_450, %dma_start3A_457] : memref<256x64xf32, #tpu.memory_space<vmem>> -> memref<1x64xf32, #tpu.memory_space<vmem>>
      %dma_start3A_459 = tpu.memref_squeeze %dma_start3A_458 : memref<1x64xf32, #tpu.memory_space<vmem>> -> memref<64xf32, #tpu.memory_space<vmem>>
      %dma_start3A_460 = arith.constant 0 : i32
      %dma_start3A_461 = tpu.memref_slice %arg5[%squeeze3A_446, %dma_start3A_460] : memref<1000000x64xf32, #tpu.memory_space<hbm>> -> memref<1x64xf32, #tpu.memory_space<hbm>>
      %dma_start3A_462 = tpu.memref_squeeze %dma_start3A_461 : memref<1x64xf32, #tpu.memory_space<hbm>> -> memref<64xf32, #tpu.memory_space<hbm>>
      tpu.enqueue_dma source(%dma_start3A_462 : memref<64xf32, #tpu.memory_space<hbm>>) target(%dma_start3A_459 : memref<64xf32, #tpu.memory_space<vmem>>) target_semaphore(%arg16 : memref<!tpu.dma_semaphore, #tpu.memory_space<semaphore_mem>>)
      %slice3A_463 = vector.extract_strided_slice %get3A_231 {offsets = [13], sizes = [1], strides = [1]} : vector<16xi32> to vector<1xi32>
      %squeeze3A_464 = vector.extract %slice3A_463[0] : i32 from vector<1xi32>
      %mul3A_465 = arith.constant 16 : i32
      %mul3A_466 = arith.muli %scan3A_225, %mul3A_465 : i32
      %add3A_467 = arith.constant 13 : i32
      %add3A_468 = arith.addi %mul3A_466, %add3A_467 : i32
      %dma_start3A_469 = arith.constant 0 : i32
      %dma_start3A_470 = tpu.memref_slice %arg11[%add3A_468, %dma_start3A_469] : memref<256x64xf32, #tpu.memory_space<vmem>> -> memref<1x64xf32, #tpu.memory_space<vmem>>
      %dma_start3A_471 = tpu.memref_squeeze %dma_start3A_470 : memref<1x64xf32, #tpu.memory_space<vmem>> -> memref<64xf32, #tpu.memory_space<vmem>>
      %dma_start3A_472 = arith.constant 0 : i32
      %dma_start3A_473 = tpu.memref_slice %arg5[%squeeze3A_464, %dma_start3A_472] : memref<1000000x64xf32, #tpu.memory_space<hbm>> -> memref<1x64xf32, #tpu.memory_space<hbm>>
      %dma_start3A_474 = tpu.memref_squeeze %dma_start3A_473 : memref<1x64xf32, #tpu.memory_space<hbm>> -> memref<64xf32, #tpu.memory_space<hbm>>
      %dma_start3A_475 = arith.constant 0 : i32
      %dma_start3A_476 = tpu.memref_slice %arg11[%add3A_468, %dma_start3A_475] : memref<256x64xf32, #tpu.memory_space<vmem>> -> memref<1x64xf32, #tpu.memory_space<vmem>>
      %dma_start3A_477 = tpu.memref_squeeze %dma_start3A_476 : memref<1x64xf32, #tpu.memory_space<vmem>> -> memref<64xf32, #tpu.memory_space<vmem>>
      %dma_start3A_478 = arith.constant 0 : i32
      %dma_start3A_479 = tpu.memref_slice %arg5[%squeeze3A_464, %dma_start3A_478] : memref<1000000x64xf32, #tpu.memory_space<hbm>> -> memref<1x64xf32, #tpu.memory_space<hbm>>
      %dma_start3A_480 = tpu.memref_squeeze %dma_start3A_479 : memref<1x64xf32, #tpu.memory_space<hbm>> -> memref<64xf32, #tpu.memory_space<hbm>>
      tpu.enqueue_dma source(%dma_start3A_480 : memref<64xf32, #tpu.memory_space<hbm>>) target(%dma_start3A_477 : memref<64xf32, #tpu.memory_space<vmem>>) target_semaphore(%arg17 : memref<!tpu.dma_semaphore, #tpu.memory_space<semaphore_mem>>)
      %slice3A_481 = vector.extract_strided_slice %get3A_231 {offsets = [14], sizes = [1], strides = [1]} : vector<16xi32> to vector<1xi32>
      %squeeze3A_482 = vector.extract %slice3A_481[0] : i32 from vector<1xi32>
      %mul3A_483 = arith.constant 16 : i32
      %mul3A_484 = arith.muli %scan3A_225, %mul3A_483 : i32
      %add3A_485 = arith.constant 14 : i32
      %add3A_486 = arith.addi %mul3A_484, %add3A_485 : i32
      %dma_start3A_487 = arith.constant 0 : i32
      %dma_start3A_488 = tpu.memref_slice %arg11[%add3A_486, %dma_start3A_487] : memref<256x64xf32, #tpu.memory_space<vmem>> -> memref<1x64xf32, #tpu.memory_space<vmem>>
      %dma_start3A_489 = tpu.memref_squeeze %dma_start3A_488 : memref<1x64xf32, #tpu.memory_space<vmem>> -> memref<64xf32, #tpu.memory_space<vmem>>
      %dma_start3A_490 = arith.constant 0 : i32
      %dma_start3A_491 = tpu.memref_slice %arg5[%squeeze3A_482, %dma_start3A_490] : memref<1000000x64xf32, #tpu.memory_space<hbm>> -> memref<1x64xf32, #tpu.memory_space<hbm>>
      %dma_start3A_492 = tpu.memref_squeeze %dma_start3A_491 : memref<1x64xf32, #tpu.memory_space<hbm>> -> memref<64xf32, #tpu.memory_space<hbm>>
      %dma_start3A_493 = arith.constant 0 : i32
      %dma_start3A_494 = tpu.memref_slice %arg11[%add3A_486, %dma_start3A_493] : memref<256x64xf32, #tpu.memory_space<vmem>> -> memref<1x64xf32, #tpu.memory_space<vmem>>
      %dma_start3A_495 = tpu.memref_squeeze %dma_start3A_494 : memref<1x64xf32, #tpu.memory_space<vmem>> -> memref<64xf32, #tpu.memory_space<vmem>>
      %dma_start3A_496 = arith.constant 0 : i32
      %dma_start3A_497 = tpu.memref_slice %arg5[%squeeze3A_482, %dma_start3A_496] : memref<1000000x64xf32, #tpu.memory_space<hbm>> -> memref<1x64xf32, #tpu.memory_space<hbm>>
      %dma_start3A_498 = tpu.memref_squeeze %dma_start3A_497 : memref<1x64xf32, #tpu.memory_space<hbm>> -> memref<64xf32, #tpu.memory_space<hbm>>
      tpu.enqueue_dma source(%dma_start3A_498 : memref<64xf32, #tpu.memory_space<hbm>>) target(%dma_start3A_495 : memref<64xf32, #tpu.memory_space<vmem>>) target_semaphore(%arg18 : memref<!tpu.dma_semaphore, #tpu.memory_space<semaphore_mem>>)
      %slice3A_499 = vector.extract_strided_slice %get3A_231 {offsets = [15], sizes = [1], strides = [1]} : vector<16xi32> to vector<1xi32>
      %squeeze3A_500 = vector.extract %slice3A_499[0] : i32 from vector<1xi32>
      %mul3A_501 = arith.constant 16 : i32
      %mul3A_502 = arith.muli %scan3A_225, %mul3A_501 : i32
      %add3A_503 = arith.constant 15 : i32
      %add3A_504 = arith.addi %mul3A_502, %add3A_503 : i32
      %dma_start3A_505 = arith.constant 0 : i32
      %dma_start3A_506 = tpu.memref_slice %arg11[%add3A_504, %dma_start3A_505] : memref<256x64xf32, #tpu.memory_space<vmem>> -> memref<1x64xf32, #tpu.memory_space<vmem>>
      %dma_start3A_507 = tpu.memref_squeeze %dma_start3A_506 : memref<1x64xf32, #tpu.memory_space<vmem>> -> memref<64xf32, #tpu.memory_space<vmem>>
      %dma_start3A_508 = arith.constant 0 : i32
      %dma_start3A_509 = tpu.memref_slice %arg5[%squeeze3A_500, %dma_start3A_508] : memref<1000000x64xf32, #tpu.memory_space<hbm>> -> memref<1x64xf32, #tpu.memory_space<hbm>>
      %dma_start3A_510 = tpu.memref_squeeze %dma_start3A_509 : memref<1x64xf32, #tpu.memory_space<hbm>> -> memref<64xf32, #tpu.memory_space<hbm>>
      %dma_start3A_511 = arith.constant 0 : i32
      %dma_start3A_512 = tpu.memref_slice %arg11[%add3A_504, %dma_start3A_511] : memref<256x64xf32, #tpu.memory_space<vmem>> -> memref<1x64xf32, #tpu.memory_space<vmem>>
      %dma_start3A_513 = tpu.memref_squeeze %dma_start3A_512 : memref<1x64xf32, #tpu.memory_space<vmem>> -> memref<64xf32, #tpu.memory_space<vmem>>
      %dma_start3A_514 = arith.constant 0 : i32
      %dma_start3A_515 = tpu.memref_slice %arg5[%squeeze3A_500, %dma_start3A_514] : memref<1000000x64xf32, #tpu.memory_space<hbm>> -> memref<1x64xf32, #tpu.memory_space<hbm>>
      %dma_start3A_516 = tpu.memref_squeeze %dma_start3A_515 : memref<1x64xf32, #tpu.memory_space<hbm>> -> memref<64xf32, #tpu.memory_space<hbm>>
      tpu.enqueue_dma source(%dma_start3A_516 : memref<64xf32, #tpu.memory_space<hbm>>) target(%dma_start3A_513 : memref<64xf32, #tpu.memory_space<vmem>>) target_semaphore(%arg19 : memref<!tpu.dma_semaphore, #tpu.memory_space<semaphore_mem>>)
    }
    %scan3A_124 = arith.constant 16 : i32
    %dma_wait3A_125 = arith.constant 0 : i32
    %dma_wait3A_126 = arith.constant 0 : i32
    %dma_wait3A_127 = tpu.memref_slice %arg10[%dma_wait3A_125, %dma_wait3A_126] : memref<256x64xf32, #tpu.memory_space<vmem>> -> memref<64x64xf32, #tpu.memory_space<vmem>>
    %dma_wait3A_128 = arith.constant 0 : i32
    %dma_wait3A_129 = arith.constant 0 : i32
    %dma_wait3A_130 = tpu.memref_slice %arg5[%dma_wait3A_128, %dma_wait3A_129] : memref<1000000x64xf32, #tpu.memory_space<hbm>> -> memref<64x64xf32, #tpu.memory_space<hbm>>
    %dma_wait3A_131 = arith.constant 0 : i32
    %dma_wait3A_132 = arith.constant 0 : i32
    %dma_wait3A_133 = tpu.memref_slice %arg10[%dma_wait3A_131, %dma_wait3A_132] : memref<256x64xf32, #tpu.memory_space<vmem>> -> memref<64x64xf32, #tpu.memory_space<vmem>>
    %dma_wait3A_134 = arith.constant 0 : i32
    %dma_wait3A_135 = arith.constant 0 : i32
    %dma_wait3A_136 = tpu.memref_slice %arg5[%dma_wait3A_134, %dma_wait3A_135] : memref<1000000x64xf32, #tpu.memory_space<hbm>> -> memref<64x64xf32, #tpu.memory_space<hbm>>
    tpu.wait_dma2 semaphore(%arg12 : memref<!tpu.dma_semaphore, #tpu.memory_space<semaphore_mem>>) src(%dma_wait3A_136 : memref<64x64xf32, #tpu.memory_space<hbm>>) dst(%dma_wait3A_133 : memref<64x64xf32, #tpu.memory_space<vmem>>)
    %dma_wait3A_137 = arith.constant 0 : i32
    %dma_wait3A_138 = arith.constant 0 : i32
    %dma_wait3A_139 = tpu.memref_slice %arg10[%dma_wait3A_137, %dma_wait3A_138] : memref<256x64xf32, #tpu.memory_space<vmem>> -> memref<64x64xf32, #tpu.memory_space<vmem>>
    %dma_wait3A_140 = arith.constant 0 : i32
    %dma_wait3A_141 = arith.constant 0 : i32
    %dma_wait3A_142 = tpu.memref_slice %arg5[%dma_wait3A_140, %dma_wait3A_141] : memref<1000000x64xf32, #tpu.memory_space<hbm>> -> memref<64x64xf32, #tpu.memory_space<hbm>>
    %dma_wait3A_143 = arith.constant 0 : i32
    %dma_wait3A_144 = arith.constant 0 : i32
    %dma_wait3A_145 = tpu.memref_slice %arg10[%dma_wait3A_143, %dma_wait3A_144] : memref<256x64xf32, #tpu.memory_space<vmem>> -> memref<64x64xf32, #tpu.memory_space<vmem>>
    %dma_wait3A_146 = arith.constant 0 : i32
    %dma_wait3A_147 = arith.constant 0 : i32
    %dma_wait3A_148 = tpu.memref_slice %arg5[%dma_wait3A_146, %dma_wait3A_147] : memref<1000000x64xf32, #tpu.memory_space<hbm>> -> memref<64x64xf32, #tpu.memory_space<hbm>>
    tpu.wait_dma2 semaphore(%arg13 : memref<!tpu.dma_semaphore, #tpu.memory_space<semaphore_mem>>) src(%dma_wait3A_148 : memref<64x64xf32, #tpu.memory_space<hbm>>) dst(%dma_wait3A_145 : memref<64x64xf32, #tpu.memory_space<vmem>>)
    %dma_wait3A_149 = arith.constant 0 : i32
    %dma_wait3A_150 = arith.constant 0 : i32
    %dma_wait3A_151 = tpu.memref_slice %arg10[%dma_wait3A_149, %dma_wait3A_150] : memref<256x64xf32, #tpu.memory_space<vmem>> -> memref<64x64xf32, #tpu.memory_space<vmem>>
    %dma_wait3A_152 = arith.constant 0 : i32
    %dma_wait3A_153 = arith.constant 0 : i32
    %dma_wait3A_154 = tpu.memref_slice %arg5[%dma_wait3A_152, %dma_wait3A_153] : memref<1000000x64xf32, #tpu.memory_space<hbm>> -> memref<64x64xf32, #tpu.memory_space<hbm>>
    %dma_wait3A_155 = arith.constant 0 : i32
    %dma_wait3A_156 = arith.constant 0 : i32
    %dma_wait3A_157 = tpu.memref_slice %arg10[%dma_wait3A_155, %dma_wait3A_156] : memref<256x64xf32, #tpu.memory_space<vmem>> -> memref<64x64xf32, #tpu.memory_space<vmem>>
    %dma_wait3A_158 = arith.constant 0 : i32
    %dma_wait3A_159 = arith.constant 0 : i32
    %dma_wait3A_160 = tpu.memref_slice %arg5[%dma_wait3A_158, %dma_wait3A_159] : memref<1000000x64xf32, #tpu.memory_space<hbm>> -> memref<64x64xf32, #tpu.memory_space<hbm>>
    tpu.wait_dma2 semaphore(%arg14 : memref<!tpu.dma_semaphore, #tpu.memory_space<semaphore_mem>>) src(%dma_wait3A_160 : memref<64x64xf32, #tpu.memory_space<hbm>>) dst(%dma_wait3A_157 : memref<64x64xf32, #tpu.memory_space<vmem>>)
    %dma_wait3A_161 = arith.constant 0 : i32
    %dma_wait3A_162 = arith.constant 0 : i32
    %dma_wait3A_163 = tpu.memref_slice %arg10[%dma_wait3A_161, %dma_wait3A_162] : memref<256x64xf32, #tpu.memory_space<vmem>> -> memref<64x64xf32, #tpu.memory_space<vmem>>
    %dma_wait3A_164 = arith.constant 0 : i32
    %dma_wait3A_165 = arith.constant 0 : i32
    %dma_wait3A_166 = tpu.memref_slice %arg5[%dma_wait3A_164, %dma_wait3A_165] : memref<1000000x64xf32, #tpu.memory_space<hbm>> -> memref<64x64xf32, #tpu.memory_space<hbm>>
    %dma_wait3A_167 = arith.constant 0 : i32
    %dma_wait3A_168 = arith.constant 0 : i32
    %dma_wait3A_169 = tpu.memref_slice %arg10[%dma_wait3A_167, %dma_wait3A_168] : memref<256x64xf32, #tpu.memory_space<vmem>> -> memref<64x64xf32, #tpu.memory_space<vmem>>
    %dma_wait3A_170 = arith.constant 0 : i32
    %dma_wait3A_171 = arith.constant 0 : i32
    %dma_wait3A_172 = tpu.memref_slice %arg5[%dma_wait3A_170, %dma_wait3A_171] : memref<1000000x64xf32, #tpu.memory_space<hbm>> -> memref<64x64xf32, #tpu.memory_space<hbm>>
    tpu.wait_dma2 semaphore(%arg15 : memref<!tpu.dma_semaphore, #tpu.memory_space<semaphore_mem>>) src(%dma_wait3A_172 : memref<64x64xf32, #tpu.memory_space<hbm>>) dst(%dma_wait3A_169 : memref<64x64xf32, #tpu.memory_space<vmem>>)
    %add3A_173 = arith.constant 0 : i32
    %add3A_174 = arith.addi %mul3A_2, %add3A_173 : i32
    "tpu.region"() ({
      %run_scoped3A = tpu.sem_alloc : memref<!tpu.dma_semaphore, #tpu.memory_space<semaphore_mem>>
      %dma_start3A = arith.constant 0 : i32
      %dma_start3A_225 = tpu.memref_slice %arg7[%add3A_174, %dma_start3A] : memref<16384x64xf32, #tpu.memory_space<hbm>> -> memref<256x64xf32, #tpu.memory_space<hbm>>
      %dma_start3A_226 = arith.constant 0 : i32
      %dma_start3A_227 = tpu.memref_slice %arg7[%add3A_174, %dma_start3A_226] : memref<16384x64xf32, #tpu.memory_space<hbm>> -> memref<256x64xf32, #tpu.memory_space<hbm>>
      tpu.enqueue_dma source(%arg10 : memref<256x64xf32, #tpu.memory_space<vmem>>) target(%dma_start3A_227 : memref<256x64xf32, #tpu.memory_space<hbm>>) target_semaphore(%run_scoped3A : memref<!tpu.dma_semaphore, #tpu.memory_space<semaphore_mem>>)
      %dma_wait3A_228 = arith.constant 0 : i32
      %dma_wait3A_229 = tpu.memref_slice %arg7[%add3A_174, %dma_wait3A_228] : memref<16384x64xf32, #tpu.memory_space<hbm>> -> memref<256x64xf32, #tpu.memory_space<hbm>>
      %dma_wait3A_230 = arith.constant 0 : i32
      %dma_wait3A_231 = tpu.memref_slice %arg7[%add3A_174, %dma_wait3A_230] : memref<16384x64xf32, #tpu.memory_space<hbm>> -> memref<256x64xf32, #tpu.memory_space<hbm>>
      tpu.wait_dma2 semaphore(%run_scoped3A : memref<!tpu.dma_semaphore, #tpu.memory_space<semaphore_mem>>) src(%arg10 : memref<256x64xf32, #tpu.memory_space<vmem>>) dst(%dma_wait3A_231 : memref<256x64xf32, #tpu.memory_space<hbm>>)
      tpu.yield
    }) : () -> ()
    %dma_wait3A_175 = arith.constant 0 : i32
    %dma_wait3A_176 = arith.constant 0 : i32
    %dma_wait3A_177 = tpu.memref_slice %arg11[%dma_wait3A_175, %dma_wait3A_176] : memref<256x64xf32, #tpu.memory_space<vmem>> -> memref<64x64xf32, #tpu.memory_space<vmem>>
    %dma_wait3A_178 = arith.constant 0 : i32
    %dma_wait3A_179 = arith.constant 0 : i32
    %dma_wait3A_180 = tpu.memref_slice %arg5[%dma_wait3A_178, %dma_wait3A_179] : memref<1000000x64xf32, #tpu.memory_space<hbm>> -> memref<64x64xf32, #tpu.memory_space<hbm>>
    %dma_wait3A_181 = arith.constant 0 : i32
    %dma_wait3A_182 = arith.constant 0 : i32
    %dma_wait3A_183 = tpu.memref_slice %arg11[%dma_wait3A_181, %dma_wait3A_182] : memref<256x64xf32, #tpu.memory_space<vmem>> -> memref<64x64xf32, #tpu.memory_space<vmem>>
    %dma_wait3A_184 = arith.constant 0 : i32
    %dma_wait3A_185 = arith.constant 0 : i32
    %dma_wait3A_186 = tpu.memref_slice %arg5[%dma_wait3A_184, %dma_wait3A_185] : memref<1000000x64xf32, #tpu.memory_space<hbm>> -> memref<64x64xf32, #tpu.memory_space<hbm>>
    tpu.wait_dma2 semaphore(%arg16 : memref<!tpu.dma_semaphore, #tpu.memory_space<semaphore_mem>>) src(%dma_wait3A_186 : memref<64x64xf32, #tpu.memory_space<hbm>>) dst(%dma_wait3A_183 : memref<64x64xf32, #tpu.memory_space<vmem>>)
    %dma_wait3A_187 = arith.constant 0 : i32
    %dma_wait3A_188 = arith.constant 0 : i32
    %dma_wait3A_189 = tpu.memref_slice %arg11[%dma_wait3A_187, %dma_wait3A_188] : memref<256x64xf32, #tpu.memory_space<vmem>> -> memref<64x64xf32, #tpu.memory_space<vmem>>
    %dma_wait3A_190 = arith.constant 0 : i32
    %dma_wait3A_191 = arith.constant 0 : i32
    %dma_wait3A_192 = tpu.memref_slice %arg5[%dma_wait3A_190, %dma_wait3A_191] : memref<1000000x64xf32, #tpu.memory_space<hbm>> -> memref<64x64xf32, #tpu.memory_space<hbm>>
    %dma_wait3A_193 = arith.constant 0 : i32
    %dma_wait3A_194 = arith.constant 0 : i32
    %dma_wait3A_195 = tpu.memref_slice %arg11[%dma_wait3A_193, %dma_wait3A_194] : memref<256x64xf32, #tpu.memory_space<vmem>> -> memref<64x64xf32, #tpu.memory_space<vmem>>
    %dma_wait3A_196 = arith.constant 0 : i32
    %dma_wait3A_197 = arith.constant 0 : i32
    %dma_wait3A_198 = tpu.memref_slice %arg5[%dma_wait3A_196, %dma_wait3A_197] : memref<1000000x64xf32, #tpu.memory_space<hbm>> -> memref<64x64xf32, #tpu.memory_space<hbm>>
    tpu.wait_dma2 semaphore(%arg17 : memref<!tpu.dma_semaphore, #tpu.memory_space<semaphore_mem>>) src(%dma_wait3A_198 : memref<64x64xf32, #tpu.memory_space<hbm>>) dst(%dma_wait3A_195 : memref<64x64xf32, #tpu.memory_space<vmem>>)
    %dma_wait3A_199 = arith.constant 0 : i32
    %dma_wait3A_200 = arith.constant 0 : i32
    %dma_wait3A_201 = tpu.memref_slice %arg11[%dma_wait3A_199, %dma_wait3A_200] : memref<256x64xf32, #tpu.memory_space<vmem>> -> memref<64x64xf32, #tpu.memory_space<vmem>>
    %dma_wait3A_202 = arith.constant 0 : i32
    %dma_wait3A_203 = arith.constant 0 : i32
    %dma_wait3A_204 = tpu.memref_slice %arg5[%dma_wait3A_202, %dma_wait3A_203] : memref<1000000x64xf32, #tpu.memory_space<hbm>> -> memref<64x64xf32, #tpu.memory_space<hbm>>
    %dma_wait3A_205 = arith.constant 0 : i32
    %dma_wait3A_206 = arith.constant 0 : i32
    %dma_wait3A_207 = tpu.memref_slice %arg11[%dma_wait3A_205, %dma_wait3A_206] : memref<256x64xf32, #tpu.memory_space<vmem>> -> memref<64x64xf32, #tpu.memory_space<vmem>>
    %dma_wait3A_208 = arith.constant 0 : i32
    %dma_wait3A_209 = arith.constant 0 : i32
    %dma_wait3A_210 = tpu.memref_slice %arg5[%dma_wait3A_208, %dma_wait3A_209] : memref<1000000x64xf32, #tpu.memory_space<hbm>> -> memref<64x64xf32, #tpu.memory_space<hbm>>
    tpu.wait_dma2 semaphore(%arg18 : memref<!tpu.dma_semaphore, #tpu.memory_space<semaphore_mem>>) src(%dma_wait3A_210 : memref<64x64xf32, #tpu.memory_space<hbm>>) dst(%dma_wait3A_207 : memref<64x64xf32, #tpu.memory_space<vmem>>)
    %dma_wait3A_211 = arith.constant 0 : i32
    %dma_wait3A_212 = arith.constant 0 : i32
    %dma_wait3A_213 = tpu.memref_slice %arg11[%dma_wait3A_211, %dma_wait3A_212] : memref<256x64xf32, #tpu.memory_space<vmem>> -> memref<64x64xf32, #tpu.memory_space<vmem>>
    %dma_wait3A_214 = arith.constant 0 : i32
    %dma_wait3A_215 = arith.constant 0 : i32
    %dma_wait3A_216 = tpu.memref_slice %arg5[%dma_wait3A_214, %dma_wait3A_215] : memref<1000000x64xf32, #tpu.memory_space<hbm>> -> memref<64x64xf32, #tpu.memory_space<hbm>>
    %dma_wait3A_217 = arith.constant 0 : i32
    %dma_wait3A_218 = arith.constant 0 : i32
    %dma_wait3A_219 = tpu.memref_slice %arg11[%dma_wait3A_217, %dma_wait3A_218] : memref<256x64xf32, #tpu.memory_space<vmem>> -> memref<64x64xf32, #tpu.memory_space<vmem>>
    %dma_wait3A_220 = arith.constant 0 : i32
    %dma_wait3A_221 = arith.constant 0 : i32
    %dma_wait3A_222 = tpu.memref_slice %arg5[%dma_wait3A_220, %dma_wait3A_221] : memref<1000000x64xf32, #tpu.memory_space<hbm>> -> memref<64x64xf32, #tpu.memory_space<hbm>>
    tpu.wait_dma2 semaphore(%arg19 : memref<!tpu.dma_semaphore, #tpu.memory_space<semaphore_mem>>) src(%dma_wait3A_222 : memref<64x64xf32, #tpu.memory_space<hbm>>) dst(%dma_wait3A_219 : memref<64x64xf32, #tpu.memory_space<vmem>>)
    %add3A_223 = arith.constant 256 : i32
    %add3A_224 = arith.addi %mul3A_2, %add3A_223 : i32
    "tpu.region"() ({
      %run_scoped3A = tpu.sem_alloc : memref<!tpu.dma_semaphore, #tpu.memory_space<semaphore_mem>>
      %dma_start3A = arith.constant 0 : i32
      %dma_start3A_225 = tpu.memref_slice %arg7[%add3A_224, %dma_start3A] : memref<16384x64xf32, #tpu.memory_space<hbm>> -> memref<256x64xf32, #tpu.memory_space<hbm>>
      %dma_start3A_226 = arith.constant 0 : i32
      %dma_start3A_227 = tpu.memref_slice %arg7[%add3A_224, %dma_start3A_226] : memref<16384x64xf32, #tpu.memory_space<hbm>> -> memref<256x64xf32, #tpu.memory_space<hbm>>
      tpu.enqueue_dma source(%arg11 : memref<256x64xf32, #tpu.memory_space<vmem>>) target(%dma_start3A_227 : memref<256x64xf32, #tpu.memory_space<hbm>>) target_semaphore(%run_scoped3A : memref<!tpu.dma_semaphore, #tpu.memory_space<semaphore_mem>>)
      %dma_wait3A_228 = arith.constant 0 : i32
      %dma_wait3A_229 = tpu.memref_slice %arg7[%add3A_224, %dma_wait3A_228] : memref<16384x64xf32, #tpu.memory_space<hbm>> -> memref<256x64xf32, #tpu.memory_space<hbm>>
      %dma_wait3A_230 = arith.constant 0 : i32
      %dma_wait3A_231 = tpu.memref_slice %arg7[%add3A_224, %dma_wait3A_230] : memref<16384x64xf32, #tpu.memory_space<hbm>> -> memref<256x64xf32, #tpu.memory_space<hbm>>
      tpu.wait_dma2 semaphore(%run_scoped3A : memref<!tpu.dma_semaphore, #tpu.memory_space<semaphore_mem>>) src(%arg11 : memref<256x64xf32, #tpu.memory_space<vmem>>) dst(%dma_wait3A_231 : memref<256x64xf32, #tpu.memory_space<hbm>>)
      tpu.yield
    }) : () -> ()
    return
  }
}

module attributes {stable_mosaic.version = 14 : i64} {
  func.func @_mlp_body(%arg0: i32, %arg1: memref<2048x64xf32, #tpu.memory_space<vmem>>, %arg2: memref<2048x64xf32, #tpu.memory_space<vmem>>, %arg3: memref<128x64xf32, #tpu.memory_space<vmem>>, %arg4: memref<1x64xf32, #tpu.memory_space<vmem>>, %arg5: memref<64x32xf32, #tpu.memory_space<vmem>>, %arg6: memref<1x32xf32, #tpu.memory_space<vmem>>, %arg7: memref<32x1xf32, #tpu.memory_space<vmem>>, %arg8: memref<1x1xf32, #tpu.memory_space<vmem>>, %arg9: memref<2048x1xf32, #tpu.memory_space<vmem>>) attributes {dimension_semantics = [#tpu.dimension_semantics<arbitrary>], iteration_bounds = array<i64: 8>, scalar_prefetch = 0 : i64, scratch_operands = 0 : i64, tpu.core_type = #tpu.core_type<tc>, window_params = [{transform_indices = @transform_0, window_bounds = array<i64: 2048, 64>}, {transform_indices = @transform_1, window_bounds = array<i64: 2048, 64>}, {pipeline_mode = #tpu.pipeline_mode<synchronous>, transform_indices = @transform_2, window_bounds = array<i64: 128, 64>}, {pipeline_mode = #tpu.pipeline_mode<synchronous>, transform_indices = @transform_3, window_bounds = array<i64: 1, 64>}, {pipeline_mode = #tpu.pipeline_mode<synchronous>, transform_indices = @transform_4, window_bounds = array<i64: 64, 32>}, {pipeline_mode = #tpu.pipeline_mode<synchronous>, transform_indices = @transform_5, window_bounds = array<i64: 1, 32>}, {pipeline_mode = #tpu.pipeline_mode<synchronous>, transform_indices = @transform_6, window_bounds = array<i64: 32, 1>}, {pipeline_mode = #tpu.pipeline_mode<synchronous>, transform_indices = @transform_7, window_bounds = array<i64: 1, 1>}, {transform_indices = @transform_8, window_bounds = array<i64: 2048, 1>}]} {
    %get3A = arith.constant 0 : index
    %get3A_0 = arith.constant 0 : index
    %get3A_1 = vector.load %arg1[%get3A, %get3A_0] : memref<2048x64xf32, #tpu.memory_space<vmem>>, vector<2048x64xf32>
    %get3A_2 = arith.constant 0 : index
    %get3A_3 = arith.constant 0 : index
    %get3A_4 = vector.load %arg2[%get3A_2, %get3A_3] : memref<2048x64xf32, #tpu.memory_space<vmem>>, vector<2048x64xf32>
    %get3A_5 = arith.constant 0 : index
    %get3A_6 = arith.constant 0 : index
    %get3A_7 = vector.load %arg3[%get3A_5, %get3A_6] : memref<128x64xf32, #tpu.memory_space<vmem>>, vector<128x64xf32>
    %slice3A = vector.extract_strided_slice %get3A_7 {offsets = [0, 0], sizes = [64, 64], strides = [1, 1]} : vector<128x64xf32> to vector<64x64xf32>
    %dot_general3A = arith.constant dense<0.000000e+00> : vector<2048x64xf32>
    %dot_general3A_8 = tpu.matmul %get3A_1, %slice3A, %dot_general3A {dimension_numbers = #tpu.dot_dimension_numbers<[1], [0], [0], [1], [0, 0, 1, 1], [], []>, transpose_lhs_hint = false} : vector<2048x64xf32>, vector<64x64xf32>, vector<2048x64xf32> -> vector<2048x64xf32>
    %slice3A_9 = vector.extract_strided_slice %get3A_7 {offsets = [64, 0], sizes = [64, 64], strides = [1, 1]} : vector<128x64xf32> to vector<64x64xf32>
    %dot_general3A_10 = arith.constant dense<0.000000e+00> : vector<2048x64xf32>
    %dot_general3A_11 = tpu.matmul %get3A_4, %slice3A_9, %dot_general3A_10 {dimension_numbers = #tpu.dot_dimension_numbers<[1], [0], [0], [1], [0, 0, 1, 1], [], []>, transpose_lhs_hint = false} : vector<2048x64xf32>, vector<64x64xf32>, vector<2048x64xf32> -> vector<2048x64xf32>
    %add3A = arith.addf %dot_general3A_8, %dot_general3A_11 : vector<2048x64xf32>
    %get3A_12 = arith.constant 0 : index
    %get3A_13 = arith.constant 0 : index
    %get3A_14 = vector.load %arg4[%get3A_12, %get3A_13] : memref<1x64xf32, #tpu.memory_space<vmem>>, vector<1x64xf32>
    %add3A_15 = vector.broadcast %get3A_14 : vector<1x64xf32> to vector<2048x64xf32>
    %add3A_16 = arith.addf %add3A, %add3A_15 : vector<2048x64xf32>
    %neg3A = arith.constant 0.000000e+00 : f32
    %neg3A_17 = vector.broadcast %neg3A : f32 to vector<2048x64xf32>
    %neg3A_18 = arith.subf %neg3A_17, %add3A_16 : vector<2048x64xf32>
    %exp3A = math.exp %neg3A_18 : vector<2048x64xf32>
    %add3A_19 = arith.constant 1.000000e+00 : f32
    %add3A_20 = vector.broadcast %add3A_19 : f32 to vector<2048x64xf32>
    %add3A_21 = arith.addf %add3A_20, %exp3A : vector<2048x64xf32>
    %div3A = arith.constant 1.000000e+00 : f32
    %div3A_22 = vector.broadcast %div3A : f32 to vector<2048x64xf32>
    %div3A_23 = arith.divf %div3A_22, %add3A_21 : vector<2048x64xf32>
    %mul3A = arith.mulf %add3A_16, %div3A_23 : vector<2048x64xf32>
    %get3A_24 = arith.constant 0 : index
    %get3A_25 = arith.constant 0 : index
    %get3A_26 = vector.load %arg5[%get3A_24, %get3A_25] : memref<64x32xf32, #tpu.memory_space<vmem>>, vector<64x32xf32>
    %dot_general3A_27 = arith.constant dense<0.000000e+00> : vector<2048x32xf32>
    %dot_general3A_28 = tpu.matmul %mul3A, %get3A_26, %dot_general3A_27 {dimension_numbers = #tpu.dot_dimension_numbers<[1], [0], [0], [1], [0, 0, 1, 1], [], []>, transpose_lhs_hint = false} : vector<2048x64xf32>, vector<64x32xf32>, vector<2048x32xf32> -> vector<2048x32xf32>
    %get3A_29 = arith.constant 0 : index
    %get3A_30 = arith.constant 0 : index
    %get3A_31 = vector.load %arg6[%get3A_29, %get3A_30] : memref<1x32xf32, #tpu.memory_space<vmem>>, vector<1x32xf32>
    %add3A_32 = vector.broadcast %get3A_31 : vector<1x32xf32> to vector<2048x32xf32>
    %add3A_33 = arith.addf %dot_general3A_28, %add3A_32 : vector<2048x32xf32>
    %neg3A_34 = arith.constant 0.000000e+00 : f32
    %neg3A_35 = vector.broadcast %neg3A_34 : f32 to vector<2048x32xf32>
    %neg3A_36 = arith.subf %neg3A_35, %add3A_33 : vector<2048x32xf32>
    %exp3A_37 = math.exp %neg3A_36 : vector<2048x32xf32>
    %add3A_38 = arith.constant 1.000000e+00 : f32
    %add3A_39 = vector.broadcast %add3A_38 : f32 to vector<2048x32xf32>
    %add3A_40 = arith.addf %add3A_39, %exp3A_37 : vector<2048x32xf32>
    %div3A_41 = arith.constant 1.000000e+00 : f32
    %div3A_42 = vector.broadcast %div3A_41 : f32 to vector<2048x32xf32>
    %div3A_43 = arith.divf %div3A_42, %add3A_40 : vector<2048x32xf32>
    %mul3A_44 = arith.mulf %add3A_33, %div3A_43 : vector<2048x32xf32>
    %get3A_45 = arith.constant 0 : index
    %get3A_46 = arith.constant 0 : index
    %get3A_47 = vector.load %arg7[%get3A_45, %get3A_46] : memref<32x1xf32, #tpu.memory_space<vmem>>, vector<32x1xf32>
    %dot_general3A_48 = arith.constant dense<0.000000e+00> : vector<2048x1xf32>
    %dot_general3A_49 = tpu.matmul %mul3A_44, %get3A_47, %dot_general3A_48 {dimension_numbers = #tpu.dot_dimension_numbers<[1], [0], [0], [1], [0, 0, 1, 1], [], []>, transpose_lhs_hint = false} : vector<2048x32xf32>, vector<32x1xf32>, vector<2048x1xf32> -> vector<2048x1xf32>
    %get3A_50 = arith.constant 0 : index
    %get3A_51 = arith.constant 0 : index
    %get3A_52 = vector.load %arg8[%get3A_50, %get3A_51] : memref<1x1xf32, #tpu.memory_space<vmem>>, vector<1x1xf32>
    %add3A_53 = vector.broadcast %get3A_52 : vector<1x1xf32> to vector<2048x1xf32>
    %add3A_54 = arith.addf %dot_general3A_49, %add3A_53 : vector<2048x1xf32>
    %max3A = arith.constant 0.000000e+00 : f32
    %max3A_55 = vector.broadcast %max3A : f32 to vector<2048x1xf32>
    %max3A_56 = arith.maximumf %add3A_54, %max3A_55 : vector<2048x1xf32>
    %swap3A = arith.constant 0 : index
    %swap3A_57 = arith.constant 0 : index
    %swap3A_58 = vector.load %arg9[%swap3A, %swap3A_57] : memref<2048x1xf32, #tpu.memory_space<vmem>>, vector<2048x1xf32>
    tpu.vector_store %arg9[%swap3A, %swap3A_57], %max3A_56 {strides = array<i32>} : memref<2048x1xf32, #tpu.memory_space<vmem>>, vector<2048x1xf32>,
    return
  }
  func.func @transform_0(%arg0: i32) -> (i32, i32) {
    %c0_i32 = arith.constant 0 : i32
    %c0_i32_0 = arith.constant 0 : i32
    return %arg0, %c0_i32 : i32, i32
  }
  func.func @transform_1(%arg0: i32) -> (i32, i32) {
    %c0_i32 = arith.constant 0 : i32
    %c0_i32_0 = arith.constant 0 : i32
    return %arg0, %c0_i32 : i32, i32
  }
  func.func @transform_2(%arg0: i32) -> (i32, i32) {
    %c0_i32 = arith.constant 0 : i32
    %c0_i32_0 = arith.constant 0 : i32
    %c0_i32_1 = arith.constant 0 : i32
    return %c0_i32, %c0_i32_0 : i32, i32
  }
  func.func @transform_3(%arg0: i32) -> (i32, i32) {
    %c0_i32 = arith.constant 0 : i32
    %c0_i32_0 = arith.constant 0 : i32
    %c0_i32_1 = arith.constant 0 : i32
    return %c0_i32, %c0_i32_0 : i32, i32
  }
  func.func @transform_4(%arg0: i32) -> (i32, i32) {
    %c0_i32 = arith.constant 0 : i32
    %c0_i32_0 = arith.constant 0 : i32
    %c0_i32_1 = arith.constant 0 : i32
    return %c0_i32, %c0_i32_0 : i32, i32
  }
  func.func @transform_5(%arg0: i32) -> (i32, i32) {
    %c0_i32 = arith.constant 0 : i32
    %c0_i32_0 = arith.constant 0 : i32
    %c0_i32_1 = arith.constant 0 : i32
    return %c0_i32, %c0_i32_0 : i32, i32
  }
  func.func @transform_6(%arg0: i32) -> (i32, i32) {
    %c0_i32 = arith.constant 0 : i32
    %c0_i32_0 = arith.constant 0 : i32
    %c0_i32_1 = arith.constant 0 : i32
    return %c0_i32, %c0_i32_0 : i32, i32
  }
  func.func @transform_7(%arg0: i32) -> (i32, i32) {
    %c0_i32 = arith.constant 0 : i32
    %c0_i32_0 = arith.constant 0 : i32
    %c0_i32_1 = arith.constant 0 : i32
    return %c0_i32, %c0_i32_0 : i32, i32
  }
  func.func @transform_8(%arg0: i32) -> (i32, i32) {
    %c0_i32 = arith.constant 0 : i32
    %c0_i32_0 = arith.constant 0 : i32
    return %arg0, %c0_i32 : i32, i32
  }
}

</mosaic_0001>

<sc_bundles>
// kernel: kernel.4.cloned.1.call-start
scs
__scs_entry_jumppad:
0x0: {  	(pc) =	sbr.rel $0x88, $3  }
0x1: {  	(tag) =	ssettag $0x0;
	lr =	simm.s32 $0x1  }
0x2: {  	[smem:$0x3F97] =	sst lr;
	_ =	strace $0xD0000000  }
0x3: {  	_ = 	snop  }
0x4: {  	_ = 	snop  }
0x5: {  	_ = 	snop  }
0x6: {  	_ = 	snop  }
0x7: {  	_ = 	snop  }
__scs_overlays_trampoline_lowered:
0x8: {  	[smem:$0x3FA6] =	sst s0  }
0x9: {  	[smem:$0x3FA7] =	sst s1  }
0xa: {  	[smem:$0x3FA8] =	sst s2  }
0xb: {  	[smem:$0x3FA9] =	sst s3  }
0xc: {  	[smem:$0x3FAA] =	sst s4  }
0xd: {  	[smem:$0x3FAB] =	sst s5  }
0xe: {  	[smem:$0x3FAC] =	sst s6  }
0xf: {  	[smem:$0x3FAD] =	sst s7  }
0x10: {  	[smem:$0x3FAE] =	sst s8  }
0x11: {  	[smem:$0x3FAF] =	sst s9;
	s0 =	simm.s32 @!p0 $0x0  }
0x12: {  	s1 =	sld [smem:$0x3F95];
	s0 =	simm.s32 @p0 $0x1  }
0x13: {  	[smem:$0x3FB0] =	sst s0;
	s0 =	simm.s32 @!p1 $0x0  }
0x14: {  	s2 =	sld [smem:$0x3F94];
	s0 =	simm.s32 @p1 $0x1  }
0x15: {  	[smem:$0x3FB1] =	sst s0;
	s0 =	simm.s32 @!p2 $0x0  }
0x16: {  	s3 =	sld [smem:$0x3FDB];
	s0 =	simm.s32 @p2 $0x1  }
0x17: {  	s4 =	simm.s32 $0x1BF5;
	[smem:$0x3FB3] =	sst s0  }
0x18: {  	s0 =	sld [smem:$0x3F96];
	_ =	swait.ge [sflag:s4], $0x0  }
0x19: {  	s7 =	sld [smem:$0x3F97]  }
0x1a: {  	s8 =	sadd.s32 $0xFFFFE003, lr  }
0x1b: {  	s9 =	sadd.s32 $0xFFFFFEF7, lr;
	s5 =	simm.s32 $0xFFFFFFFF;
	p2 =	slt.u32 s8, $0xFFFFF086  }
0x1c: {  	p1 =	slt.u32 s9, $0xF7A;
	s5 =	simm.s32 @!p2 $0x0  }
0x1d: {  	s5 =	simm.s32 @p1 $0x1;
	p0 =	seq.s32 s7, s2  }
0x1e: {  	s7 =	smul.u32 @!p0 $0xF7A, s2;
	p2 =	seq.s32 @!p0 s5, $0x0  }
0x1f: {  	s9 =	smul.u32 $0xF7A, s1;
	s8 =	simm.s32 @!p0 $0x1BF5;
	p2 =	por !p2, p0  }
0x20: {  	[sflag:s8] =	ssyncset.s32 @!p0 $0xFFFFF086;
	s6 =	sadd.s32 @!p0 s3, s7;
	s7 =	simm.s32 @!p0 $0x108  }
0x21: {  	s3 =	sadd.s32 s3, s9;
	s6 =	sadd.s32 @!p0 $0x88, s6;
	s7 =	simm.s32 @p2 $0x1082  }
0x22: {  	[simem:s7], [sflag:s8] =	dma.local @!p0 [hbm:s6], $0xF7A  }
0x23: {  	s9 =	sor.u32 $0xD0000000, s2;
	s6 =	simm.s32 $0x108;
	_ =	swait.ge @!p0 [sflag:s8], $0x0  }
0x24: {  	s3 =	sadd.s32 $0x88, s3;
	s6 =	simm.s32 @!p1 $0x1082;
	[sflag:s4] =	ssyncset.s32 $0xFFFFF086  }
0x25: {  	[simem:s6], [sflag:s4] =	dma.local [hbm:s3], $0xF7A  }
0x26: {  	[smem:$0x3F97] =	sst s1;
	(tag) =	ssettag s2;
	_ =	strace s9  }
0x27: {  	s1 =	sld [smem:$0x3FA7]  }
0x28: {  	s2 =	sld [smem:$0x3FA8]  }
0x29: {  	s4 =	sld [smem:$0x3FAA]  }
0x2a: {  	p0 =	seq.s32 s5, $0x0;
	s5 =	sld [smem:$0x3FAB]  }
0x2b: {  	s6 =	sld [smem:$0x3FAC]  }
0x2c: {  	s7 =	sld [smem:$0x3FAD]  }
0x2d: {  	s3 =	simm.s32 $0x108;
	s8 =	sld [smem:$0x3FAE]  }
0x2e: {  	s3 =	simm.s32 @!p0 $0x1082;
	s9 =	sld [smem:$0x3FAF]  }
0x2f: {  	lr =	sadd.s32 s0, s3;
	s0 =	sld [smem:$0x3FA6]  }
0x30: {  	s3 =	sld [smem:$0x3FA9]  }
0x31: {  	[smem:$0x3FB2] =	sst s10  }
0x32: {  	s10 =	sld [smem:$0x3FB0];
	_ =	sdelay $0x3  }
0x33: {  	p0 =	seq.s32 s10, $0x1;
	s10 =	sld [smem:$0x3FB2];
	_ =	sdelay $0x3  }
0x34: {  	[smem:$0x3FB2] =	sst s10  }
0x35: {  	s10 =	sld [smem:$0x3FB1];
	_ =	sdelay $0x3  }
0x36: {  	p1 =	seq.s32 s10, $0x1;
	s10 =	sld [smem:$0x3FB2];
	_ =	sdelay $0x3  }
0x37: {  	[smem:$0x3FB2] =	sst s10  }
0x38: {  	s10 =	sld [smem:$0x3FB3]  }
0x39: {  	_ = 	snop;
	(pc) =	sbr.ind lr, $3  }
0x3a: {  	_ = 	snop  }
0x3b: {  	_ = 	snop  }
0x3c: {  	p2 =	seq.s32 s10, $0x1;
	s10 =	sld [smem:$0x3FB2]  }
0x3d: {  	_ =	shalt  }
0x3e: {  	_ =	shalt  }
0x3f: {  	_ =	shalt  }
0x40: {  	_ =	shalt  }
0x41: {  	_ =	shalt  }
0x42: {  	_ =	shalt  }
0x43: {  	_ =	shalt  }
0x44: {  	_ =	shalt  }
0x45: {  	_ =	shalt  }
0x46: {  	_ =	shalt  }
0x47: {  	_ =	shalt  }
0x48: {  	_ =	shalt  }
0x49: {  	_ =	shalt  }
0x4a: {  	_ =	shalt  }
0x4b: {  	_ =	shalt  }
0x4c: {  	_ =	shalt  }
0x4d: {  	_ =	shalt  }
0x4e: {  	_ =	shalt  }
0x4f: {  	_ =	shalt  }
0x50: {  	_ =	shalt  }
0x51: {  	_ =	shalt  }
0x52: {  	_ =	shalt  }
0x53: {  	_ =	shalt  }
0x54: {  	_ =	shalt  }
0x55: {  	_ =	shalt  }
0x56: {  	_ =	shalt  }
0x57: {  	_ =	shalt  }
0x58: {  	_ =	shalt  }
0x59: {  	_ =	shalt  }
0x5a: {  	_ =	shalt  }
0x5b: {  	_ =	shalt  }
0x5c: {  	_ =	shalt  }
0x5d: {  	_ =	shalt  }
0x5e: {  	_ =	shalt  }
0x5f: {  	_ =	shalt  }
0x60: {  	_ =	shalt  }
0x61: {  	_ =	shalt  }
0x62: {  	_ =	shalt  }
0x63: {  	_ =	shalt  }
0x64: {  	_ =	shalt  }
0x65: {  	_ =	shalt  }
0x66: {  	_ =	shalt  }
0x67: {  	_ =	shalt  }
0x68: {  	_ =	shalt  }
0x69: {  	_ =	shalt  }
0x6a: {  	_ =	shalt  }
0x6b: {  	_ =	shalt  }
0x6c: {  	_ =	shalt  }
0x6d: {  	_ =	shalt  }
0x6e: {  	_ =	shalt  }
0x6f: {  	_ =	shalt  }
0x70: {  	_ =	shalt  }
0x71: {  	_ =	shalt  }
0x72: {  	_ =	shalt  }
0x73: {  	_ =	shalt  }
0x74: {  	_ =	shalt  }
0x75: {  	_ =	shalt  }
0x76: {  	_ =	shalt  }
0x77: {  	_ =	shalt  }
0x78: {  	_ =	shalt  }
0x79: {  	_ =	shalt  }
0x7a: {  	_ =	shalt  }
0x7b: {  	_ =	shalt  }
0x7c: {  	_ =	shalt  }
0x7d: {  	_ =	shalt  }
0x7e: {  	_ =	shalt  }
0x7f: {  	_ =	shalt  }
0x80: {  	_ =	shalt  }
0x81: {  	_ =	shalt  }
0x82: {  	_ =	shalt  }
0x83: {  	_ =	shalt  }
0x84: {  	_ =	shalt  }
0x85: {  	_ =	shalt  }
0x86: {  	_ =	shalt  }
0x87: {  	_ =	shalt  }
.Lfunc_end0:
.L_simem_size_0:
called_computation_lowered:
.L_overlay_start_0:
0x88: {  	s2 =	sld [smem:$0x3FD9]  }
0x89: {  	s3 =	sld [smem:$0x3FFE];
	_ =	sdelay $0x1  }
0x8a: {  	s1 =	srdreg.scid  }
0x8b: {  	s0 =	sand.u32 $0x1, s1  }
0x8c: {  	s17 =	sshll.u32 s0, $0xA;
	s2 =	sadd.s32 s3, s2  }
0x8d: {  	s2 =	sadd.s32 s2, s17  }
0x8e: {  	[smem:$0x3FBE] =	sst s2  }
0x8f: {  	_ = 	snop  }
0x90: {  	s2 =	sld [smem:$0x3FC9]  }
0x91: {  	s18 =	sld [smem:$0x3FC8];
	(tm) =	ssettm $0x1  }
0x92: {  	s4 =	sld [smem:$0x3FFB];
	_ =	sdelay $0x3  }
0x93: {  	_ =	strace s4  }
0x94: {  	s4 =	sld [smem:$0x3FFC];
	_ =	sdelay $0x3  }
0x95: {  	_ =	strace s4  }
0x96: {  	s4 =	sld [smem:$0x3FFD];
	_ =	sdelay $0x3  }
0x97: {  	_ =	strace s4  }
0x98: {  	_ =	strace $0x8FFFFFFF  }
0x99: {  	s19 =	sld [smem:$0x3FDB];
	_ =	sdelay $0x1  }
0x9a: {  	s5 =	simm.s32 $_scs_section_size  }
0x9b: {  	s6 =	simm.s32 $_size__tile_overlayer_lowered;
	s7 =	simm.s32 $_tile_overlayer_lowered  }
0x9c: {  	s22 =	simm.s32 $0x1BFF;
	s21 =	sshll.u32 s7, $0x1;
	s4 =	sadd.s32 s5, s19  }
0x9d: {  	s8 =	simm.s32 $0x0;
	s20 =	sshll.u32 s6, $0x1;
	s6 =	sadd.s32 s21, s4  }
0x9e: {  	[timem:s8], [sflag:s22] =	dma.local [hbm:s6], s20  }
0x9f: {  	_ =	swait.ge [sflag:s22], s20  }
0xa0: {  	s5 =	ssub.s32 $0x0, s20;
	[sflag:s22] =	ssyncset.done $0x0  }
0xa1: {  	[sflag:s22] =	ssyncadd.s32 s5;
	_ =	sdelay $0x1  }
0xa2: {  	s23 =	simm.s32 $0x1B8B  }
0xa3: {  	_ =	swait.ge [sflag:s23], $0x1  }
0xa4: {  	[sflag:s23] =	ssyncset.done $0x0  }
0xa5: {  	s25 =	simm.s32 $0x1B8E;
	s24 =	sld [smem:$0x3FFE];
	[sflag:s23] =	ssyncadd.s32 $0xFFFFFFFF  }
0xa6: {  	s26 =	simm.s32 $execute0_lowered;
	[smem:$0x3FD2] =	sst s25  }
0xa7: {  	s6 =	sshll.u32 s26, $0x1;
	_ =	strace $0x80000046;
	[dreg:$0x1] =	wrdreg $0xFFFFFFFF  }
0xa8: {  	s28 =	simm.s32 $_size_execute0_lowered;
	s4 =	sadd.s32 s4, s6;
	[dreg:$0x0] =	wrdreg $0x0  }
0xa9: {  	s6 =	sshll.u32 s28, $0x1;
	[dreg:$0x2] =	wrdreg s4  }
0xaa: {  	[dreg:$0x3] =	wrdreg s6  }
0xab: {  	[dreg:$0x4] =	wrdreg $0xC0  }
0xac: {  	_ =	task [dreg:s8], $0x5FFFF  }
0xad: {  	[dreg:$0x1] =	wrdreg $0xFFFFFFFF  }
0xae: {  	[dreg:$0x0] =	wrdreg $0x60  }
0xaf: {  	[dreg:$0x2] =	wrdreg s2  }
0xb0: {  	[dreg:$0x3] =	wrdreg s18  }
0xb1: {  	[dreg:$0x4] =	wrdreg s24  }
0xb2: {  	[dreg:$0x5] =	wrdreg $0x9  }
0xb3: {  	_ =	task.clear_ibuf [dreg:s8], $0x6FFFF;
	_ =	strace $0x90000046  }
0xb4: {  	s29 =	simm.s32 $0x9;
	_ =	strace $0x80000048  }
0xb5: {  	_ =	swait.ge [sflag:s29], $0x1  }
0xb6: {  	[sflag:s29] =	ssyncadd.s32 $0xFFFFFFFF  }
0xb7: {  	_ =	strace $0x90000048  }
0xb8: {  	_ =	sfence  }
0xb9: {  	s30 =	sld [smem:$0x0];
	_ =	sdelay $0x2  }
0xba: {  	s31 =	sshll.u32 s1, $0xD;
	s1 =	sshrl.u32 s1, $0x2  }
0xbb: {  	s3 =	sand.u32 $0x4000, s31;
	s1 =	sadd.s32 s1, s30  }
0xbc: {  	s0 =	sor.u32 s3, s0;
	s1 =	sshll.u32 s1, $0x11  }
0xbd: {  	s0 =	sor.u32 s1, s0  }
0xbe: {  	s0 =	sadd.s32 $0x8F2B, s0  }
0xbf: {  	[sflag:s0] =	ssyncadd.remote.s32 $0x1  }
0xc0: {  	_ =	sfence.sel $0xFFFF  }
0xc1: {  	[dreg:$0x0] =	wrdreg $0xFFFFFFFF;
	(pc) =	sbr.abs _section_cstart, $3  }
0xc2: {  	[dreg:$0x1] =	wrdreg $0xFFFFFFFF  }
0xc3: {  	_ =	task.clear_ibuf [dreg:s8], $0x2FFFF;
	_ =	strace $0x9FFFFFFF  }
0xc4: {  	(tm) =	ssettm $0x7FFFFFFF  }
0xc5: {  	_ =	shalt  }
tec
execute0_lowered:
.L_overlay_start_1:
0x0: {  	(tag) =	ssettag $0x1  }
0x1: {  	s0 =	rddreg [dreg:$0x0]  }
0x2: {  	s2 =	rddreg [dreg:$0x1]  }
0x3: {  	s5 =	rddreg [dreg:$0x2];
	s1 =	simm.s32 $0x0  }
0x4: {  	s6 =	srdreg.scid;
	s9 =	stileid.u32;
	s12 =	simm.s32 $0x9  }
0x5: {  	s17 =	simm.s32 $0x4;
	s19 =	simm.s32 $0x5;
	s6 =	sand.u32 $0x1, s6  }
0x6: {  	s9 =	sshll.u32 s9, $0xA;
	s7 =	ssub.s32 $0x2, s6;
	s6 =	sshll.u32 s6, $0x9  }
0x7: {  	[smem:$0x7FF] =	sst s1;
	s3 =	sadd.s32 $0x16E4800, s5;
	s6 =	sor.u32 s6, s9  }
0x8: {  	s4 =	sadd.s32 $0xF43600, s5;
	s8 =	sadd.s32 $0x21200, s5;
	s24 =	sshrl.u32 s6, $0x3  }
0x9: {  	s5 =	sadd.s32 $0x1200, s5;
	_ =	strace $0x80000047;
	s0 =	sadd.s32 s0, s24  }
0xa: {  	s6 =	sshll.u32 s6, $0x3;
	s25 =	sadd.s32 s2, s24;
	[dreg:$0x4] =	wrdreg s0  }
0xb: {  	s10 =	sshrl.u32 s7, $0x1;
	s28 =	sadd.s32 s8, s6;
	[dreg:$0x5] =	wrdreg s25  }
0xc: {  	s11 =	ssub.s32 s7, s10;
	s30 =	sadd.s32 s5, s6;
	[dreg:$0x6] =	wrdreg s28  }
0xd: {  	s26 =	sor.u32 $0x800, s6;
	s31 =	smax.u32 s11, $0x1;
	[dreg:$0x8] =	wrdreg s30  }
0xe: {  	s20 =	simm.s32 $0x6;
	s29 =	sadd.s32 s8, s26;
	[dreg:$0xa] =	wrdreg s31  }
0xf: {  	s21 =	simm.s32 $0x7;
	s0 =	sadd.s32 s5, s26;
	[dreg:$0x7] =	wrdreg s29  }
0x10: {  	s22 =	simm.s32 $0x8;
	s24 =	simm.s32 $0x0;
	[dreg:$0x9] =	wrdreg s0  }
.LBB2_1:
0x11: {  	s0 =	rddreg [dreg:$0x4]  }
0x12: {  	[tilespmem:s1], [sflag:$0x9] =	stream.linear.gather [hbm4b:s0+s1], $0x200, $0x38;
	[tilespmem:$0x8400] =	vst v63  }
0x13: {  	_ =	swait.ge [sflag:s12], $0x200  }
0x14: {  	[sflag:s12] =	ssyncset.done $0x0  }
0x15: {  	s2 =	simm.s32 $0x200;
	s31 =	rddreg [dreg:$0x5];
	[sflag:s12] =	ssyncadd.s32 $0xFFFFFE00  }
0x16: {  	[tilespmem:s2], [sflag:$0x9] =	stream.linear.gather [hbm4b:s31+s1], $0x200, $0x38;
	[tilespmem:$0x8400] =	vst v63  }
0x17: {  	_ =	swait.ge [sflag:s12], $0x200  }
0x18: {  	[sflag:s12] =	ssyncset.done $0x0  }
0x19: {  	[sflag:s12] =	ssyncadd.s32 $0xFFFFFE00  }
0x1a: {  	v0 =	vld [tilespmem:s1+$0x0];
	_ =	sdelay $0x4  }
0x1b: {  	v0 =	vshll.u32 v0, $0x3  }
0x1c: {  	(v2sf) =	vpush v0, $0x0  }
0x1d: {  	(v2sf) =	vpush v0, $0x1  }
0x1e: {  	(v2sf) =	vpush v0, $0x2;
	_ =	sdelay $0x1  }
0x1f: {  	(v2sf) =	vpush v0, $0x4;
	_ =	sdelay $0x1  }
0x20: {  	(v2sf) =	vpush v0, $0x3  }
0x21: {  	(v2sf) =	vpush v0, $0x5  }
0x22: {  	s28 =	simm.s32 $0x1000;
	s26 =	simm.s32 $0x0;
	s29 =	simm.s32 $0x0;
	(v2sf) =	vpush v0, $0x6  }
.LBB2_2:
0x23: {  	p0 =	sne.s32 s28, $0xF000  }
0x24: {  	s7 =	sadd.s32 $0x440, s26;
	s2 =	sadd.s32 $0x6C0, s26;
	s30 =	smov.u32 s28  }
0x25: {  	s28 =	sadd.s32 $0x1000, s28;
	s5 =	sadd.s32 $0x5C0, s26;
	s31 =	sadd.s32 $0x700, s26;
	(v2sf) =	vpush v0, $0x7  }
0x26: {  	s23 =	sadd.s32 $0x540, s26;
	s13 =	sadd.s32 $0x600, s26;
	s0 =	sadd.s32 $0x740, s26  }
0x27: {  	s8 =	sadd.s32 $0x400, s26;
	s9 =	sadd.s32 $0x500, s26;
	(v2sf) =	vpush v0, $0x8  }
0x28: {  	s25 =	simm.s32 $0x0;
	s10 =	sadd.s32 $0x580, s26;
	s29 =	sadd.s32 $0x10, s29  }
0x29: {  	s11 =	sadd.s32 $0x480, s26;
	s18 =	sadd.s32 $0x680, s26;
	s6 =	spop (v2sf);
	(v2sf) =	vpush v0, $0x9  }
0x2a: {  	s14 =	sand.u32 $0x1FFFFFF8, s6;
	s6 =	sadd.s32 $0x640, s26;
	s15 =	spop (v2sf)  }
0x2b: {  	s14 =	sadd.s32 s3, s14;
	s15 =	sand.u32 $0x1FFFFFF8, s15;
	s16 =	spop (v2sf);
	(v2sf) =	vpush v0, $0xA  }
0x2c: {  	[tilespmem:s8], [sflag:$0x1] =	stream.linear.gather [hbm4b:s14+s25], $0x40, $0x38;
	[tilespmem:$0x8400] =	vst v63  }
0x2d: {  	s8 =	sadd.s32 s3, s15;
	s14 =	sadd.s32 $0x4C0, s26;
	s15 =	spop (v2sf);
	(v2sf) =	vpush v0, $0xB  }
0x2e: {  	[tilespmem:s7], [sflag:$0x2] =	stream.linear.gather [hbm4b:s8+s25], $0x40, $0x38;
	[tilespmem:$0x8400] =	vst v63  }
0x2f: {  	s7 =	sand.u32 $0x1FFFFFF8, s16;
	s8 =	sand.u32 $0x1FFFFFF8, s15;
	s15 =	spop (v2sf);
	(v2sf) =	vpush v0, $0xC  }
0x30: {  	s7 =	sadd.s32 s3, s7;
	s15 =	sand.u32 $0x1FFFFFF8, s15;
	s16 =	spop (v2sf)  }
0x31: {  	[tilespmem:s11], [sflag:$0x3] =	stream.linear.gather [hbm4b:s7+s25], $0x40, $0x38;
	(v2sf) =	vpush v0, $0xD;
	[tilespmem:$0x8400] =	vst v63  }
0x32: {  	s7 =	sadd.s32 s3, s15;
	s11 =	sand.u32 $0x1FFFFFF8, s16;
	s15 =	spop (v2sf)  }
0x33: {  	[tilespmem:s14], [sflag:$0x4] =	stream.linear.gather [hbm4b:s7+s25], $0x40, $0x38;
	(v2sf) =	vpush v0, $0xE;
	[tilespmem:$0x8400] =	vst v63  }
0x34: {  	s7 =	sadd.s32 s3, s8;
	s8 =	sand.u32 $0x1FFFFFF8, s15;
	s14 =	spop (v2sf)  }
0x35: {  	[tilespmem:s9], [sflag:$0x1] =	stream.linear.gather [hbm4b:s7+s25], $0x40, $0x38;
	(v2sf) =	vpush v0, $0xF;
	[tilespmem:$0x8400] =	vst v63  }
0x36: {  	s7 =	sadd.s32 s3, s11;
	s9 =	sand.u32 $0x1FFFFFF8, s14;
	s11 =	spop (v2sf)  }
0x37: {  	[tilespmem:s23], [sflag:$0x2] =	stream.linear.gather [hbm4b:s7+s25], $0x40, $0x38;
	[tilespmem:$0x8400] =	vst v63  }
0x38: {  	s7 =	sadd.s32 s3, s8;
	s8 =	sand.u32 $0x1FFFFFF8, s11;
	s11 =	spop (v2sf)  }
0x39: {  	[tilespmem:s10], [sflag:$0x3] =	stream.linear.gather [hbm4b:s7+s25], $0x40, $0x38;
	[tilespmem:$0x8400] =	vst v63  }
0x3a: {  	s7 =	sadd.s32 s3, s9;
	s9 =	sand.u32 $0x1FFFFFF8, s11;
	s10 =	spop (v2sf)  }
0x3b: {  	[tilespmem:s5], [sflag:$0x4] =	stream.linear.gather [hbm4b:s7+s25], $0x40, $0x38;
	[tilespmem:$0x8400] =	vst v63  }
0x3c: {  	s5 =	sadd.s32 s3, s8;
	s7 =	sand.u32 $0x1FFFFFF8, s10;
	s8 =	spop (v2sf)  }
0x3d: {  	[tilespmem:s13], [sflag:$0x1] =	stream.linear.gather [hbm4b:s5+s25], $0x40, $0x38;
	[tilespmem:$0x8400] =	vst v63  }
0x3e: {  	s5 =	sadd.s32 s3, s9;
	s8 =	sand.u32 $0x1FFFFFF8, s8;
	s9 =	spop (v2sf)  }
0x3f: {  	[tilespmem:s6], [sflag:$0x2] =	stream.linear.gather [hbm4b:s5+s25], $0x40, $0x38;
	[tilespmem:$0x8400] =	vst v63  }
0x40: {  	s5 =	sadd.s32 s3, s7;
	s6 =	sand.u32 $0x1FFFFFF8, s9;
	s7 =	spop (v2sf)  }
0x41: {  	[tilespmem:s18], [sflag:$0x3] =	stream.linear.gather [hbm4b:s5+s25], $0x40, $0x38;
	[tilespmem:$0x8400] =	vst v63  }
0x42: {  	s5 =	sadd.s32 s3, s8;
	s7 =	sand.u32 $0x1FFFFFF8, s7;
	s8 =	spop (v2sf)  }
0x43: {  	[tilespmem:s2], [sflag:$0x4] =	stream.linear.gather [hbm4b:s5+s25], $0x40, $0x38;
	[tilespmem:$0x8400] =	vst v63  }
0x44: {  	s2 =	sadd.s32 s3, s6;
	s5 =	sand.u32 $0x1FFFFFF8, s8;
	s6 =	spop (v2sf)  }
0x45: {  	[tilespmem:s31], [sflag:$0x1] =	stream.linear.gather [hbm4b:s2+s25], $0x40, $0x38;
	[tilespmem:$0x8400] =	vst v63  }
0x46: {  	s2 =	sadd.s32 s3, s7;
	s6 =	sand.u32 $0x1FFFFFF8, s6  }
0x47: {  	[tilespmem:s0], [sflag:$0x2] =	stream.linear.gather [hbm4b:s2+s25], $0x40, $0x38;
	[tilespmem:$0x8400] =	vst v63  }
0x48: {  	s0 =	sadd.s32 $0x780, s26;
	s2 =	sadd.s32 s3, s5  }
0x49: {  	[tilespmem:s0], [sflag:$0x3] =	stream.linear.gather [hbm4b:s2+s25], $0x40, $0x38;
	[tilespmem:$0x8400] =	vst v63  }
0x4a: {  	s0 =	sadd.s32 $0x7C0, s26;
	s2 =	sadd.s32 s3, s6  }
0x4b: {  	[tilespmem:s0], [sflag:$0x4] =	stream.linear.gather [hbm4b:s2+s25], $0x40, $0x38;
	[tilespmem:$0x8400] =	vst v63  }
0x4c: {  	v0 =	vld [tilespmem:s29+$0x0];
	_ =	sdelay $0x4  }
0x4d: {  	v0 =	vshll.u32 v0, $0x3  }
0x4e: {  	(v2sf) =	vpush v0, $0x0  }
0x4f: {  	(v2sf) =	vpush v0, $0x1  }
0x50: {  	(v2sf) =	vpush v0, $0x2;
	_ =	sdelay $0x1  }
0x51: {  	(v2sf) =	vpush v0, $0x4  }
.Ltmp0:
0x52: {  	(pc) =	sbr.rel @p0 .LBB2_2-.Ltmp0, $3  }
0x53: {  	(v2sf) =	vpush v0, $0x3  }
0x54: {  	(v2sf) =	vpush v0, $0x5;
	_ =	sdelay $0x1  }
0x55: {  	s26 =	sshra.s32 s30, $0x2;
	(v2sf) =	vpush v0, $0x6  }
0x56: {  	_ =	sdelay $0x1  }
0x57: {  	s6 =	sadd.s32 $0x440, s26;
	s5 =	sadd.s32 $0x6C0, s26  }
0x58: {  	s7 =	sadd.s32 $0x5C0, s26;
	s0 =	sadd.s32 $0x700, s26;
	(v2sf) =	vpush v0, $0x7;
	s8 =	sadd.s32 $0x540, s26  }
0x59: {  	s9 =	sadd.s32 $0x600, s26;
	s2 =	sadd.s32 $0x740, s26;
	s10 =	sadd.s32 $0x400, s26  }
0x5a: {  	s11 =	sadd.s32 $0x500, s26;
	s13 =	sadd.s32 $0x580, s26;
	(v2sf) =	vpush v0, $0x8;
	s14 =	spop (v2sf)  }
0x5b: {  	s15 =	sadd.s32 $0x480, s26;
	s14 =	sand.u32 $0x1FFFFFF8, s14;
	s16 =	spop (v2sf)  }
0x5c: {  	(v2sf) =	vpush v0, $0x9;
	s14 =	sadd.s32 s3, s14;
	s16 =	sand.u32 $0x1FFFFFF8, s16;
	s18 =	spop (v2sf)  }
0x5d: {  	[tilespmem:s10], [sflag:$0x1] =	stream.linear.gather [hbm4b:s14+s25], $0x40, $0x38;
	[tilespmem:$0x8400] =	vst v63  }
0x5e: {  	s23 =	sadd.s32 $0x4C0, s26;
	(v2sf) =	vpush v0, $0xA;
	s30 =	sadd.s32 s3, s16;
	s31 =	spop (v2sf)  }
0x5f: {  	[tilespmem:s6], [sflag:$0x2] =	stream.linear.gather [hbm4b:s30+s25], $0x40, $0x38;
	[tilespmem:$0x8400] =	vst v63  }
0x60: {  	s10 =	sadd.s32 $0x680, s26;
	s18 =	sand.u32 $0x1FFFFFF8, s18;
	(v2sf) =	vpush v0, $0xB;
	s29 =	spop (v2sf)  }
0x61: {  	s14 =	sadd.s32 s3, s18;
	s6 =	sadd.s32 $0x640, s26;
	s18 =	sand.u32 $0x1FFFFFF8, s29  }
0x62: {  	(v2sf) =	vpush v0, $0xC;
	[tilespmem:s15], [sflag:$0x3] =	stream.linear.gather [hbm4b:s14+s25], $0x40, $0x38;
	[tilespmem:$0x8400] =	vst v63  }
0x63: {  	s30 =	sand.u32 $0x1FFFFFF8, s31;
	s31 =	spop (v2sf);
	s18 =	sadd.s32 s3, s18  }
0x64: {  	(v2sf) =	vpush v0, $0xD;
	[tilespmem:s23], [sflag:$0x4] =	stream.linear.gather [hbm4b:s18+s25], $0x40, $0x38;
	[tilespmem:$0x8400] =	vst v63  }
0x65: {  	s14 =	sadd.s32 s3, s30;
	s15 =	sand.u32 $0x1FFFFFF8, s31;
	s29 =	spop (v2sf)  }
0x66: {  	(v2sf) =	vpush v0, $0xE;
	[tilespmem:s11], [sflag:$0x1] =	stream.linear.gather [hbm4b:s14+s25], $0x40, $0x38;
	[tilespmem:$0x8400] =	vst v63  }
0x67: {  	s15 =	sadd.s32 s3, s15;
	s30 =	sand.u32 $0x1FFFFFF8, s29;
	s31 =	spop (v2sf)  }
0x68: {  	(v2sf) =	vpush v0, $0xF;
	[tilespmem:s8], [sflag:$0x2] =	stream.linear.gather [hbm4b:s15+s25], $0x40, $0x38;
	[tilespmem:$0x8400] =	vst v63  }
0x69: {  	s16 =	spop (v2sf);
	s11 =	sadd.s32 s3, s30;
	s15 =	sand.u32 $0x1FFFFFF8, s31  }
0x6a: {  	[tilespmem:s13], [sflag:$0x3] =	stream.linear.gather [hbm4b:s11+s25], $0x40, $0x38;
	[tilespmem:$0x8400] =	vst v63  }
0x6b: {  	s18 =	sand.u32 $0x1FFFFFF8, s16;
	s8 =	sadd.s32 s3, s15;
	s23 =	spop (v2sf)  }
0x6c: {  	[tilespmem:s7], [sflag:$0x4] =	stream.linear.gather [hbm4b:s8+s25], $0x40, $0x38;
	[tilespmem:$0x8400] =	vst v63  }
0x6d: {  	s11 =	sadd.s32 s3, s18;
	s29 =	sand.u32 $0x1FFFFFF8, s23;
	s30 =	spop (v2sf)  }
0x6e: {  	[tilespmem:s9], [sflag:$0x1] =	stream.linear.gather [hbm4b:s11+s25], $0x40, $0x38;
	[tilespmem:$0x8400] =	vst v63  }
0x6f: {  	s8 =	sand.u32 $0x1FFFFFF8, s30;
	s7 =	sadd.s32 s3, s29;
	s31 =	spop (v2sf)  }
0x70: {  	[tilespmem:s6], [sflag:$0x2] =	stream.linear.gather [hbm4b:s7+s25], $0x40, $0x38;
	[tilespmem:$0x8400] =	vst v63  }
0x71: {  	s8 =	sadd.s32 s3, s8;
	s11 =	sand.u32 $0x1FFFFFF8, s31;
	s13 =	spop (v2sf)  }
0x72: {  	[tilespmem:s10], [sflag:$0x3] =	stream.linear.gather [hbm4b:s8+s25], $0x40, $0x38;
	[tilespmem:$0x8400] =	vst v63  }
0x73: {  	s6 =	sadd.s32 s3, s11;
	s7 =	sand.u32 $0x1FFFFFF8, s13;
	s14 =	spop (v2sf)  }
0x74: {  	[tilespmem:s5], [sflag:$0x4] =	stream.linear.gather [hbm4b:s6+s25], $0x40, $0x38;
	[tilespmem:$0x8400] =	vst v63  }
0x75: {  	s15 =	sand.u32 $0x1FFFFFF8, s14;
	s7 =	sadd.s32 s3, s7;
	s16 =	spop (v2sf)  }
0x76: {  	[tilespmem:s0], [sflag:$0x1] =	stream.linear.gather [hbm4b:s7+s25], $0x40, $0x38;
	[tilespmem:$0x8400] =	vst v63  }
0x77: {  	s18 =	sand.u32 $0x1FFFFFF8, s16;
	s23 =	spop (v2sf);
	s5 =	sadd.s32 s3, s15  }
0x78: {  	[tilespmem:s2], [sflag:$0x2] =	stream.linear.gather [hbm4b:s5+s25], $0x40, $0x38;
	[tilespmem:$0x8400] =	vst v63  }
0x79: {  	s30 =	sadd.s32 $0x780, s26;
	s29 =	sand.u32 $0x1FFFFFF8, s23;
	s0 =	sadd.s32 s3, s18  }
0x7a: {  	[tilespmem:s30], [sflag:$0x3] =	stream.linear.gather [hbm4b:s0+s25], $0x40, $0x38;
	[tilespmem:$0x8400] =	vst v63  }
0x7b: {  	s31 =	sadd.s32 $0x7C0, s26;
	s26 =	simm.s32 $0x100;
	s2 =	sadd.s32 s3, s29  }
0x7c: {  	[tilespmem:s31], [sflag:$0x4] =	stream.linear.gather [hbm4b:s2+s25], $0x40, $0x38;
	[tilespmem:$0x8400] =	vst v63  }
0x7d: {  	v0 =	vld [tilespmem:s26+$0x0];
	_ =	sdelay $0x4  }
0x7e: {  	v0 =	vshll.u32 v0, $0x3  }
0x7f: {  	(v2sf) =	vpush v0, $0x0  }
0x80: {  	(v2sf) =	vpush v0, $0x1  }
0x81: {  	(v2sf) =	vpush v0, $0x2;
	_ =	sdelay $0x1  }
0x82: {  	(v2sf) =	vpush v0, $0x4;
	_ =	sdelay $0x1  }
0x83: {  	(v2sf) =	vpush v0, $0x3  }
0x84: {  	(v2sf) =	vpush v0, $0x5  }
0x85: {  	s28 =	simm.s32 $0x1000;
	s25 =	simm.s32 $0x0;
	(v2sf) =	vpush v0, $0x6  }
.LBB2_4:
0x86: {  	p0 =	sne.s32 s28, $0xF000  }
0x87: {  	s7 =	sadd.s32 $0x4440, s25;
	s30 =	sadd.s32 $0x46C0, s25;
	s29 =	smov.u32 s28  }
0x88: {  	s28 =	sadd.s32 $0x1000, s28;
	s18 =	sadd.s32 $0x45C0, s25;
	s0 =	sadd.s32 $0x4700, s25;
	(v2sf) =	vpush v0, $0x7  }
0x89: {  	s23 =	sadd.s32 $0x4540, s25;
	s5 =	sadd.s32 $0x4600, s25;
	s2 =	sadd.s32 $0x4740, s25  }
0x8a: {  	s8 =	sadd.s32 $0x4400, s25;
	s9 =	sadd.s32 $0x4500, s25;
	(v2sf) =	vpush v0, $0x8  }
0x8b: {  	s10 =	sadd.s32 $0x4580, s25;
	s26 =	sadd.s32 $0x10, s26  }
0x8c: {  	s11 =	sadd.s32 $0x4480, s25;
	s13 =	sadd.s32 $0x4680, s25;
	s6 =	spop (v2sf);
	(v2sf) =	vpush v0, $0x9  }
0x8d: {  	s14 =	sand.u32 $0x1FFFFFF8, s6;
	s6 =	sadd.s32 $0x4640, s25;
	s15 =	spop (v2sf)  }
0x8e: {  	s14 =	sadd.s32 s3, s14;
	s15 =	sand.u32 $0x1FFFFFF8, s15;
	s16 =	spop (v2sf);
	(v2sf) =	vpush v0, $0xA  }
0x8f: {  	[tilespmem:s8], [sflag:$0x5] =	stream.linear.gather [hbm4b:s14+s1], $0x40, $0x38;
	[tilespmem:$0x8400] =	vst v63  }
0x90: {  	s8 =	sadd.s32 s3, s15;
	s14 =	sadd.s32 $0x44C0, s25;
	s15 =	spop (v2sf);
	(v2sf) =	vpush v0, $0xB  }
0x91: {  	[tilespmem:s7], [sflag:$0x6] =	stream.linear.gather [hbm4b:s8+s1], $0x40, $0x38;
	[tilespmem:$0x8400] =	vst v63  }
0x92: {  	s7 =	sand.u32 $0x1FFFFFF8, s16;
	s8 =	sand.u32 $0x1FFFFFF8, s15;
	s15 =	spop (v2sf);
	(v2sf) =	vpush v0, $0xC  }
0x93: {  	s7 =	sadd.s32 s3, s7;
	s15 =	sand.u32 $0x1FFFFFF8, s15;
	s16 =	spop (v2sf)  }
0x94: {  	[tilespmem:s11], [sflag:$0x7] =	stream.linear.gather [hbm4b:s7+s1], $0x40, $0x38;
	(v2sf) =	vpush v0, $0xD;
	[tilespmem:$0x8400] =	vst v63  }
0x95: {  	s7 =	sadd.s32 s3, s15;
	s11 =	sand.u32 $0x1FFFFFF8, s16;
	s15 =	spop (v2sf)  }
0x96: {  	[tilespmem:s14], [sflag:$0x8] =	stream.linear.gather [hbm4b:s7+s1], $0x40, $0x38;
	(v2sf) =	vpush v0, $0xE;
	[tilespmem:$0x8400] =	vst v63  }
0x97: {  	s7 =	sadd.s32 s3, s8;
	s8 =	sand.u32 $0x1FFFFFF8, s15;
	s14 =	spop (v2sf)  }
0x98: {  	[tilespmem:s9], [sflag:$0x5] =	stream.linear.gather [hbm4b:s7+s1], $0x40, $0x38;
	(v2sf) =	vpush v0, $0xF;
	[tilespmem:$0x8400] =	vst v63  }
0x99: {  	s7 =	sadd.s32 s3, s11;
	s9 =	sand.u32 $0x1FFFFFF8, s14;
	s11 =	spop (v2sf)  }
0x9a: {  	[tilespmem:s23], [sflag:$0x6] =	stream.linear.gather [hbm4b:s7+s1], $0x40, $0x38;
	[tilespmem:$0x8400] =	vst v63  }
0x9b: {  	s7 =	sadd.s32 s3, s8;
	s8 =	sand.u32 $0x1FFFFFF8, s11;
	s11 =	spop (v2sf)  }
0x9c: {  	[tilespmem:s10], [sflag:$0x7] =	stream.linear.gather [hbm4b:s7+s1], $0x40, $0x38;
	[tilespmem:$0x8400] =	vst v63  }
0x9d: {  	s7 =	sadd.s32 s3, s9;
	s9 =	sand.u32 $0x1FFFFFF8, s11;
	s10 =	spop (v2sf)  }
0x9e: {  	[tilespmem:s18], [sflag:$0x8] =	stream.linear.gather [hbm4b:s7+s1], $0x40, $0x38;
	[tilespmem:$0x8400] =	vst v63  }
0x9f: {  	s7 =	sadd.s32 s3, s8;
	s8 =	sand.u32 $0x1FFFFFF8, s10;
	s10 =	spop (v2sf)  }
0xa0: {  	[tilespmem:s5], [sflag:$0x5] =	stream.linear.gather [hbm4b:s7+s1], $0x40, $0x38;
	[tilespmem:$0x8400] =	vst v63  }
0xa1: {  	s5 =	sadd.s32 s3, s9;
	s7 =	sand.u32 $0x1FFFFFF8, s10;
	s9 =	spop (v2sf)  }
0xa2: {  	[tilespmem:s6], [sflag:$0x6] =	stream.linear.gather [hbm4b:s5+s1], $0x40, $0x38;
	[tilespmem:$0x8400] =	vst v63  }
0xa3: {  	s5 =	sadd.s32 s3, s8;
	s6 =	sand.u32 $0x1FFFFFF8, s9;
	s8 =	spop (v2sf)  }
0xa4: {  	[tilespmem:s13], [sflag:$0x7] =	stream.linear.gather [hbm4b:s5+s1], $0x40, $0x38;
	[tilespmem:$0x8400] =	vst v63  }
0xa5: {  	s5 =	sadd.s32 s3, s7;
	s7 =	sand.u32 $0x1FFFFFF8, s8;
	s8 =	spop (v2sf)  }
0xa6: {  	[tilespmem:s30], [sflag:$0x8] =	stream.linear.gather [hbm4b:s5+s1], $0x40, $0x38;
	[tilespmem:$0x8400] =	vst v63  }
0xa7: {  	s5 =	sadd.s32 s3, s6;
	s6 =	sand.u32 $0x1FFFFFF8, s8;
	s8 =	spop (v2sf)  }
0xa8: {  	[tilespmem:s0], [sflag:$0x5] =	stream.linear.gather [hbm4b:s5+s1], $0x40, $0x38;
	[tilespmem:$0x8400] =	vst v63  }
0xa9: {  	s0 =	sadd.s32 s3, s7;
	s5 =	sand.u32 $0x1FFFFFF8, s8  }
0xaa: {  	[tilespmem:s2], [sflag:$0x6] =	stream.linear.gather [hbm4b:s0+s1], $0x40, $0x38;
	[tilespmem:$0x8400] =	vst v63  }
0xab: {  	s0 =	sadd.s32 $0x4780, s25;
	s2 =	sadd.s32 s3, s6  }
0xac: {  	[tilespmem:s0], [sflag:$0x7] =	stream.linear.gather [hbm4b:s2+s1], $0x40, $0x38;
	[tilespmem:$0x8400] =	vst v63  }
0xad: {  	s0 =	sadd.s32 $0x47C0, s25;
	s2 =	sadd.s32 s3, s5  }
0xae: {  	[tilespmem:s0], [sflag:$0x8] =	stream.linear.gather [hbm4b:s2+s1], $0x40, $0x38;
	[tilespmem:$0x8400] =	vst v63  }
0xaf: {  	v0 =	vld [tilespmem:s26+$0x0];
	_ =	sdelay $0x4  }
0xb0: {  	v0 =	vshll.u32 v0, $0x3  }
0xb1: {  	(v2sf) =	vpush v0, $0x0  }
0xb2: {  	(v2sf) =	vpush v0, $0x1  }
0xb3: {  	(v2sf) =	vpush v0, $0x2;
	_ =	sdelay $0x1  }
0xb4: {  	(v2sf) =	vpush v0, $0x4  }
.Ltmp1:
0xb5: {  	(pc) =	sbr.rel @p0 .LBB2_4-.Ltmp1, $3  }
0xb6: {  	(v2sf) =	vpush v0, $0x3  }
0xb7: {  	(v2sf) =	vpush v0, $0x5;
	_ =	sdelay $0x1  }
0xb8: {  	s25 =	sshra.s32 s29, $0x2;
	(v2sf) =	vpush v0, $0x6  }
0xb9: {  	_ =	sdelay $0x1  }
0xba: {  	s6 =	sadd.s32 $0x4440, s25;
	s5 =	sadd.s32 $0x46C0, s25  }
0xbb: {  	s7 =	sadd.s32 $0x45C0, s25;
	s0 =	sadd.s32 $0x4700, s25;
	(v2sf) =	vpush v0, $0x7;
	s8 =	sadd.s32 $0x4540, s25  }
0xbc: {  	s9 =	sadd.s32 $0x4600, s25;
	s2 =	sadd.s32 $0x4740, s25;
	s10 =	sadd.s32 $0x4400, s25  }
0xbd: {  	s11 =	sadd.s32 $0x4500, s25;
	s13 =	sadd.s32 $0x4580, s25;
	(v2sf) =	vpush v0, $0x8;
	s14 =	spop (v2sf)  }
0xbe: {  	s15 =	sadd.s32 $0x4480, s25;
	s14 =	sand.u32 $0x1FFFFFF8, s14;
	s16 =	spop (v2sf)  }
0xbf: {  	(v2sf) =	vpush v0, $0x9;
	s14 =	sadd.s32 s3, s14;
	s16 =	sand.u32 $0x1FFFFFF8, s16;
	s18 =	spop (v2sf)  }
0xc0: {  	[tilespmem:s10], [sflag:$0x5] =	stream.linear.gather [hbm4b:s14+s1], $0x40, $0x38;
	[tilespmem:$0x8400] =	vst v63  }
0xc1: {  	(v2sf) =	vpush v0, $0xA;
	s23 =	sadd.s32 s3, s16;
	s29 =	sand.u32 $0x1FFFFFF8, s18;
	s26 =	spop (v2sf)  }
0xc2: {  	[tilespmem:s6], [sflag:$0x6] =	stream.linear.gather [hbm4b:s23+s1], $0x40, $0x38;
	[tilespmem:$0x8400] =	vst v63  }
0xc3: {  	s10 =	sadd.s32 $0x4680, s25;
	(v2sf) =	vpush v0, $0xB;
	s14 =	sadd.s32 s3, s29;
	s30 =	spop (v2sf)  }
0xc4: {  	s6 =	sadd.s32 $0x4640, s25;
	s23 =	sadd.s32 $0x44C0, s25;
	s18 =	sand.u32 $0x1FFFFFF8, s30  }
0xc5: {  	(v2sf) =	vpush v0, $0xC;
	[tilespmem:s15], [sflag:$0x7] =	stream.linear.gather [hbm4b:s14+s1], $0x40, $0x38;
	[tilespmem:$0x8400] =	vst v63  }
0xc6: {  	s26 =	sand.u32 $0x1FFFFFF8, s26;
	s29 =	spop (v2sf);
	s30 =	sadd.s32 s3, s18  }
0xc7: {  	(v2sf) =	vpush v0, $0xD;
	[tilespmem:s23], [sflag:$0x8] =	stream.linear.gather [hbm4b:s30+s1], $0x40, $0x38;
	[tilespmem:$0x8400] =	vst v63  }
0xc8: {  	s14 =	sadd.s32 s3, s26;
	s15 =	sand.u32 $0x1FFFFFF8, s29;
	s18 =	spop (v2sf)  }
0xc9: {  	(v2sf) =	vpush v0, $0xE;
	[tilespmem:s11], [sflag:$0x5] =	stream.linear.gather [hbm4b:s14+s1], $0x40, $0x38;
	[tilespmem:$0x8400] =	vst v63  }
0xca: {  	s15 =	sadd.s32 s3, s15;
	s23 =	sand.u32 $0x1FFFFFF8, s18;
	s26 =	spop (v2sf)  }
0xcb: {  	(v2sf) =	vpush v0, $0xF;
	[tilespmem:s8], [sflag:$0x6] =	stream.linear.gather [hbm4b:s15+s1], $0x40, $0x38;
	[tilespmem:$0x8400] =	vst v63  }
0xcc: {  	s29 =	sand.u32 $0x1FFFFFF8, s26;
	s30 =	spop (v2sf);
	s11 =	sadd.s32 s3, s23  }
0xcd: {  	[tilespmem:s13], [sflag:$0x7] =	stream.linear.gather [hbm4b:s11+s1], $0x40, $0x38;
	[tilespmem:$0x8400] =	vst v63  }
0xce: {  	s15 =	sand.u32 $0x1FFFFFF8, s30;
	s8 =	sadd.s32 s3, s29;
	s16 =	spop (v2sf)  }
0xcf: {  	[tilespmem:s7], [sflag:$0x8] =	stream.linear.gather [hbm4b:s8+s1], $0x40, $0x38;
	[tilespmem:$0x8400] =	vst v63  }
0xd0: {  	s11 =	sadd.s32 s3, s15;
	s18 =	sand.u32 $0x1FFFFFF8, s16;
	s23 =	spop (v2sf)  }
0xd1: {  	[tilespmem:s9], [sflag:$0x5] =	stream.linear.gather [hbm4b:s11+s1], $0x40, $0x38;
	[tilespmem:$0x8400] =	vst v63  }
0xd2: {  	s8 =	sand.u32 $0x1FFFFFF8, s23;
	s7 =	sadd.s32 s3, s18;
	s26 =	spop (v2sf)  }
0xd3: {  	[tilespmem:s6], [sflag:$0x6] =	stream.linear.gather [hbm4b:s7+s1], $0x40, $0x38;
	[tilespmem:$0x8400] =	vst v63  }
0xd4: {  	s8 =	sadd.s32 s3, s8;
	s29 =	sand.u32 $0x1FFFFFF8, s26;
	s30 =	spop (v2sf)  }
0xd5: {  	[tilespmem:s10], [sflag:$0x7] =	stream.linear.gather [hbm4b:s8+s1], $0x40, $0x38;
	[tilespmem:$0x8400] =	vst v63  }
0xd6: {  	s6 =	sadd.s32 s3, s29;
	s7 =	sand.u32 $0x1FFFFFF8, s30;
	s9 =	spop (v2sf)  }
0xd7: {  	[tilespmem:s5], [sflag:$0x8] =	stream.linear.gather [hbm4b:s6+s1], $0x40, $0x38;
	[tilespmem:$0x8400] =	vst v63  }
0xd8: {  	s10 =	sand.u32 $0x1FFFFFF8, s9;
	s7 =	sadd.s32 s3, s7;
	s11 =	spop (v2sf)  }
0xd9: {  	[tilespmem:s0], [sflag:$0x5] =	stream.linear.gather [hbm4b:s7+s1], $0x40, $0x38;
	[tilespmem:$0x8400] =	vst v63  }
0xda: {  	s13 =	sand.u32 $0x1FFFFFF8, s11;
	s14 =	spop (v2sf);
	s5 =	sadd.s32 s3, s10  }
0xdb: {  	[tilespmem:s2], [sflag:$0x6] =	stream.linear.gather [hbm4b:s5+s1], $0x40, $0x38;
	[tilespmem:$0x8400] =	vst v63  }
0xdc: {  	s16 =	sadd.s32 $0x4780, s25;
	s15 =	sand.u32 $0x1FFFFFF8, s14;
	s0 =	sadd.s32 s3, s13  }
0xdd: {  	[tilespmem:s16], [sflag:$0x7] =	stream.linear.gather [hbm4b:s0+s1], $0x40, $0x38;
	[tilespmem:$0x8400] =	vst v63  }
0xde: {  	s31 =	simm.s32 $0x1;
	s18 =	sadd.s32 $0x47C0, s25;
	s2 =	sadd.s32 s3, s15  }
0xdf: {  	[tilespmem:s18], [sflag:$0x8] =	stream.linear.gather [hbm4b:s2+s1], $0x40, $0x38;
	[tilespmem:$0x8400] =	vst v63  }
0xe0: {  	_ =	swait.ge [sflag:s31], $0x1000  }
0xe1: {  	[sflag:s31] =	ssyncset.done $0x0  }
0xe2: {  	s23 =	simm.s32 $0x2;
	[sflag:s31] =	ssyncadd.s32 $0xFFFFF000  }
0xe3: {  	_ =	swait.ge [sflag:s23], $0x1000  }
0xe4: {  	[sflag:s23] =	ssyncset.done $0x0  }
0xe5: {  	s25 =	simm.s32 $0x3;
	[sflag:s23] =	ssyncadd.s32 $0xFFFFF000  }
0xe6: {  	_ =	swait.ge [sflag:s25], $0x1000  }
0xe7: {  	[sflag:s25] =	ssyncset.done $0x0  }
0xe8: {  	[sflag:s25] =	ssyncadd.s32 $0xFFFFF000  }
0xe9: {  	_ =	swait.ge [sflag:s17], $0x1000  }
0xea: {  	s26 =	simm.s32 $0x0;
	[sflag:s17] =	ssyncset.done $0x0  }
0xeb: {  	s30 =	simm.s32 $0x400;
	s29 =	rddreg [dreg:$0x6];
	[sflag:s17] =	ssyncadd.s32 $0xFFFFF000  }
0xec: {  	[hbm4b:s29+s26] =	stream.linear.scatter [tilespmem:s30], [sflag:$0x9], $0x4000, $0x38;
	[tilespmem:$0x8400] =	vst v63  }
0xed: {  	_ =	swait.ge [sflag:s12], $0x4000  }
0xee: {  	[sflag:s12] =	ssyncset.done $0x0  }
0xef: {  	s26 =	simm.s32 $0x200;
	[sflag:s12] =	ssyncadd.s32 $0xFFFFC000  }
0xf0: {  	v0 =	vld [tilespmem:s26+$0x0];
	_ =	sdelay $0x4  }
0xf1: {  	v0 =	vshll.u32 v0, $0x3  }
0xf2: {  	(v2sf) =	vpush v0, $0x0  }
0xf3: {  	(v2sf) =	vpush v0, $0x1  }
0xf4: {  	(v2sf) =	vpush v0, $0x2;
	_ =	sdelay $0x1  }
0xf5: {  	(v2sf) =	vpush v0, $0x4;
	_ =	sdelay $0x1  }
0xf6: {  	(v2sf) =	vpush v0, $0x3  }
0xf7: {  	(v2sf) =	vpush v0, $0x5  }
0xf8: {  	s28 =	simm.s32 $0x1000;
	s25 =	simm.s32 $0x0;
	(v2sf) =	vpush v0, $0x6  }
.LBB2_6:
0xf9: {  	p0 =	sne.s32 s28, $0xF000  }
0xfa: {  	s7 =	sadd.s32 $0x440, s25;
	s30 =	sadd.s32 $0x6C0, s25;
	s29 =	smov.u32 s28  }
0xfb: {  	s28 =	sadd.s32 $0x1000, s28;
	s18 =	sadd.s32 $0x5C0, s25;
	s0 =	sadd.s32 $0x700, s25;
	(v2sf) =	vpush v0, $0x7  }
0xfc: {  	s23 =	sadd.s32 $0x540, s25;
	s5 =	sadd.s32 $0x600, s25;
	s2 =	sadd.s32 $0x740, s25  }
0xfd: {  	s8 =	sadd.s32 $0x400, s25;
	s9 =	sadd.s32 $0x500, s25;
	(v2sf) =	vpush v0, $0x8  }
0xfe: {  	s10 =	sadd.s32 $0x580, s25;
	s26 =	sadd.s32 $0x10, s26  }
0xff: {  	s11 =	sadd.s32 $0x480, s25;
	s13 =	sadd.s32 $0x680, s25;
	s6 =	spop (v2sf);
	(v2sf) =	vpush v0, $0x9  }
0x100: {  	s14 =	sand.u32 $0x1FFFFFF8, s6;
	s6 =	sadd.s32 $0x640, s25;
	s15 =	spop (v2sf)  }
0x101: {  	s14 =	sadd.s32 s4, s14;
	s15 =	sand.u32 $0x1FFFFFF8, s15;
	s16 =	spop (v2sf);
	(v2sf) =	vpush v0, $0xA  }
0x102: {  	[tilespmem:s8], [sflag:$0x1] =	stream.linear.gather [hbm4b:s14+s1], $0x40, $0x38;
	[tilespmem:$0x8400] =	vst v63  }
0x103: {  	s8 =	sadd.s32 s4, s15;
	s14 =	sadd.s32 $0x4C0, s25;
	s15 =	spop (v2sf);
	(v2sf) =	vpush v0, $0xB  }
0x104: {  	[tilespmem:s7], [sflag:$0x2] =	stream.linear.gather [hbm4b:s8+s1], $0x40, $0x38;
	[tilespmem:$0x8400] =	vst v63  }
0x105: {  	s7 =	sand.u32 $0x1FFFFFF8, s16;
	s8 =	sand.u32 $0x1FFFFFF8, s15;
	s15 =	spop (v2sf);
	(v2sf) =	vpush v0, $0xC  }
0x106: {  	s7 =	sadd.s32 s4, s7;
	s15 =	sand.u32 $0x1FFFFFF8, s15;
	s16 =	spop (v2sf)  }
0x107: {  	[tilespmem:s11], [sflag:$0x3] =	stream.linear.gather [hbm4b:s7+s1], $0x40, $0x38;
	(v2sf) =	vpush v0, $0xD;
	[tilespmem:$0x8400] =	vst v63  }
0x108: {  	s7 =	sadd.s32 s4, s15;
	s11 =	sand.u32 $0x1FFFFFF8, s16;
	s15 =	spop (v2sf)  }
0x109: {  	[tilespmem:s14], [sflag:$0x4] =	stream.linear.gather [hbm4b:s7+s1], $0x40, $0x38;
	(v2sf) =	vpush v0, $0xE;
	[tilespmem:$0x8400] =	vst v63  }
0x10a: {  	s7 =	sadd.s32 s4, s8;
	s8 =	sand.u32 $0x1FFFFFF8, s15;
	s14 =	spop (v2sf)  }
0x10b: {  	[tilespmem:s9], [sflag:$0x1] =	stream.linear.gather [hbm4b:s7+s1], $0x40, $0x38;
	(v2sf) =	vpush v0, $0xF;
	[tilespmem:$0x8400] =	vst v63  }
0x10c: {  	s7 =	sadd.s32 s4, s11;
	s9 =	sand.u32 $0x1FFFFFF8, s14;
	s11 =	spop (v2sf)  }
0x10d: {  	[tilespmem:s23], [sflag:$0x2] =	stream.linear.gather [hbm4b:s7+s1], $0x40, $0x38;
	[tilespmem:$0x8400] =	vst v63  }
0x10e: {  	s7 =	sadd.s32 s4, s8;
	s8 =	sand.u32 $0x1FFFFFF8, s11;
	s11 =	spop (v2sf)  }
0x10f: {  	[tilespmem:s10], [sflag:$0x3] =	stream.linear.gather [hbm4b:s7+s1], $0x40, $0x38;
	[tilespmem:$0x8400] =	vst v63  }
0x110: {  	s7 =	sadd.s32 s4, s9;
	s9 =	sand.u32 $0x1FFFFFF8, s11;
	s10 =	spop (v2sf)  }
0x111: {  	[tilespmem:s18], [sflag:$0x4] =	stream.linear.gather [hbm4b:s7+s1], $0x40, $0x38;
	[tilespmem:$0x8400] =	vst v63  }
0x112: {  	s7 =	sadd.s32 s4, s8;
	s8 =	sand.u32 $0x1FFFFFF8, s10;
	s10 =	spop (v2sf)  }
0x113: {  	[tilespmem:s5], [sflag:$0x1] =	stream.linear.gather [hbm4b:s7+s1], $0x40, $0x38;
	[tilespmem:$0x8400] =	vst v63  }
0x114: {  	s5 =	sadd.s32 s4, s9;
	s7 =	sand.u32 $0x1FFFFFF8, s10;
	s9 =	spop (v2sf)  }
0x115: {  	[tilespmem:s6], [sflag:$0x2] =	stream.linear.gather [hbm4b:s5+s1], $0x40, $0x38;
	[tilespmem:$0x8400] =	vst v63  }
0x116: {  	s5 =	sadd.s32 s4, s8;
	s6 =	sand.u32 $0x1FFFFFF8, s9;
	s8 =	spop (v2sf)  }
0x117: {  	[tilespmem:s13], [sflag:$0x3] =	stream.linear.gather [hbm4b:s5+s1], $0x40, $0x38;
	[tilespmem:$0x8400] =	vst v63  }
0x118: {  	s5 =	sadd.s32 s4, s7;
	s7 =	sand.u32 $0x1FFFFFF8, s8;
	s8 =	spop (v2sf)  }
0x119: {  	[tilespmem:s30], [sflag:$0x4] =	stream.linear.gather [hbm4b:s5+s1], $0x40, $0x38;
	[tilespmem:$0x8400] =	vst v63  }
0x11a: {  	s5 =	sadd.s32 s4, s6;
	s6 =	sand.u32 $0x1FFFFFF8, s8;
	s8 =	spop (v2sf)  }
0x11b: {  	[tilespmem:s0], [sflag:$0x1] =	stream.linear.gather [hbm4b:s5+s1], $0x40, $0x38;
	[tilespmem:$0x8400] =	vst v63  }
0x11c: {  	s0 =	sadd.s32 s4, s7;
	s5 =	sand.u32 $0x1FFFFFF8, s8  }
0x11d: {  	[tilespmem:s2], [sflag:$0x2] =	stream.linear.gather [hbm4b:s0+s1], $0x40, $0x38;
	[tilespmem:$0x8400] =	vst v63  }
0x11e: {  	s0 =	sadd.s32 $0x780, s25;
	s2 =	sadd.s32 s4, s6  }
0x11f: {  	[tilespmem:s0], [sflag:$0x3] =	stream.linear.gather [hbm4b:s2+s1], $0x40, $0x38;
	[tilespmem:$0x8400] =	vst v63  }
0x120: {  	s0 =	sadd.s32 $0x7C0, s25;
	s2 =	sadd.s32 s4, s5  }
0x121: {  	[tilespmem:s0], [sflag:$0x4] =	stream.linear.gather [hbm4b:s2+s1], $0x40, $0x38;
	[tilespmem:$0x8400] =	vst v63  }
0x122: {  	v0 =	vld [tilespmem:s26+$0x0];
	_ =	sdelay $0x4  }
0x123: {  	v0 =	vshll.u32 v0, $0x3  }
0x124: {  	(v2sf) =	vpush v0, $0x0  }
0x125: {  	(v2sf) =	vpush v0, $0x1  }
0x126: {  	(v2sf) =	vpush v0, $0x2;
	_ =	sdelay $0x1  }
0x127: {  	(v2sf) =	vpush v0, $0x4  }
.Ltmp2:
0x128: {  	(pc) =	sbr.rel @p0 .LBB2_6-.Ltmp2, $3  }
0x129: {  	(v2sf) =	vpush v0, $0x3  }
0x12a: {  	(v2sf) =	vpush v0, $0x5;
	_ =	sdelay $0x1  }
0x12b: {  	s25 =	sshra.s32 s29, $0x2;
	(v2sf) =	vpush v0, $0x6  }
0x12c: {  	_ =	sdelay $0x1  }
0x12d: {  	s6 =	sadd.s32 $0x440, s25;
	s5 =	sadd.s32 $0x6C0, s25  }
0x12e: {  	s7 =	sadd.s32 $0x5C0, s25;
	s0 =	sadd.s32 $0x700, s25;
	(v2sf) =	vpush v0, $0x7;
	s8 =	sadd.s32 $0x540, s25  }
0x12f: {  	s9 =	sadd.s32 $0x600, s25;
	s2 =	sadd.s32 $0x740, s25;
	s10 =	sadd.s32 $0x400, s25  }
0x130: {  	s11 =	sadd.s32 $0x500, s25;
	s13 =	sadd.s32 $0x580, s25;
	(v2sf) =	vpush v0, $0x8;
	s14 =	spop (v2sf)  }
0x131: {  	s15 =	sadd.s32 $0x480, s25;
	s14 =	sand.u32 $0x1FFFFFF8, s14;
	s16 =	spop (v2sf)  }
0x132: {  	(v2sf) =	vpush v0, $0x9;
	s14 =	sadd.s32 s4, s14;
	s16 =	sand.u32 $0x1FFFFFF8, s16;
	s18 =	spop (v2sf)  }
0x133: {  	[tilespmem:s10], [sflag:$0x1] =	stream.linear.gather [hbm4b:s14+s1], $0x40, $0x38;
	[tilespmem:$0x8400] =	vst v63  }
0x134: {  	s23 =	sadd.s32 $0x4C0, s25;
	(v2sf) =	vpush v0, $0xA;
	s29 =	sadd.s32 s4, s16;
	s30 =	spop (v2sf)  }
0x135: {  	[tilespmem:s6], [sflag:$0x2] =	stream.linear.gather [hbm4b:s29+s1], $0x40, $0x38;
	[tilespmem:$0x8400] =	vst v63  }
0x136: {  	s10 =	sadd.s32 $0x680, s25;
	s18 =	sand.u32 $0x1FFFFFF8, s18;
	(v2sf) =	vpush v0, $0xB;
	s26 =	spop (v2sf)  }
0x137: {  	s14 =	sadd.s32 s4, s18;
	s6 =	sadd.s32 $0x640, s25;
	s18 =	sand.u32 $0x1FFFFFF8, s26  }
0x138: {  	(v2sf) =	vpush v0, $0xC;
	[tilespmem:s15], [sflag:$0x3] =	stream.linear.gather [hbm4b:s14+s1], $0x40, $0x38;
	[tilespmem:$0x8400] =	vst v63  }
0x139: {  	s29 =	sand.u32 $0x1FFFFFF8, s30;
	s30 =	spop (v2sf);
	s18 =	sadd.s32 s4, s18  }
0x13a: {  	(v2sf) =	vpush v0, $0xD;
	[tilespmem:s23], [sflag:$0x4] =	stream.linear.gather [hbm4b:s18+s1], $0x40, $0x38;
	[tilespmem:$0x8400] =	vst v63  }
0x13b: {  	s14 =	sadd.s32 s4, s29;
	s15 =	sand.u32 $0x1FFFFFF8, s30;
	s23 =	spop (v2sf)  }
0x13c: {  	(v2sf) =	vpush v0, $0xE;
	[tilespmem:s11], [sflag:$0x1] =	stream.linear.gather [hbm4b:s14+s1], $0x40, $0x38;
	[tilespmem:$0x8400] =	vst v63  }
0x13d: {  	s15 =	sadd.s32 s4, s15;
	s26 =	sand.u32 $0x1FFFFFF8, s23;
	s29 =	spop (v2sf)  }
0x13e: {  	(v2sf) =	vpush v0, $0xF;
	[tilespmem:s8], [sflag:$0x2] =	stream.linear.gather [hbm4b:s15+s1], $0x40, $0x38;
	[tilespmem:$0x8400] =	vst v63  }
0x13f: {  	s30 =	sand.u32 $0x1FFFFFF8, s29;
	s11 =	sadd.s32 s4, s26;
	s15 =	spop (v2sf)  }
0x140: {  	[tilespmem:s13], [sflag:$0x3] =	stream.linear.gather [hbm4b:s11+s1], $0x40, $0x38;
	[tilespmem:$0x8400] =	vst v63  }
0x141: {  	s8 =	sadd.s32 s4, s30;
	s16 =	sand.u32 $0x1FFFFFF8, s15;
	s18 =	spop (v2sf)  }
0x142: {  	[tilespmem:s7], [sflag:$0x4] =	stream.linear.gather [hbm4b:s8+s1], $0x40, $0x38;
	[tilespmem:$0x8400] =	vst v63  }
0x143: {  	s11 =	sadd.s32 s4, s16;
	s23 =	sand.u32 $0x1FFFFFF8, s18;
	s26 =	spop (v2sf)  }
0x144: {  	[tilespmem:s9], [sflag:$0x1] =	stream.linear.gather [hbm4b:s11+s1], $0x40, $0x38;
	[tilespmem:$0x8400] =	vst v63  }
0x145: {  	s8 =	sand.u32 $0x1FFFFFF8, s26;
	s7 =	sadd.s32 s4, s23;
	s29 =	spop (v2sf)  }
0x146: {  	[tilespmem:s6], [sflag:$0x2] =	stream.linear.gather [hbm4b:s7+s1], $0x40, $0x38;
	[tilespmem:$0x8400] =	vst v63  }
0x147: {  	s8 =	sadd.s32 s4, s8;
	s30 =	sand.u32 $0x1FFFFFF8, s29;
	s9 =	spop (v2sf)  }
0x148: {  	[tilespmem:s10], [sflag:$0x3] =	stream.linear.gather [hbm4b:s8+s1], $0x40, $0x38;
	[tilespmem:$0x8400] =	vst v63  }
0x149: {  	s6 =	sadd.s32 s4, s30;
	s7 =	sand.u32 $0x1FFFFFF8, s9;
	s11 =	spop (v2sf)  }
0x14a: {  	[tilespmem:s5], [sflag:$0x4] =	stream.linear.gather [hbm4b:s6+s1], $0x40, $0x38;
	[tilespmem:$0x8400] =	vst v63  }
0x14b: {  	s13 =	sand.u32 $0x1FFFFFF8, s11;
	s7 =	sadd.s32 s4, s7;
	s14 =	spop (v2sf)  }
0x14c: {  	[tilespmem:s0], [sflag:$0x1] =	stream.linear.gather [hbm4b:s7+s1], $0x40, $0x38;
	[tilespmem:$0x8400] =	vst v63  }
0x14d: {  	s15 =	sand.u32 $0x1FFFFFF8, s14;
	s16 =	spop (v2sf);
	s5 =	sadd.s32 s4, s13  }
0x14e: {  	[tilespmem:s2], [sflag:$0x2] =	stream.linear.gather [hbm4b:s5+s1], $0x40, $0x38;
	[tilespmem:$0x8400] =	vst v63  }
0x14f: {  	s23 =	sadd.s32 $0x780, s25;
	s18 =	sand.u32 $0x1FFFFFF8, s16;
	s0 =	sadd.s32 s4, s15  }
0x150: {  	[tilespmem:s23], [sflag:$0x3] =	stream.linear.gather [hbm4b:s0+s1], $0x40, $0x38;
	[tilespmem:$0x8400] =	vst v63  }
0x151: {  	s25 =	sadd.s32 $0x7C0, s25;
	s2 =	sadd.s32 s4, s18  }
0x152: {  	[tilespmem:s25], [sflag:$0x4] =	stream.linear.gather [hbm4b:s2+s1], $0x40, $0x38;
	[tilespmem:$0x8400] =	vst v63  }
0x153: {  	_ =	swait.ge [sflag:s19], $0x1000  }
0x154: {  	[sflag:s19] =	ssyncset.done $0x0  }
0x155: {  	[sflag:s19] =	ssyncadd.s32 $0xFFFFF000  }
0x156: {  	_ =	swait.ge [sflag:s20], $0x1000  }
0x157: {  	[sflag:s20] =	ssyncset.done $0x0  }
0x158: {  	[sflag:s20] =	ssyncadd.s32 $0xFFFFF000  }
0x159: {  	_ =	swait.ge [sflag:s21], $0x1000  }
0x15a: {  	[sflag:s21] =	ssyncset.done $0x0  }
0x15b: {  	[sflag:s21] =	ssyncadd.s32 $0xFFFFF000  }
0x15c: {  	_ =	swait.ge [sflag:s22], $0x1000  }
0x15d: {  	s26 =	simm.s32 $0x0;
	[sflag:s22] =	ssyncset.done $0x0  }
0x15e: {  	s30 =	simm.s32 $0x4400;
	s29 =	rddreg [dreg:$0x7];
	[sflag:s22] =	ssyncadd.s32 $0xFFFFF000  }
0x15f: {  	[hbm4b:s29+s26] =	stream.linear.scatter [tilespmem:s30], [sflag:$0x9], $0x4000, $0x38;
	[tilespmem:$0x8400] =	vst v63  }
0x160: {  	_ =	swait.ge [sflag:s12], $0x4000  }
0x161: {  	[sflag:s12] =	ssyncset.done $0x0  }
0x162: {  	s26 =	simm.s32 $0x300;
	[sflag:s12] =	ssyncadd.s32 $0xFFFFC000  }
0x163: {  	v0 =	vld [tilespmem:s26+$0x0];
	_ =	sdelay $0x4  }
0x164: {  	v0 =	vshll.u32 v0, $0x3  }
0x165: {  	(v2sf) =	vpush v0, $0x0  }
0x166: {  	(v2sf) =	vpush v0, $0x1  }
0x167: {  	(v2sf) =	vpush v0, $0x2;
	_ =	sdelay $0x1  }
0x168: {  	(v2sf) =	vpush v0, $0x4;
	_ =	sdelay $0x1  }
0x169: {  	(v2sf) =	vpush v0, $0x3  }
0x16a: {  	(v2sf) =	vpush v0, $0x5  }
0x16b: {  	s28 =	simm.s32 $0x1000;
	s25 =	simm.s32 $0x0;
	(v2sf) =	vpush v0, $0x6  }
.LBB2_8:
0x16c: {  	p0 =	sne.s32 s28, $0xF000  }
0x16d: {  	s7 =	sadd.s32 $0x4440, s25;
	s30 =	sadd.s32 $0x46C0, s25;
	s29 =	smov.u32 s28  }
0x16e: {  	s28 =	sadd.s32 $0x1000, s28;
	s18 =	sadd.s32 $0x45C0, s25;
	s0 =	sadd.s32 $0x4700, s25;
	(v2sf) =	vpush v0, $0x7  }
0x16f: {  	s23 =	sadd.s32 $0x4540, s25;
	s5 =	sadd.s32 $0x4600, s25;
	s2 =	sadd.s32 $0x4740, s25  }
0x170: {  	s8 =	sadd.s32 $0x4400, s25;
	s9 =	sadd.s32 $0x4500, s25;
	(v2sf) =	vpush v0, $0x8  }
0x171: {  	s10 =	sadd.s32 $0x4580, s25;
	s26 =	sadd.s32 $0x10, s26  }
0x172: {  	s11 =	sadd.s32 $0x4480, s25;
	s13 =	sadd.s32 $0x4680, s25;
	s6 =	spop (v2sf);
	(v2sf) =	vpush v0, $0x9  }
0x173: {  	s14 =	sand.u32 $0x1FFFFFF8, s6;
	s6 =	sadd.s32 $0x4640, s25;
	s15 =	spop (v2sf)  }
0x174: {  	s14 =	sadd.s32 s4, s14;
	s15 =	sand.u32 $0x1FFFFFF8, s15;
	s16 =	spop (v2sf);
	(v2sf) =	vpush v0, $0xA  }
0x175: {  	[tilespmem:s8], [sflag:$0x5] =	stream.linear.gather [hbm4b:s14+s1], $0x40, $0x38;
	[tilespmem:$0x8400] =	vst v63  }
0x176: {  	s8 =	sadd.s32 s4, s15;
	s14 =	sadd.s32 $0x44C0, s25;
	s15 =	spop (v2sf);
	(v2sf) =	vpush v0, $0xB  }
0x177: {  	[tilespmem:s7], [sflag:$0x6] =	stream.linear.gather [hbm4b:s8+s1], $0x40, $0x38;
	[tilespmem:$0x8400] =	vst v63  }
0x178: {  	s7 =	sand.u32 $0x1FFFFFF8, s16;
	s8 =	sand.u32 $0x1FFFFFF8, s15;
	s15 =	spop (v2sf);
	(v2sf) =	vpush v0, $0xC  }
0x179: {  	s7 =	sadd.s32 s4, s7;
	s15 =	sand.u32 $0x1FFFFFF8, s15;
	s16 =	spop (v2sf)  }
0x17a: {  	[tilespmem:s11], [sflag:$0x7] =	stream.linear.gather [hbm4b:s7+s1], $0x40, $0x38;
	(v2sf) =	vpush v0, $0xD;
	[tilespmem:$0x8400] =	vst v63  }
0x17b: {  	s7 =	sadd.s32 s4, s15;
	s11 =	sand.u32 $0x1FFFFFF8, s16;
	s15 =	spop (v2sf)  }
0x17c: {  	[tilespmem:s14], [sflag:$0x8] =	stream.linear.gather [hbm4b:s7+s1], $0x40, $0x38;
	(v2sf) =	vpush v0, $0xE;
	[tilespmem:$0x8400] =	vst v63  }
0x17d: {  	s7 =	sadd.s32 s4, s8;
	s8 =	sand.u32 $0x1FFFFFF8, s15;
	s14 =	spop (v2sf)  }
0x17e: {  	[tilespmem:s9], [sflag:$0x5] =	stream.linear.gather [hbm4b:s7+s1], $0x40, $0x38;
	(v2sf) =	vpush v0, $0xF;
	[tilespmem:$0x8400] =	vst v63  }
0x17f: {  	s7 =	sadd.s32 s4, s11;
	s9 =	sand.u32 $0x1FFFFFF8, s14;
	s11 =	spop (v2sf)  }
0x180: {  	[tilespmem:s23], [sflag:$0x6] =	stream.linear.gather [hbm4b:s7+s1], $0x40, $0x38;
	[tilespmem:$0x8400] =	vst v63  }
0x181: {  	s7 =	sadd.s32 s4, s8;
	s8 =	sand.u32 $0x1FFFFFF8, s11;
	s11 =	spop (v2sf)  }
0x182: {  	[tilespmem:s10], [sflag:$0x7] =	stream.linear.gather [hbm4b:s7+s1], $0x40, $0x38;
	[tilespmem:$0x8400] =	vst v63  }
0x183: {  	s7 =	sadd.s32 s4, s9;
	s9 =	sand.u32 $0x1FFFFFF8, s11;
	s10 =	spop (v2sf)  }
0x184: {  	[tilespmem:s18], [sflag:$0x8] =	stream.linear.gather [hbm4b:s7+s1], $0x40, $0x38;
	[tilespmem:$0x8400] =	vst v63  }
0x185: {  	s7 =	sadd.s32 s4, s8;
	s8 =	sand.u32 $0x1FFFFFF8, s10;
	s10 =	spop (v2sf)  }
0x186: {  	[tilespmem:s5], [sflag:$0x5] =	stream.linear.gather [hbm4b:s7+s1], $0x40, $0x38;
	[tilespmem:$0x8400] =	vst v63  }
0x187: {  	s5 =	sadd.s32 s4, s9;
	s7 =	sand.u32 $0x1FFFFFF8, s10;
	s9 =	spop (v2sf)  }
0x188: {  	[tilespmem:s6], [sflag:$0x6] =	stream.linear.gather [hbm4b:s5+s1], $0x40, $0x38;
	[tilespmem:$0x8400] =	vst v63  }
0x189: {  	s5 =	sadd.s32 s4, s8;
	s6 =	sand.u32 $0x1FFFFFF8, s9;
	s8 =	spop (v2sf)  }
0x18a: {  	[tilespmem:s13], [sflag:$0x7] =	stream.linear.gather [hbm4b:s5+s1], $0x40, $0x38;
	[tilespmem:$0x8400] =	vst v63  }
0x18b: {  	s5 =	sadd.s32 s4, s7;
	s7 =	sand.u32 $0x1FFFFFF8, s8;
	s8 =	spop (v2sf)  }
0x18c: {  	[tilespmem:s30], [sflag:$0x8] =	stream.linear.gather [hbm4b:s5+s1], $0x40, $0x38;
	[tilespmem:$0x8400] =	vst v63  }
0x18d: {  	s5 =	sadd.s32 s4, s6;
	s6 =	sand.u32 $0x1FFFFFF8, s8;
	s8 =	spop (v2sf)  }
0x18e: {  	[tilespmem:s0], [sflag:$0x5] =	stream.linear.gather [hbm4b:s5+s1], $0x40, $0x38;
	[tilespmem:$0x8400] =	vst v63  }
0x18f: {  	s0 =	sadd.s32 s4, s7;
	s5 =	sand.u32 $0x1FFFFFF8, s8  }
0x190: {  	[tilespmem:s2], [sflag:$0x6] =	stream.linear.gather [hbm4b:s0+s1], $0x40, $0x38;
	[tilespmem:$0x8400] =	vst v63  }
0x191: {  	s0 =	sadd.s32 $0x4780, s25;
	s2 =	sadd.s32 s4, s6  }
0x192: {  	[tilespmem:s0], [sflag:$0x7] =	stream.linear.gather [hbm4b:s2+s1], $0x40, $0x38;
	[tilespmem:$0x8400] =	vst v63  }
0x193: {  	s0 =	sadd.s32 $0x47C0, s25;
	s2 =	sadd.s32 s4, s5  }
0x194: {  	[tilespmem:s0], [sflag:$0x8] =	stream.linear.gather [hbm4b:s2+s1], $0x40, $0x38;
	[tilespmem:$0x8400] =	vst v63  }
0x195: {  	v0 =	vld [tilespmem:s26+$0x0];
	_ =	sdelay $0x4  }
0x196: {  	v0 =	vshll.u32 v0, $0x3  }
0x197: {  	(v2sf) =	vpush v0, $0x0  }
0x198: {  	(v2sf) =	vpush v0, $0x1  }
0x199: {  	(v2sf) =	vpush v0, $0x2;
	_ =	sdelay $0x1  }
0x19a: {  	(v2sf) =	vpush v0, $0x4  }
.Ltmp3:
0x19b: {  	(pc) =	sbr.rel @p0 .LBB2_8-.Ltmp3, $3  }
0x19c: {  	(v2sf) =	vpush v0, $0x3  }
0x19d: {  	(v2sf) =	vpush v0, $0x5;
	_ =	sdelay $0x1  }
0x19e: {  	s25 =	sshra.s32 s29, $0x2;
	(v2sf) =	vpush v0, $0x6  }
0x19f: {  	_ =	sdelay $0x5  }
0x1a0: {  	s0 =	spop (v2sf)  }
0x1a1: {  	s2 =	spop (v2sf)  }
0x1a2: {  	s30 =	spop (v2sf)  }
0x1a3: {  	s7 =	spop (v2sf);
	(v2sf) =	vpush v0, $0x7  }
0x1a4: {  	s0 =	sand.u32 $0x1FFFFFF8, s0  }
0x1a5: {  	s5 =	sadd.s32 $0x4400, s25;
	s0 =	sadd.s32 s4, s0  }
0x1a6: {  	[tilespmem:s5], [sflag:$0x5] =	stream.linear.gather [hbm4b:s0+s1], $0x40, $0x38;
	[tilespmem:$0x8400] =	vst v63  }
0x1a7: {  	s2 =	sand.u32 $0x1FFFFFF8, s2;
	s8 =	spop (v2sf);
	(v2sf) =	vpush v0, $0x8  }
0x1a8: {  	s29 =	sadd.s32 $0x4440, s25;
	s2 =	sadd.s32 s4, s2  }
0x1a9: {  	[tilespmem:s29], [sflag:$0x6] =	stream.linear.gather [hbm4b:s2+s1], $0x40, $0x38;
	[tilespmem:$0x8400] =	vst v63  }
0x1aa: {  	s5 =	sand.u32 $0x1FFFFFF8, s30;
	s13 =	spop (v2sf);
	(v2sf) =	vpush v0, $0x9  }
0x1ab: {  	s6 =	sadd.s32 $0x4480, s25;
	s0 =	sadd.s32 s4, s5  }
0x1ac: {  	[tilespmem:s6], [sflag:$0x7] =	stream.linear.gather [hbm4b:s0+s1], $0x40, $0x38;
	[tilespmem:$0x8400] =	vst v63  }
0x1ad: {  	s0 =	sand.u32 $0x1FFFFFF8, s8;
	s15 =	spop (v2sf);
	(v2sf) =	vpush v0, $0xA  }
0x1ae: {  	s9 =	sadd.s32 $0x44C0, s25;
	s10 =	sand.u32 $0x1FFFFFF8, s7;
	s0 =	sadd.s32 s4, s0  }
0x1af: {  	[tilespmem:s9], [sflag:$0x8] =	stream.linear.gather [hbm4b:s0+s1], $0x40, $0x38;
	[tilespmem:$0x8400] =	vst v63  }
0x1b0: {  	s11 =	sadd.s32 $0x4500, s25;
	s0 =	sadd.s32 s4, s10  }
0x1b1: {  	[tilespmem:s11], [sflag:$0x5] =	stream.linear.gather [hbm4b:s0+s1], $0x40, $0x38;
	[tilespmem:$0x8400] =	vst v63  }
0x1b2: {  	s0 =	sand.u32 $0x1FFFFFF8, s13;
	s18 =	spop (v2sf);
	(v2sf) =	vpush v0, $0xB  }
0x1b3: {  	s14 =	sadd.s32 $0x4540, s25;
	s0 =	sadd.s32 s4, s0  }
0x1b4: {  	[tilespmem:s14], [sflag:$0x6] =	stream.linear.gather [hbm4b:s0+s1], $0x40, $0x38;
	[tilespmem:$0x8400] =	vst v63  }
0x1b5: {  	s0 =	sand.u32 $0x1FFFFFF8, s15  }
0x1b6: {  	s16 =	sadd.s32 $0x4580, s25;
	s0 =	sadd.s32 s4, s0;
	s26 =	spop (v2sf);
	(v2sf) =	vpush v0, $0xC  }
0x1b7: {  	[tilespmem:s16], [sflag:$0x7] =	stream.linear.gather [hbm4b:s0+s1], $0x40, $0x38;
	[tilespmem:$0x8400] =	vst v63  }
0x1b8: {  	s0 =	sand.u32 $0x1FFFFFF8, s18  }
0x1b9: {  	s23 =	sadd.s32 $0x45C0, s25;
	s0 =	sadd.s32 s4, s0;
	s29 =	spop (v2sf);
	(v2sf) =	vpush v0, $0xD  }
0x1ba: {  	[tilespmem:s23], [sflag:$0x8] =	stream.linear.gather [hbm4b:s0+s1], $0x40, $0x38;
	[tilespmem:$0x8400] =	vst v63  }
0x1bb: {  	s0 =	sand.u32 $0x1FFFFFF8, s26  }
0x1bc: {  	s28 =	sadd.s32 $0x4600, s25;
	s0 =	sadd.s32 s4, s0;
	s5 =	spop (v2sf);
	(v2sf) =	vpush v0, $0xE  }
0x1bd: {  	[tilespmem:s28], [sflag:$0x5] =	stream.linear.gather [hbm4b:s0+s1], $0x40, $0x38;
	[tilespmem:$0x8400] =	vst v63  }
0x1be: {  	s0 =	sand.u32 $0x1FFFFFF8, s29  }
0x1bf: {  	s30 =	sadd.s32 $0x4640, s25;
	s0 =	sadd.s32 s4, s0  }
0x1c0: {  	[tilespmem:s30], [sflag:$0x6] =	stream.linear.gather [hbm4b:s0+s1], $0x40, $0x38;
	[tilespmem:$0x8400] =	vst v63  }
0x1c1: {  	s0 =	sand.u32 $0x1FFFFFF8, s5;
	s7 =	spop (v2sf);
	(v2sf) =	vpush v0, $0xF  }
0x1c2: {  	s6 =	sadd.s32 $0x4680, s25;
	s0 =	sadd.s32 s4, s0  }
0x1c3: {  	[tilespmem:s6], [sflag:$0x7] =	stream.linear.gather [hbm4b:s0+s1], $0x40, $0x38;
	[tilespmem:$0x8400] =	vst v63  }
0x1c4: {  	s0 =	sand.u32 $0x1FFFFFF8, s7  }
0x1c5: {  	s8 =	sadd.s32 $0x46C0, s25;
	s0 =	sadd.s32 s4, s0;
	s9 =	spop (v2sf)  }
0x1c6: {  	[tilespmem:s8], [sflag:$0x8] =	stream.linear.gather [hbm4b:s0+s1], $0x40, $0x38;
	[tilespmem:$0x8400] =	vst v63  }
0x1c7: {  	s0 =	sand.u32 $0x1FFFFFF8, s9  }
0x1c8: {  	s10 =	sadd.s32 $0x4700, s25;
	s11 =	spop (v2sf);
	s0 =	sadd.s32 s4, s0  }
0x1c9: {  	[tilespmem:s10], [sflag:$0x5] =	stream.linear.gather [hbm4b:s0+s1], $0x40, $0x38;
	[tilespmem:$0x8400] =	vst v63  }
0x1ca: {  	s0 =	sand.u32 $0x1FFFFFF8, s11  }
0x1cb: {  	s13 =	sadd.s32 $0x4740, s25;
	s14 =	spop (v2sf);
	s0 =	sadd.s32 s4, s0  }
0x1cc: {  	[tilespmem:s13], [sflag:$0x6] =	stream.linear.gather [hbm4b:s0+s1], $0x40, $0x38;
	[tilespmem:$0x8400] =	vst v63  }
0x1cd: {  	s0 =	sand.u32 $0x1FFFFFF8, s14  }
0x1ce: {  	s15 =	sadd.s32 $0x4780, s25;
	s0 =	sadd.s32 s4, s0  }
0x1cf: {  	[tilespmem:s15], [sflag:$0x7] =	stream.linear.gather [hbm4b:s0+s1], $0x40, $0x38;
	[tilespmem:$0x8400] =	vst v63  }
0x1d0: {  	s16 =	spop (v2sf)  }
0x1d1: {  	s0 =	sand.u32 $0x1FFFFFF8, s16  }
0x1d2: {  	s18 =	sadd.s32 $0x47C0, s25;
	s0 =	sadd.s32 s4, s0  }
0x1d3: {  	[tilespmem:s18], [sflag:$0x8] =	stream.linear.gather [hbm4b:s0+s1], $0x40, $0x38;
	[tilespmem:$0x8400] =	vst v63  }
0x1d4: {  	_ =	swait.ge [sflag:s31], $0x1000  }
0x1d5: {  	[sflag:s31] =	ssyncset.done $0x0  }
0x1d6: {  	s23 =	simm.s32 $0x2;
	[sflag:s31] =	ssyncadd.s32 $0xFFFFF000  }
0x1d7: {  	_ =	swait.ge [sflag:s23], $0x1000  }
0x1d8: {  	[sflag:s23] =	ssyncset.done $0x0  }
0x1d9: {  	s25 =	simm.s32 $0x3;
	[sflag:s23] =	ssyncadd.s32 $0xFFFFF000  }
0x1da: {  	_ =	swait.ge [sflag:s25], $0x1000  }
0x1db: {  	[sflag:s25] =	ssyncset.done $0x0  }
0x1dc: {  	[sflag:s25] =	ssyncadd.s32 $0xFFFFF000  }
0x1dd: {  	_ =	swait.ge [sflag:s17], $0x1000  }
0x1de: {  	[sflag:s17] =	ssyncset.done $0x0  }
0x1df: {  	s28 =	simm.s32 $0x400;
	s26 =	rddreg [dreg:$0x8];
	[sflag:s17] =	ssyncadd.s32 $0xFFFFF000  }
0x1e0: {  	[hbm4b:s26+s1] =	stream.linear.scatter [tilespmem:s28], [sflag:$0x9], $0x4000, $0x38;
	[tilespmem:$0x8400] =	vst v63  }
0x1e1: {  	_ =	swait.ge [sflag:s12], $0x4000  }
0x1e2: {  	[sflag:s12] =	ssyncset.done $0x0  }
0x1e3: {  	[sflag:s12] =	ssyncadd.s32 $0xFFFFC000  }
0x1e4: {  	_ =	swait.ge [sflag:s19], $0x1000  }
0x1e5: {  	[sflag:s19] =	ssyncset.done $0x0  }
0x1e6: {  	[sflag:s19] =	ssyncadd.s32 $0xFFFFF000  }
0x1e7: {  	_ =	swait.ge [sflag:s20], $0x1000  }
0x1e8: {  	[sflag:s20] =	ssyncset.done $0x0  }
0x1e9: {  	[sflag:s20] =	ssyncadd.s32 $0xFFFFF000  }
0x1ea: {  	_ =	swait.ge [sflag:s21], $0x1000  }
0x1eb: {  	[sflag:s21] =	ssyncset.done $0x0  }
0x1ec: {  	[sflag:s21] =	ssyncadd.s32 $0xFFFFF000  }
0x1ed: {  	_ =	swait.ge [sflag:s22], $0x1000  }
0x1ee: {  	[sflag:s22] =	ssyncset.done $0x0  }
0x1ef: {  	s30 =	simm.s32 $0x4400;
	s29 =	rddreg [dreg:$0x9];
	[sflag:s22] =	ssyncadd.s32 $0xFFFFF000  }
0x1f0: {  	[hbm4b:s29+s1] =	stream.linear.scatter [tilespmem:s30], [sflag:$0x9], $0x4000, $0x38;
	[tilespmem:$0x8400] =	vst v63  }
0x1f1: {  	_ =	swait.ge [sflag:s12], $0x4000  }
0x1f2: {  	s24 =	sadd.s32 $0x1, s24;
	s31 =	rddreg [dreg:$0xa]  }
0x1f3: {  	p0 =	sne.s32 s24, s31  }
.Ltmp4:
0x1f4: {  	_ = 	snop;
	(pc) =	sbr.rel @p0 .LBB2_1-.Ltmp4, $3  }
0x1f5: {  	_ =	sdelay $0x1  }
0x1f6: {  	[sflag:s12] =	ssyncset.done $0x0  }
0x1f7: {  	[sflag:s12] =	ssyncadd.s32 $0xFFFFC000  }
0x1f8: {  	_ =	sfence.sel $0x180000  }
0x1f9: {  	[bflag:$0x0] =	sbarrier.arrive $0xFFFF  }
0x1fa: {  	_ =	strace $0x90000047  }
0x1fb: {  	s0 =	stileid.u32;
	[bflag:$0x2] =	sbarrier.arrive $0xFFFF  }
0x1fc: {  	p0 =	sne.s32 s0, $0x0;
	s0 =	rddreg [dreg:$0x3]  }
0x1fd: {  	s0 =	sadd.s32 @!p0 $0x100000, s0  }
0x1fe: {  	[sflag:s0] =	ssyncadd.tile.s32 @!p0 $0x1;
	_ =	shalt  }
.Lfunc_end2:
_tile_overlayer_lowered:
.L_overlay_start_2:
0x1ff: {  	(tag) =	ssettag $0x2  }
0x200: {  	s0 =	rddreg [dreg:$0x0];
	s2 =	stileid.u32  }
0x201: {  	s1 =	rddreg [dreg:$0x1];
	p0 =	sne.s32 s2, $0x0  }
0x202: {  	s3 =	rddreg [dreg:$0x2];
	[bflag:$0x3] =	sbarrier.arrive $0xFFFF;
	s2 =	simm.s32 @!p0 $0x1C09  }
0x203: {  	[timem:s3], [sflag:s2] =	dma.local @!p0 [hbm:s0], s1  }
0x204: {  	s0 =	simm.s32 @!p0 $0x9  }
0x205: {  	_ =	swait.ge @!p0 [sflag:s0], s1  }
0x206: {  	s1 =	ssub.s32 @!p0 $0x0, s1;
	[sflag:s0] =	ssyncset.done @!p0 $0x0  }
0x207: {  	[sflag:s0] =	ssyncadd.s32 @!p0 s1  }
0x208: {  	[bflag:$0x3] =	sbarrier.arrive $0xFFFF  }
0x209: {  	_ =	shalt  }

</sc_bundles>
